<compile_context>
chip_gen: v7x
topology: tpu7x:2x2x1
jax: 0.10.2.dev20260603
libtpu: 0.0.44.dev20260713+nightly
codegen_flags: <defaults>
</compile_context>

<pallas_src>
import functools

import jax
import jax.numpy as jnp
from jax import lax
from jax.experimental import pallas as pl
from jax.experimental.pallas import tpu as pltpu
from jax.experimental.pallas import tpu_sc as plsc

_B, _L, _D = 64, 2048, 128
_N_NODES = _B * (2 * _L - 1)
_N_EDGES = 2 * _B * (2 * _L - 2)

_NTILES = 32
_NP = 262144
_RC = 128
_K1_RPT = _NP // _NTILES
_K1_CHUNKS = _K1_RPT // _RC

_W = 13112
_WALLOC = _W + 4
_G = 2 * _W
_PASSES = -(-_N_NODES // _G)
_AGG_ROWS = _PASSES * _G
_EP = 524288
_ESLICE = _EP // 16
_ECH = 2048
_NCH = _ESLICE // _ECH
_GC = 32
_CAP = 4608
_MAXC = (_CAP - 16) // 16 // 2 * 2
_OFTL = _MAXC - _ECH // 16 - 2
_TSTRIDE = -(-(_W // 16) // 8) * 8
_TLAST = _W - 15 * _TSTRIDE
assert 0 < _TLAST <= _TSTRIDE and _TLAST % 8 == 0 and _W % 8 == 0
_EXTRA = _TSTRIDE - _TLAST

_mesh = plsc.VectorSubcoreMesh(core_axis_name="c", subcore_axis_name="s")


@functools.partial(
    pl.kernel,
    out_type=jax.ShapeDtypeStruct((_NP, _D), jnp.float32),
    mesh=_mesh,
    scratch_types=[
        pltpu.VMEM((_RC,), jnp.int32),
        pltpu.VMEM((_RC,), jnp.int32),
        pltpu.VMEM((_RC,), jnp.int32),
        pltpu.VMEM((_RC,), jnp.int32),
        pltpu.VMEM((_RC, _D), jnp.float32),
        pltpu.VMEM((_RC, _D), jnp.float32),
        pltpu.VMEM((_RC, _D), jnp.float32),
        pltpu.VMEM((_RC, _D), jnp.float32),
        pltpu.SemaphoreType.DMA,
        pltpu.SemaphoreType.DMA,
        pltpu.SemaphoreType.DMA,
        pltpu.SemaphoreType.DMA,
        pltpu.SemaphoreType.DMA,
        pltpu.SemaphoreType.DMA,
    ],
)
def _build_v(x_hbm, l_hbm, r_hbm, v_hbm, lidx0, ridx0, lidx1, ridx1,
             xl0, xr0, xl1, xr1, isem0, isem1, gsem0, gsem1, wsem0, wsem1):
    c = lax.axis_index("c")
    s = lax.axis_index("s")
    base = (s * 2 + c) * _K1_RPT
    _NPAIR = _K1_CHUNKS // 2

    def start_idx(g, li, ri, sem):
        row0 = base + g * _RC
        pltpu.async_copy(l_hbm.at[pl.ds(row0, _RC)], li, sem)
        pltpu.async_copy(r_hbm.at[pl.ds(row0, _RC)], ri, sem)

    def wait_idx(li, ri, sem):
        pltpu.make_async_copy(l_hbm.at[pl.ds(0, _RC)], li, sem).wait()
        pltpu.make_async_copy(l_hbm.at[pl.ds(0, _RC)], ri, sem).wait()

    def start_g(li, ri, xl, xr, sem):
        pltpu.async_copy(x_hbm.at[li], xl, sem)
        pltpu.async_copy(x_hbm.at[ri], xr, sem)

    def wait_g(xl, xr, sem):
        pltpu.make_async_copy(x_hbm.at[pl.ds(0, _RC)], xl, sem).wait()
        pltpu.make_async_copy(x_hbm.at[pl.ds(0, _RC)], xr, sem).wait()

    def add_rows(xl, xr):
        def addrow(r, carry2):
            for j in range(_D // 16):
                sl = pl.ds(j * 16, 16)
                xl[r, sl] = xl[r, sl] + xr[r, sl]
            return carry2

        lax.fori_loop(0, _RC, addrow, 0)

    def start_write(g, xl, sem):
        pltpu.async_copy(xl, v_hbm.at[pl.ds(base + g * _RC, _RC)], sem)

    def wait_write(xl, sem):
        pltpu.make_async_copy(xl, v_hbm.at[pl.ds(0, _RC)], sem).wait()

    start_idx(0, lidx0, ridx0, isem0)
    wait_idx(lidx0, ridx0, isem0)
    start_g(lidx0, ridx0, xl0, xr0, gsem0)
    start_idx(1, lidx1, ridx1, isem1)

    def pair(i, carry):
        g0 = 2 * i
        g1 = 2 * i + 1
        wait_g(xl0, xr0, gsem0)

        @pl.when(i < _NPAIR - 1)
        def _():
            start_idx(g0 + 2, lidx0, ridx0, isem0)

        wait_idx(lidx1, ridx1, isem1)

        @pl.when(i > 0)
        def _():
            wait_write(xl1, wsem1)

        start_g(lidx1, ridx1, xl1, xr1, gsem1)
        add_rows(xl0, xr0)
        start_write(g0, xl0, wsem0)
        wait_g(xl1, xr1, gsem1)

        @pl.when(i < _NPAIR - 1)
        def _():
            start_idx(g1 + 2, lidx1, ridx1, isem1)
            wait_idx(lidx0, ridx0, isem0)
            wait_write(xl0, wsem0)
            start_g(lidx0, ridx0, xl0, xr0, gsem0)

        add_rows(xl1, xr1)
        start_write(g1, xl1, wsem1)
        return carry

    lax.fori_loop(0, _NPAIR, pair, 0)
    wait_write(xl0, wsem0)
    wait_write(xl1, wsem1)


@functools.partial(
    pl.kernel,
    out_type=jax.ShapeDtypeStruct((_AGG_ROWS, _D), jnp.float32),
    mesh=_mesh,
    scratch_types=[
        pltpu.VMEM((_ECH,), jnp.int32),
        pltpu.VMEM((_ECH,), jnp.int32),
        pltpu.VMEM((_ECH,), jnp.int32),
        pltpu.VMEM((_ECH,), jnp.int32),
        pltpu.VMEM((_CAP,), jnp.int32),
        pltpu.VMEM((_CAP,), jnp.int32),
        pltpu.VMEM((_GC, _D), jnp.float32),
        pltpu.VMEM((_GC, _D), jnp.float32),
        pltpu.VMEM((_GC,), jnp.int32),
        pltpu.VMEM((_GC,), jnp.int32),
        pltpu.VMEM_SHARED((_WALLOC, _D), jnp.float32),
        pltpu.SemaphoreType.DMA,
        pltpu.SemaphoreType.DMA,
        pltpu.SemaphoreType.DMA,
        pltpu.SemaphoreType.DMA,
        pltpu.SemaphoreType.DMA,
        pltpu.SemaphoreType.DMA,
    ],
    compiler_params=pltpu.CompilerParams(needs_layout_passes=False),
)
def _segsum(v_hbm, src_hbm, dst_hbm, z_hbm, agg_hbm,
            srcb0, dstb0, srcb1, dstb1, csrc, cldst, rows0, rows1,
            sidx0, sidx1, window, ssem0, ssem1, gsem0, gsem1,
            scsem0, scsem1):
    c = lax.axis_index("c")
    s = lax.axis_index("s")

    tpad = jnp.full((16,), _W, jnp.int32)
    lanes = lax.iota(jnp.int32, 16)
    trash = _CAP - 16 + lanes

    ebase = s * _ESLICE

    def start_stage(k, sb, db, sem):
        pltpu.async_copy(src_hbm.at[pl.ds(ebase + k * _ECH, _ECH)], sb, sem)
        pltpu.async_copy(dst_hbm.at[pl.ds(ebase + k * _ECH, _ECH)], db, sem)

    def wait_stage(sb, db, sem):
        pltpu.make_async_copy(src_hbm.at[pl.ds(0, _ECH)], sb, sem).wait()
        pltpu.make_async_copy(src_hbm.at[pl.ds(0, _ECH)], db, sem).wait()

    def start_gather(g, rows, sem):
        pltpu.async_copy(v_hbm.at[csrc.at[pl.ds(g * _GC, _GC)]], rows, sem)

    def wait_gather(rows, sem):
        pltpu.make_async_copy(v_hbm.at[pl.ds(0, _GC)], rows, sem).wait()

    def scatter(g, rows, sidx):
        for j in range(_GC // 16):
            sidx[pl.ds(j * 16, 16)] = cldst[pl.ds(g * _GC + j * 16, 16)]
        pltpu.sync_copy(rows, window.at[sidx], add=True)

    def start_scatter(g, rows, sidx, sem):
        for j in range(_GC // 16):
            sidx[pl.ds(j * 16, 16)] = cldst[pl.ds(g * _GC + j * 16, 16)]
        pltpu.async_copy(rows, window.at[sidx], sem, add=True)

    def wait_scatter(rows, sidx, sem):
        pltpu.make_async_copy(rows, window.at[sidx], sem).wait()

    def _fill(percnt):
        maxc = jnp.max(percnt)
        maxc = maxc + (maxc & 1)

        def fb(i, pc):
            mfill = pc < maxc
            pos = jnp.where(mfill, pc * 16 + lanes, trash)
            plsc.store_scatter(csrc, [pos], lanes)
            plsc.store_scatter(cldst, [pos], tpad)
            return pc + mfill.astype(jnp.int32)

        percnt = lax.fori_loop(0, maxc - jnp.min(percnt), fb, percnt)
        return percnt, maxc

    def _overflow_guard(percnt):
        def of(pc):
            pc, maxc = _fill(pc)

            def gs(g, carry2):
                start_gather(g, rows0, gsem0)
                wait_gather(rows0, gsem0)
                scatter(g, rows0, sidx0)
                return carry2

            lax.fori_loop(0, maxc * 16 // _GC, gs, 0)
            return jnp.zeros((16,), jnp.int32)

        return lax.cond(jnp.max(percnt) >= _OFTL, of, lambda pc: pc, percnt)

    def do_pass(p, carry):
        base = p * _G
        lo = base + c * _W

        pltpu.sync_copy(z_hbm.at[pl.ds(0, _TLAST)],
                        window.at[pl.ds(s * _TSTRIDE, _TLAST)])

        @pl.when(s < 15)
        def _():
            pltpu.sync_copy(z_hbm.at[pl.ds(0, _EXTRA)],
                            window.at[pl.ds(s * _TSTRIDE + _TLAST, _EXTRA)])

        plsc.subcore_barrier()

        def scan_chunk(sb, db, percnt):
            def scan(i, pc):
                d16 = db[pl.ds(i * 16, 16)]
                s16 = sb[pl.ds(i * 16, 16)]
                m = (d16 >= lo) & (d16 < lo + _W)
                pos = jnp.where(m, pc * 16 + lanes, trash)
                plsc.store_scatter(csrc, [pos], s16)
                plsc.store_scatter(cldst, [pos], d16 - lo)
                return pc + m.astype(jnp.int32)

            return lax.fori_loop(0, _ECH // 16, scan, percnt)

        start_stage(0, srcb0, dstb0, ssem0)
        pc0 = jnp.zeros((16,), jnp.int32)

        def stage_pair(i, percnt):
            start_stage(2 * i + 1, srcb1, dstb1, ssem1)
            wait_stage(srcb0, dstb0, ssem0)
            percnt = _overflow_guard(scan_chunk(srcb0, dstb0, percnt))

            @pl.when(i < _NCH // 2 - 1)
            def _():
                start_stage(2 * i + 2, srcb0, dstb0, ssem0)

            wait_stage(srcb1, dstb1, ssem1)
            return _overflow_guard(scan_chunk(srcb1, dstb1, percnt))

        percnt = lax.fori_loop(0, _NCH // 2, stage_pair, pc0)

        percnt, maxc = _fill(percnt)
        nch = maxc * 16 // _GC

        @pl.when(nch > 0)
        def _():
            start_gather(0, rows0, gsem0)

        @pl.when(nch > 1)
        def _():
            start_gather(1, rows1, gsem1)

        def dpair(i, carry2):
            g0 = 2 * i
            g1 = 2 * i + 1

            wait_gather(rows0, gsem0)
            start_scatter(g0, rows0, sidx0, scsem0)

            @pl.when(g1 < nch)
            def _():
                wait_gather(rows1, gsem1)
                start_scatter(g1, rows1, sidx1, scsem1)

            wait_scatter(rows0, sidx0, scsem0)

            @pl.when(g0 + 2 < nch)
            def _():
                start_gather(g0 + 2, rows0, gsem0)

            @pl.when(g1 < nch)
            def _():
                wait_scatter(rows1, sidx1, scsem1)

            @pl.when(g1 + 2 < nch)
            def _():
                start_gather(g1 + 2, rows1, gsem1)

            return carry2

        lax.fori_loop(0, (nch + 1) // 2, dpair, 0)
        plsc.subcore_barrier()

        out0 = base + c * _W
        pltpu.sync_copy(window.at[pl.ds(s * _TSTRIDE, _TLAST)],
                        agg_hbm.at[pl.ds(out0 + s * _TSTRIDE, _TLAST)])

        @pl.when(s < 15)
        def _():
            pltpu.sync_copy(
                window.at[pl.ds(s * _TSTRIDE + _TLAST, _EXTRA)],
                agg_hbm.at[pl.ds(out0 + s * _TSTRIDE + _TLAST, _EXTRA)])

        plsc.subcore_barrier()
        return carry

    lax.fori_loop(0, _PASSES, do_pass, 0)


_MM_BLK = 1024
_MM_GRID = _NP // _MM_BLK


def _mm_body(v_ref, agg_ref, ws_ref, wn_ref, out_ref):
    out_ref[...] = (
        jnp.dot(v_ref[...], ws_ref[...], preferred_element_type=jnp.float32)
        + jnp.dot(agg_ref[...], wn_ref[...], preferred_element_type=jnp.float32)
    )


def _fused_matmul(v, agg, w_self, w_neigh):
    return pl.pallas_call(
        _mm_body,
        grid=(_MM_GRID,),
        in_specs=[
            pl.BlockSpec((_MM_BLK, _D), lambda i: (i, 0)),
            pl.BlockSpec((_MM_BLK, _D), lambda i: (i, 0)),
            pl.BlockSpec((_D, _D), lambda i: (0, 0)),
            pl.BlockSpec((_D, _D), lambda i: (0, 0)),
        ],
        out_specs=pl.BlockSpec((_MM_BLK, _D), lambda i: (i, 0)),
        out_shape=jax.ShapeDtypeStruct((_N_NODES, _D), jnp.float32),
    )(v, agg, w_self, w_neigh)


def kernel(x, lens, left_idx, right_idx, edge_index, W_self, W_neigh):
    d = x.shape[-1]
    x_flat = x.reshape(-1, d)
    pad_n = _NP - _N_NODES
    lidx = jnp.concatenate([left_idx, jnp.zeros((pad_n,), jnp.int32)])
    ridx = jnp.concatenate([right_idx, jnp.zeros((pad_n,), jnp.int32)])
    pad_e = _EP - _N_EDGES
    srcp = jnp.concatenate([edge_index[0], jnp.zeros((pad_e,), jnp.int32)])
    dstp = jnp.concatenate(
        [edge_index[1], jnp.full((pad_e,), 1 << 28, jnp.int32)])
    zrows = jnp.zeros((_TSTRIDE, _D), jnp.float32)

    v = _build_v(x_flat, lidx, ridx)
    agg = _segsum(v, srcp, dstp, zrows)
    return _fused_matmul(v, agg, W_self, W_neigh)

# --- scband reference (transcript-rebuilt; emitter-appended) ---
"""Pipeline reference for scband-general-gnn-7327214206992 (READ-ONLY COPY).

The authoritative reference and input builder live on the scoring server;
editing this copy changes nothing except your own understanding.
"""

import jax, jax.numpy as jnp
import numpy as np

B, L, D = 64, 2048, 128
N_NODES = B * (2 * L - 1)      # 262080 span-tree nodes across the batch
N_EDGES = 2 * B * (2 * L - 2)  # 524032 bidirectional parent-child edges


def setup_inputs(seed: int = 0) -> dict:
    key = jax.random.key(seed)
    k1, k2, k3, k4, k5, k6 = jax.random.split(key, 6)
    x = jax.random.normal(k1, (B, L, D), dtype=jnp.float32)
    # lens is carried through the original forward signature but unused in compute
    lens = jnp.full((B,), L, dtype=jnp.int32)
    # In the torch module, spans2tree/build_gnn_input run in Python on CPU and
    # produce: per-node (span_start, span_end) token positions and a tree edge list.
    # We precompute those as flat index tensors (randomized but in-range, which is
    # equivalent for the gather/scatter compute pattern).
    left_idx = jax.random.randint(k2, (N_NODES,), 0, B * L, dtype=jnp.int32)
    right_idx = jax.random.randint(k3, (N_NODES,), 0, B * L, dtype=jnp.int32)
    edge_index = jax.random.randint(k4, (2, N_EDGES), 0, N_NODES, dtype=jnp.int32)
    # GraphConv-style weights: out = v @ W_self + (sum_{j in N(i)} v_j) @ W_neigh
    W_self = jax.random.normal(k5, (D, D), dtype=jnp.float32) * 0.05
    W_neigh = jax.random.normal(k6, (D, D), dtype=jnp.float32) * 0.05
    return {"x": x, "lens": lens, "left_idx": left_idx, "right_idx": right_idx,
            "edge_index": edge_index, "W_self": W_self, "W_neigh": W_neigh}


def reference(x, lens, left_idx, right_idx, edge_index, W_self, W_neigh):
    d = x.shape[-1]
    x_flat = x.reshape(-1, d)
    # build_gnn_input: vertex feature = x[b, span_start] + x[b, span_end]
    v = jnp.take(x_flat, left_idx, axis=0) + jnp.take(x_flat, right_idx, axis=0)
    # self.nn(batch.x, batch.edge_index): one message-passing layer with sum aggregation
    src = edge_index[0]
    dst = edge_index[1]
    msgs = jnp.take(v, src, axis=0)
    agg = jax.ops.segment_sum(msgs, dst, num_segments=N_NODES)
    out = v @ W_self + agg @ W_neigh
    # postprocess_gnn_output just splits `out` back into per-graph chunks (a view);
    # we return the flat node output.
    return out

if __name__ == "__main__":
    import jax
    _d = setup_inputs()
    print(jax.jit(kernel)(*tuple(_d.values())))

</pallas_src>

<mosaic_0001>
#map = affine_map<(d0, d1) -> (0, 0)>
#map1 = affine_map<(d0, d1) -> (0)>
module attributes {stable_mosaic.version = 14 : i64} {
  func.func @_segsum(%arg0: i32, %arg1: i32, %arg2: memref<262144x128xf32, #tpu.memory_space<hbm>>, %arg3: memref<524288xi32, #tpu.memory_space<hbm>>, %arg4: memref<524288xi32, #tpu.memory_space<hbm>>, %arg5: memref<824x128xf32, #tpu.memory_space<hbm>>, %arg6: memref<262240x128xf32, #tpu.memory_space<hbm>>, %arg7: memref<2048xi32, #tpu.memory_space<vmem>>, %arg8: memref<2048xi32, #tpu.memory_space<vmem>>, %arg9: memref<2048xi32, #tpu.memory_space<vmem>>, %arg10: memref<2048xi32, #tpu.memory_space<vmem>>, %arg11: memref<4608xi32, #tpu.memory_space<vmem>>, %arg12: memref<4608xi32, #tpu.memory_space<vmem>>, %arg13: memref<32x128xf32, #tpu.memory_space<vmem>>, %arg14: memref<32x128xf32, #tpu.memory_space<vmem>>, %arg15: memref<32xi32, #tpu.memory_space<vmem>>, %arg16: memref<32xi32, #tpu.memory_space<vmem>>, %arg17: memref<13116x128xf32, #tpu.memory_space<vmem_shared>>, %arg18: memref<!tpu.dma_semaphore, #tpu.memory_space<semaphore_mem>>, %arg19: memref<!tpu.dma_semaphore, #tpu.memory_space<semaphore_mem>>, %arg20: memref<!tpu.dma_semaphore, #tpu.memory_space<semaphore_mem>>, %arg21: memref<!tpu.dma_semaphore, #tpu.memory_space<semaphore_mem>>, %arg22: memref<!tpu.dma_semaphore, #tpu.memory_space<semaphore_mem>>, %arg23: memref<!tpu.dma_semaphore, #tpu.memory_space<semaphore_mem>>) attributes {dimension_semantics = [#tpu.dimension_semantics<core_parallel>, #tpu.dimension_semantics<subcore_parallel>], iteration_bounds = array<i64: 2, 16>, scalar_prefetch = 0 : i64, scratch_operands = 17 : i64, tpu.core_type = #tpu.core_type<sc_vector_subcore>, window_params = [{transform_indices = #map}, {transform_indices = #map1}, {transform_indices = #map1}, {transform_indices = #map}, {transform_indices = #map}]} {
    %broadcast_in_dim3A = arith.constant 13112 : i32
    %broadcast_in_dim3A_0 = vector.broadcast %broadcast_in_dim3A : i32 to vector<16xi32>
    %iota3A = tpu.iota {dimensions = array<i32: 0>} : vector<16xi32>
    %add3A = arith.constant 4592 : i32
    %add3A_1 = vector.broadcast %add3A : i32 to vector<16xi32>
    %add3A_2 = arith.addi %add3A_1, %iota3A : vector<16xi32>
    %mul3A = arith.constant 32768 : i32
    %mul3A_3 = arith.muli %arg1, %mul3A : i32
    %scan3A = arith.constant 0 : i32
    %scan3A_4 = arith.constant 0 : i32
    %scan3A_5 = arith.constant 10 : i32
    %scan3A_6 = arith.addi %scan3A_4, %scan3A_5 : i32
    %scan3A_7 = arith.constant 1 : i32
    scf.for %scan3A_9 = %scan3A_4 to %scan3A_6 step %scan3A_7  : i32 {
      %mul3A_10 = arith.constant 26224 : i32
      %mul3A_11 = arith.muli %scan3A_9, %mul3A_10 : i32
      %mul3A_12 = arith.constant 13112 : i32
      %mul3A_13 = arith.muli %arg0, %mul3A_12 : i32
      %add3A_14 = arith.addi %mul3A_11, %mul3A_13 : i32
      %mul3A_15 = arith.constant 824 : i32
      %mul3A_16 = arith.muli %arg1, %mul3A_15 : i32
      "tpu.region"() ({
        %run_scoped3A = tpu.sem_alloc : memref<!tpu.dma_semaphore, #tpu.memory_space<semaphore_mem>>
        %dma_start3A_140 = arith.constant 0 : i32
        %dma_start3A_141 = tpu.memref_slice %arg17[%mul3A_16, %dma_start3A_140] : memref<13116x128xf32, #tpu.memory_space<vmem_shared>> -> memref<752x128xf32, #tpu.memory_space<vmem_shared>>
        %dma_start3A_142 = arith.constant 0 : i32
        %dma_start3A_143 = arith.constant 0 : i32
        %dma_start3A_144 = tpu.memref_slice %arg5[%dma_start3A_142, %dma_start3A_143] : memref<824x128xf32, #tpu.memory_space<hbm>> -> memref<752x128xf32, #tpu.memory_space<hbm>>
        tpu.enqueue_dma source(%dma_start3A_144 : memref<752x128xf32, #tpu.memory_space<hbm>>) target(%dma_start3A_141 : memref<752x128xf32, #tpu.memory_space<vmem_shared>>) target_semaphore(%run_scoped3A : memref<!tpu.dma_semaphore, #tpu.memory_space<semaphore_mem>>)
        %dma_wait3A = arith.constant 0 : i32
        %dma_wait3A_145 = tpu.memref_slice %arg17[%mul3A_16, %dma_wait3A] : memref<13116x128xf32, #tpu.memory_space<vmem_shared>> -> memref<752x128xf32, #tpu.memory_space<vmem_shared>>
        %dma_wait3A_146 = arith.constant 0 : i32
        %dma_wait3A_147 = arith.constant 0 : i32
        %dma_wait3A_148 = tpu.memref_slice %arg5[%dma_wait3A_146, %dma_wait3A_147] : memref<824x128xf32, #tpu.memory_space<hbm>> -> memref<752x128xf32, #tpu.memory_space<hbm>>
        tpu.wait_dma2 semaphore(%run_scoped3A : memref<!tpu.dma_semaphore, #tpu.memory_space<semaphore_mem>>) src(%dma_wait3A_148 : memref<752x128xf32, #tpu.memory_space<hbm>>) dst(%dma_wait3A_145 : memref<752x128xf32, #tpu.memory_space<vmem_shared>>)
        tpu.yield
      }) : () -> ()
      %lt3A = arith.constant 15 : i32
      %lt3A_17 = arith.cmpi slt, %arg1, %lt3A : i32
      %convert_element_type3A = arith.extui %lt3A_17 : i1 to i32
      %cond3A = arith.constant 0 : i32
      %cond3A_18 = arith.cmpi ne, %convert_element_type3A, %cond3A : i32
      scf.if %cond3A_18 {
        %mul3A_140 = arith.constant 824 : i32
        %mul3A_141 = arith.muli %arg1, %mul3A_140 : i32
        %add3A_142 = arith.constant 752 : i32
        %add3A_143 = arith.addi %mul3A_141, %add3A_142 : i32
        "tpu.region"() ({
          %run_scoped3A = tpu.sem_alloc : memref<!tpu.dma_semaphore, #tpu.memory_space<semaphore_mem>>
          %dma_start3A_144 = arith.constant 0 : i32
          %dma_start3A_145 = tpu.memref_slice %arg17[%add3A_143, %dma_start3A_144] : memref<13116x128xf32, #tpu.memory_space<vmem_shared>> -> memref<72x128xf32, #tpu.memory_space<vmem_shared>>
          %dma_start3A_146 = arith.constant 0 : i32
          %dma_start3A_147 = arith.constant 0 : i32
          %dma_start3A_148 = tpu.memref_slice %arg5[%dma_start3A_146, %dma_start3A_147] : memref<824x128xf32, #tpu.memory_space<hbm>> -> memref<72x128xf32, #tpu.memory_space<hbm>>
          tpu.enqueue_dma source(%dma_start3A_148 : memref<72x128xf32, #tpu.memory_space<hbm>>) target(%dma_start3A_145 : memref<72x128xf32, #tpu.memory_space<vmem_shared>>) target_semaphore(%run_scoped3A : memref<!tpu.dma_semaphore, #tpu.memory_space<semaphore_mem>>)
          %dma_wait3A = arith.constant 0 : i32
          %dma_wait3A_149 = tpu.memref_slice %arg17[%add3A_143, %dma_wait3A] : memref<13116x128xf32, #tpu.memory_space<vmem_shared>> -> memref<72x128xf32, #tpu.memory_space<vmem_shared>>
          %dma_wait3A_150 = arith.constant 0 : i32
          %dma_wait3A_151 = arith.constant 0 : i32
          %dma_wait3A_152 = tpu.memref_slice %arg5[%dma_wait3A_150, %dma_wait3A_151] : memref<824x128xf32, #tpu.memory_space<hbm>> -> memref<72x128xf32, #tpu.memory_space<hbm>>
          tpu.wait_dma2 semaphore(%run_scoped3A : memref<!tpu.dma_semaphore, #tpu.memory_space<semaphore_mem>>) src(%dma_wait3A_152 : memref<72x128xf32, #tpu.memory_space<hbm>>) dst(%dma_wait3A_149 : memref<72x128xf32, #tpu.memory_space<vmem_shared>>)
          tpu.yield
        }) : () -> ()
      } else {
      }
      %barrier3A = arith.constant 0 : index
      tpu.barrier barrier_id(%barrier3A)
      %add3A_19 = arith.constant 0 : i32
      %add3A_20 = arith.addi %mul3A_3, %add3A_19 : i32
      %dma_start3A = tpu.memref_slice %arg3[%add3A_20] : memref<524288xi32, #tpu.memory_space<hbm>> -> memref<2048xi32, #tpu.memory_space<hbm>>
      %dma_start3A_21 = tpu.memref_slice %arg3[%add3A_20] : memref<524288xi32, #tpu.memory_space<hbm>> -> memref<2048xi32, #tpu.memory_space<hbm>>
      tpu.enqueue_dma source(%dma_start3A_21 : memref<2048xi32, #tpu.memory_space<hbm>>) target(%arg7 : memref<2048xi32, #tpu.memory_space<vmem>>) target_semaphore(%arg18 : memref<!tpu.dma_semaphore, #tpu.memory_space<semaphore_mem>>)
      %add3A_22 = arith.constant 0 : i32
      %add3A_23 = arith.addi %mul3A_3, %add3A_22 : i32
      %dma_start3A_24 = tpu.memref_slice %arg4[%add3A_23] : memref<524288xi32, #tpu.memory_space<hbm>> -> memref<2048xi32, #tpu.memory_space<hbm>>
      %dma_start3A_25 = tpu.memref_slice %arg4[%add3A_23] : memref<524288xi32, #tpu.memory_space<hbm>> -> memref<2048xi32, #tpu.memory_space<hbm>>
      tpu.enqueue_dma source(%dma_start3A_25 : memref<2048xi32, #tpu.memory_space<hbm>>) target(%arg8 : memref<2048xi32, #tpu.memory_space<vmem>>) target_semaphore(%arg18 : memref<!tpu.dma_semaphore, #tpu.memory_space<semaphore_mem>>)
      %broadcast_in_dim3A_26 = arith.constant 0 : i32
      %broadcast_in_dim3A_27 = vector.broadcast %broadcast_in_dim3A_26 : i32 to vector<16xi32>
      %scan3A_28 = arith.constant 0 : i32
      %scan3A_29 = arith.constant 8 : i32
      %scan3A_30 = arith.addi %scan3A_28, %scan3A_29 : i32
      %scan3A_31 = arith.constant 1 : i32
      %scan3A_32 = scf.for %scan3A_140 = %scan3A_28 to %scan3A_30 step %scan3A_31 iter_args(%scan3A_141 = %broadcast_in_dim3A_27) -> (vector<16xi32>)  : i32 {
        %mul3A_142 = arith.constant 2 : i32
        %mul3A_143 = arith.muli %mul3A_142, %scan3A_140 : i32
        %add3A_144 = arith.constant 1 : i32
        %add3A_145 = arith.addi %mul3A_143, %add3A_144 : i32
        %mul3A_146 = arith.constant 2048 : i32
        %mul3A_147 = arith.muli %add3A_145, %mul3A_146 : i32
        %add3A_148 = arith.addi %mul3A_3, %mul3A_147 : i32
        %dma_start3A_149 = tpu.memref_slice %arg3[%add3A_148] : memref<524288xi32, #tpu.memory_space<hbm>> -> memref<2048xi32, #tpu.memory_space<hbm>>
        %dma_start3A_150 = tpu.memref_slice %arg3[%add3A_148] : memref<524288xi32, #tpu.memory_space<hbm>> -> memref<2048xi32, #tpu.memory_space<hbm>>
        tpu.enqueue_dma source(%dma_start3A_150 : memref<2048xi32, #tpu.memory_space<hbm>>) target(%arg9 : memref<2048xi32, #tpu.memory_space<vmem>>) target_semaphore(%arg19 : memref<!tpu.dma_semaphore, #tpu.memory_space<semaphore_mem>>)
        %mul3A_151 = arith.constant 2048 : i32
        %mul3A_152 = arith.muli %add3A_145, %mul3A_151 : i32
        %add3A_153 = arith.addi %mul3A_3, %mul3A_152 : i32
        %dma_start3A_154 = tpu.memref_slice %arg4[%add3A_153] : memref<524288xi32, #tpu.memory_space<hbm>> -> memref<2048xi32, #tpu.memory_space<hbm>>
        %dma_start3A_155 = tpu.memref_slice %arg4[%add3A_153] : memref<524288xi32, #tpu.memory_space<hbm>> -> memref<2048xi32, #tpu.memory_space<hbm>>
        tpu.enqueue_dma source(%dma_start3A_155 : memref<2048xi32, #tpu.memory_space<hbm>>) target(%arg10 : memref<2048xi32, #tpu.memory_space<vmem>>) target_semaphore(%arg19 : memref<!tpu.dma_semaphore, #tpu.memory_space<semaphore_mem>>)
        %dma_wait3A = arith.constant 0 : i32
        %dma_wait3A_156 = tpu.memref_slice %arg3[%dma_wait3A] : memref<524288xi32, #tpu.memory_space<hbm>> -> memref<2048xi32, #tpu.memory_space<hbm>>
        %dma_wait3A_157 = arith.constant 0 : i32
        %dma_wait3A_158 = tpu.memref_slice %arg3[%dma_wait3A_157] : memref<524288xi32, #tpu.memory_space<hbm>> -> memref<2048xi32, #tpu.memory_space<hbm>>
        tpu.wait_dma2 semaphore(%arg18 : memref<!tpu.dma_semaphore, #tpu.memory_space<semaphore_mem>>) src(%dma_wait3A_158 : memref<2048xi32, #tpu.memory_space<hbm>>) dst(%arg7 : memref<2048xi32, #tpu.memory_space<vmem>>)
        %dma_wait3A_159 = arith.constant 0 : i32
        %dma_wait3A_160 = tpu.memref_slice %arg3[%dma_wait3A_159] : memref<524288xi32, #tpu.memory_space<hbm>> -> memref<2048xi32, #tpu.memory_space<hbm>>
        %dma_wait3A_161 = arith.constant 0 : i32
        %dma_wait3A_162 = tpu.memref_slice %arg3[%dma_wait3A_161] : memref<524288xi32, #tpu.memory_space<hbm>> -> memref<2048xi32, #tpu.memory_space<hbm>>
        tpu.wait_dma2 semaphore(%arg18 : memref<!tpu.dma_semaphore, #tpu.memory_space<semaphore_mem>>) src(%dma_wait3A_162 : memref<2048xi32, #tpu.memory_space<hbm>>) dst(%arg8 : memref<2048xi32, #tpu.memory_space<vmem>>)
        %scan3A_163 = arith.constant 0 : i32
        %scan3A_164 = arith.constant 128 : i32
        %scan3A_165 = arith.addi %scan3A_163, %scan3A_164 : i32
        %scan3A_166 = arith.constant 1 : i32
        %scan3A_167 = scf.for %scan3A_215 = %scan3A_163 to %scan3A_165 step %scan3A_166 iter_args(%scan3A_216 = %scan3A_141) -> (vector<16xi32>)  : i32 {
          %mul3A_217 = arith.constant 16 : i32
          %mul3A_218 = arith.muli %scan3A_215, %mul3A_217 : i32
          %get3A = arith.index_cast %mul3A_218 : i32 to index
          %get3A_219 = tpu.vector_load %arg8[%get3A] {strides = array<i32>} : memref<2048xi32, #tpu.memory_space<vmem>>, vector<16xi32>,
          %mul3A_220 = arith.constant 16 : i32
          %mul3A_221 = arith.muli %scan3A_215, %mul3A_220 : i32
          %get3A_222 = arith.index_cast %mul3A_221 : i32 to index
          %get3A_223 = tpu.vector_load %arg7[%get3A_222] {strides = array<i32>} : memref<2048xi32, #tpu.memory_space<vmem>>, vector<16xi32>,
          %ge3A_224 = vector.broadcast %add3A_14 : i32 to vector<16xi32>
          %ge3A_225 = arith.cmpi sge, %get3A_219, %ge3A_224 : vector<16xi32>
          %add3A_226 = arith.constant 13112 : i32
          %add3A_227 = arith.addi %add3A_14, %add3A_226 : i32
          %lt3A_228 = vector.broadcast %add3A_227 : i32 to vector<16xi32>
          %lt3A_229 = arith.cmpi slt, %get3A_219, %lt3A_228 : vector<16xi32>
          %and3A_230 = arith.andi %ge3A_225, %lt3A_229 : vector<16xi1>
          %mul3A_231 = arith.constant 16 : i32
          %mul3A_232 = vector.broadcast %mul3A_231 : i32 to vector<16xi32>
          %mul3A_233 = arith.muli %scan3A_216, %mul3A_232 : vector<16xi32>
          %add3A_234 = arith.addi %mul3A_233, %iota3A : vector<16xi32>
          %select_n3A_235 = arith.select %and3A_230, %add3A_234, %add3A_2 : vector<16xi1>, vector<16xi32>
          tpu.vector_store_idx %arg11[%select_n3A_235], %get3A_223 : memref<4608xi32, #tpu.memory_space<vmem>>[vector<16xi32>], vector<16xi32>,
          %sub3A_236 = vector.broadcast %add3A_14 : i32 to vector<16xi32>
          %sub3A_237 = arith.subi %get3A_219, %sub3A_236 : vector<16xi32>
          tpu.vector_store_idx %arg12[%select_n3A_235], %sub3A_237 : memref<4608xi32, #tpu.memory_space<vmem>>[vector<16xi32>], vector<16xi32>,
          %convert_element_type3A_238 = arith.extui %and3A_230 : vector<16xi1> to vector<16xi32>
          %add3A_239 = arith.addi %scan3A_216, %convert_element_type3A_238 : vector<16xi32>
          scf.yield %add3A_239 : vector<16xi32>
        }
        %scan3A_168 = arith.constant 128 : i32
        %reduce_max3A_169 = arith.constant true
        %reduce_max3A_170 = vector.broadcast %reduce_max3A_169 : i1 to vector<16xi1>
        %reduce_max3A_171 = arith.constant -2147483648 : i32
        %reduce_max3A_172 = vector.broadcast %reduce_max3A_171 : i32 to vector<16xi32>
        %reduce_max3A_173 = arith.xori %scan3A_167, %reduce_max3A_172 : vector<16xi32>
        %reduce_max3A_174 = tpu.scan <max>, %reduce_max3A_173 masked %reduce_max3A_170 : vector<16xi32>, vector<16xi1> -> vector<16xi32>
        %reduce_max3A_175 = arith.xori %reduce_max3A_174, %reduce_max3A_172 : vector<16xi32>
        %reduce_max3A_176 = vector.extract %reduce_max3A_175[15] : i32 from vector<16xi32>
        %ge3A = arith.constant 156 : i32
        %ge3A_177 = arith.cmpi sge, %reduce_max3A_176, %ge3A : i32
        %convert_element_type3A_178 = arith.extui %ge3A_177 : i1 to i32
        %cond3A_179 = arith.constant 0 : i32
        %cond3A_180 = arith.cmpi ne, %convert_element_type3A_178, %cond3A_179 : i32
        %cond3A_181 = scf.if %cond3A_180 -> (vector<16xi32>) {
          %reduce_max3A_215 = arith.constant true
          %reduce_max3A_216 = vector.broadcast %reduce_max3A_215 : i1 to vector<16xi1>
          %reduce_max3A_217 = arith.constant -2147483648 : i32
          %reduce_max3A_218 = vector.broadcast %reduce_max3A_217 : i32 to vector<16xi32>
          %reduce_max3A_219 = arith.xori %scan3A_167, %reduce_max3A_218 : vector<16xi32>
          %reduce_max3A_220 = tpu.scan <max>, %reduce_max3A_219 masked %reduce_max3A_216 : vector<16xi32>, vector<16xi1> -> vector<16xi32>
          %reduce_max3A_221 = arith.xori %reduce_max3A_220, %reduce_max3A_218 : vector<16xi32>
          %reduce_max3A_222 = vector.extract %reduce_max3A_221[15] : i32 from vector<16xi32>
          %and3A_223 = arith.constant 1 : i32
          %and3A_224 = arith.andi %reduce_max3A_222, %and3A_223 : i32
          %add3A_225 = arith.addi %reduce_max3A_222, %and3A_224 : i32
          %reduce_min3A_226 = arith.constant true
          %reduce_min3A_227 = vector.broadcast %reduce_min3A_226 : i1 to vector<16xi1>
          %reduce_min3A_228 = arith.constant -2147483648 : i32
          %reduce_min3A_229 = vector.broadcast %reduce_min3A_228 : i32 to vector<16xi32>
          %reduce_min3A_230 = arith.xori %scan3A_167, %reduce_min3A_229 : vector<16xi32>
          %reduce_min3A_231 = tpu.scan <min>, %reduce_min3A_230 masked %reduce_min3A_227 : vector<16xi32>, vector<16xi1> -> vector<16xi32>
          %reduce_min3A_232 = arith.xori %reduce_min3A_231, %reduce_min3A_229 : vector<16xi32>
          %reduce_min3A_233 = vector.extract %reduce_min3A_232[15] : i32 from vector<16xi32>
          %sub3A_234 = arith.subi %add3A_225, %reduce_min3A_233 : i32
          %while3A_235 = arith.constant 0 : i32
          %while3A_236 = arith.subi %sub3A_234, %while3A_235 : i32
          %while3A_237 = arith.addi %while3A_235, %while3A_236 : i32
          %while3A_238 = arith.constant 1 : i32
          %while3A_239 = arith.divsi %while3A_236, %while3A_238 : i32
          %while3A_240 = arith.muli %while3A_239, %while3A_238 : i32
          %while3A_241 = arith.addi %while3A_235, %while3A_240 : i32
          %while3A_242 = arith.constant 1 : i32
          %while3A_243 = scf.for %while3A_284 = %while3A_235 to %while3A_241 step %while3A_242 iter_args(%while3A_285 = %scan3A_167) -> (vector<16xi32>)  : i32 {
            %lt3A_286 = vector.broadcast %add3A_225 : i32 to vector<16xi32>
            %lt3A_287 = arith.cmpi slt, %while3A_285, %lt3A_286 : vector<16xi32>
            %mul3A_288 = arith.constant 16 : i32
            %mul3A_289 = vector.broadcast %mul3A_288 : i32 to vector<16xi32>
            %mul3A_290 = arith.muli %while3A_285, %mul3A_289 : vector<16xi32>
            %add3A_291 = arith.addi %mul3A_290, %iota3A : vector<16xi32>
            %select_n3A_292 = arith.select %lt3A_287, %add3A_291, %add3A_2 : vector<16xi1>, vector<16xi32>
            tpu.vector_store_idx %arg11[%select_n3A_292], %iota3A : memref<4608xi32, #tpu.memory_space<vmem>>[vector<16xi32>], vector<16xi32>,
            tpu.vector_store_idx %arg12[%select_n3A_292], %broadcast_in_dim3A_0 : memref<4608xi32, #tpu.memory_space<vmem>>[vector<16xi32>], vector<16xi32>,
            %convert_element_type3A_293 = arith.extui %lt3A_287 : vector<16xi1> to vector<16xi32>
            %add3A_294 = arith.addi %while3A_285, %convert_element_type3A_293 : vector<16xi32>
            scf.yield %add3A_294 : vector<16xi32>
          }
          %while3A_244 = arith.constant 1 : i32
          %while3A_245 = scf.for %while3A_284 = %while3A_241 to %while3A_237 step %while3A_244 iter_args(%while3A_285 = %while3A_243) -> (vector<16xi32>)  : i32 {
            %lt3A_286 = vector.broadcast %add3A_225 : i32 to vector<16xi32>
            %lt3A_287 = arith.cmpi slt, %while3A_285, %lt3A_286 : vector<16xi32>
            %mul3A_288 = arith.constant 16 : i32
            %mul3A_289 = vector.broadcast %mul3A_288 : i32 to vector<16xi32>
            %mul3A_290 = arith.muli %while3A_285, %mul3A_289 : vector<16xi32>
            %add3A_291 = arith.addi %mul3A_290, %iota3A : vector<16xi32>
            %select_n3A_292 = arith.select %lt3A_287, %add3A_291, %add3A_2 : vector<16xi1>, vector<16xi32>
            tpu.vector_store_idx %arg11[%select_n3A_292], %iota3A : memref<4608xi32, #tpu.memory_space<vmem>>[vector<16xi32>], vector<16xi32>,
            tpu.vector_store_idx %arg12[%select_n3A_292], %broadcast_in_dim3A_0 : memref<4608xi32, #tpu.memory_space<vmem>>[vector<16xi32>], vector<16xi32>,
            %convert_element_type3A_293 = arith.extui %lt3A_287 : vector<16xi1> to vector<16xi32>
            %add3A_294 = arith.addi %while3A_285, %convert_element_type3A_293 : vector<16xi32>
            scf.yield %add3A_294 : vector<16xi32>
          }
          %mul3A_246 = arith.constant 16 : i32
          %mul3A_247 = arith.muli %add3A_225, %mul3A_246 : i32
          %jit3A_248 = arith.constant 32 : i32
          %div3A_249 = arith.divsi %mul3A_247, %jit3A_248 : i32
          %sign3A_250 = arith.constant 0 : i32
          %sign3A_251 = arith.cmpi sgt, %mul3A_247, %sign3A_250 : i32
          %sign3A_252 = arith.extui %sign3A_251 : i1 to i32
          %sign3A_253 = arith.constant 0 : i32
          %sign3A_254 = arith.cmpi slt, %mul3A_247, %sign3A_253 : i32
          %sign3A_255 = arith.extui %sign3A_254 : i1 to i32
          %sign3A_256 = arith.subi %sign3A_252, %sign3A_255 : i32
          %sign3A_257 = arith.constant 0 : i32
          %sign3A_258 = arith.cmpi sgt, %jit3A_248, %sign3A_257 : i32
          %sign3A_259 = arith.extui %sign3A_258 : i1 to i32
          %sign3A_260 = arith.constant 0 : i32
          %sign3A_261 = arith.cmpi slt, %jit3A_248, %sign3A_260 : i32
          %sign3A_262 = arith.extui %sign3A_261 : i1 to i32
          %sign3A_263 = arith.subi %sign3A_259, %sign3A_262 : i32
          %ne3A_264 = arith.cmpi ne, %sign3A_256, %sign3A_263 : i32
          %rem3A_265 = arith.remsi %mul3A_247, %jit3A_248 : i32
          %ne3A_266 = arith.constant 0 : i32
          %ne3A_267 = arith.cmpi ne, %rem3A_265, %ne3A_266 : i32
          %and3A_268 = arith.andi %ne3A_264, %ne3A_267 : i1
          %sub3A_269 = arith.constant 1 : i32
          %sub3A_270 = arith.subi %div3A_249, %sub3A_269 : i32
          %select_n3A_271 = arith.select %and3A_268, %sub3A_270, %div3A_249 : i32
          %while3A_272 = arith.constant 0 : i32
          %while3A_273 = arith.constant 0 : i32
          %while3A_274 = arith.subi %select_n3A_271, %while3A_273 : i32
          %while3A_275 = arith.addi %while3A_273, %while3A_274 : i32
          %while3A_276 = arith.constant 1 : i32
          %while3A_277 = arith.divsi %while3A_274, %while3A_276 : i32
          %while3A_278 = arith.muli %while3A_277, %while3A_276 : i32
          %while3A_279 = arith.addi %while3A_273, %while3A_278 : i32
          %while3A_280 = arith.constant 1 : i32
          scf.for %while3A_284 = %while3A_273 to %while3A_279 step %while3A_280  : i32 {
            %mul3A_285 = arith.constant 32 : i32
            %mul3A_286 = arith.muli %while3A_284, %mul3A_285 : i32
            %dma_start3A_287 = tpu.memref_slice %arg11[%mul3A_286] : memref<4608xi32, #tpu.memory_space<vmem>> -> memref<32xi32, #tpu.memory_space<vmem>>
            %dma_start3A_288 = arith.constant 0 : i32
            %dma_start3A_289 = arith.constant 0 : i32
            %dma_start3A_290 = tpu.memref_slice %arg2[%dma_start3A_288, %dma_start3A_289] : memref<262144x128xf32, #tpu.memory_space<hbm>> -> memref<262144x128xf32, #tpu.memory_space<hbm>>
            tpu.enqueue_indirect_dma source(%dma_start3A_290 : memref<262144x128xf32, #tpu.memory_space<hbm>>) target(%arg13 : memref<32x128xf32, #tpu.memory_space<vmem>>) offsets(%dma_start3A_287 : memref<32xi32, #tpu.memory_space<vmem>>) semaphore(%arg20 : memref<!tpu.dma_semaphore, #tpu.memory_space<semaphore_mem>>)
            %dma_wait3A_291 = arith.constant 0 : i32
            %dma_wait3A_292 = arith.constant 0 : i32
            %dma_wait3A_293 = tpu.memref_slice %arg2[%dma_wait3A_291, %dma_wait3A_292] : memref<262144x128xf32, #tpu.memory_space<hbm>> -> memref<32x128xf32, #tpu.memory_space<hbm>>
            %dma_wait3A_294 = arith.constant 0 : i32
            %dma_wait3A_295 = arith.constant 0 : i32
            %dma_wait3A_296 = tpu.memref_slice %arg2[%dma_wait3A_294, %dma_wait3A_295] : memref<262144x128xf32, #tpu.memory_space<hbm>> -> memref<32x128xf32, #tpu.memory_space<hbm>>
            tpu.wait_dma2 semaphore(%arg20 : memref<!tpu.dma_semaphore, #tpu.memory_space<semaphore_mem>>) src(%dma_wait3A_296 : memref<32x128xf32, #tpu.memory_space<hbm>>) dst(%arg13 : memref<32x128xf32, #tpu.memory_space<vmem>>)
            %mul3A_297 = arith.constant 32 : i32
            %mul3A_298 = arith.muli %while3A_284, %mul3A_297 : i32
            %add3A_299 = arith.constant 0 : i32
            %add3A_300 = arith.addi %mul3A_298, %add3A_299 : i32
            %get3A = arith.index_cast %add3A_300 : i32 to index
            %get3A_301 = tpu.vector_load %arg12[%get3A] {strides = array<i32>} : memref<4608xi32, #tpu.memory_space<vmem>>, vector<16xi32>,
            %swap3A = arith.constant 0 : index
            %swap3A_302 = tpu.vector_load %arg15[%swap3A] {strides = array<i32>} : memref<32xi32, #tpu.memory_space<vmem>>, vector<16xi32>,
            tpu.vector_store %arg15[%swap3A], %get3A_301 {strides = array<i32>} : memref<32xi32, #tpu.memory_space<vmem>>, vector<16xi32>,
            %mul3A_303 = arith.constant 32 : i32
            %mul3A_304 = arith.muli %while3A_284, %mul3A_303 : i32
            %add3A_305 = arith.constant 16 : i32
            %add3A_306 = arith.addi %mul3A_304, %add3A_305 : i32
            %get3A_307 = arith.index_cast %add3A_306 : i32 to index
            %get3A_308 = tpu.vector_load %arg12[%get3A_307] {strides = array<i32>} : memref<4608xi32, #tpu.memory_space<vmem>>, vector<16xi32>,
            %swap3A_309 = arith.constant 16 : index
            %swap3A_310 = tpu.vector_load %arg15[%swap3A_309] {strides = array<i32>} : memref<32xi32, #tpu.memory_space<vmem>>, vector<16xi32>,
            tpu.vector_store %arg15[%swap3A_309], %get3A_308 {strides = array<i32>} : memref<32xi32, #tpu.memory_space<vmem>>, vector<16xi32>,
            "tpu.region"() ({
              %run_scoped3A = tpu.sem_alloc : memref<!tpu.dma_semaphore, #tpu.memory_space<semaphore_mem>>
              %dma_start3A_311 = arith.constant 0 : i32
              %dma_start3A_312 = arith.constant 0 : i32
              %dma_start3A_313 = tpu.memref_slice %arg17[%dma_start3A_311, %dma_start3A_312] : memref<13116x128xf32, #tpu.memory_space<vmem_shared>> -> memref<13116x128xf32, #tpu.memory_space<vmem_shared>>
              tpu.enqueue_indirect_dma source(%arg13 : memref<32x128xf32, #tpu.memory_space<vmem>>) target(%dma_start3A_313 : memref<13116x128xf32, #tpu.memory_space<vmem_shared>>) offsets(%arg15 : memref<32xi32, #tpu.memory_space<vmem>>) semaphore(%run_scoped3A : memref<!tpu.dma_semaphore, #tpu.memory_space<semaphore_mem>>) {add = true}
              %dma_wait3A_314 = arith.constant 0 : i32
              %dma_wait3A_315 = arith.constant 0 : i32
              %dma_wait3A_316 = tpu.memref_slice %arg17[%dma_wait3A_314, %dma_wait3A_315] : memref<13116x128xf32, #tpu.memory_space<vmem_shared>> -> memref<13116x128xf32, #tpu.memory_space<vmem_shared>>
              tpu.wait_indirect_dma semaphore(%run_scoped3A : memref<!tpu.dma_semaphore, #tpu.memory_space<semaphore_mem>>) src(%arg13 : memref<32x128xf32, #tpu.memory_space<vmem>>) dst(%dma_wait3A_316 : memref<13116x128xf32, #tpu.memory_space<vmem_shared>>)
              tpu.yield
            }) : () -> ()
          }
          %while3A_281 = arith.constant 1 : i32
          scf.for %while3A_284 = %while3A_279 to %while3A_275 step %while3A_281  : i32 {
            %mul3A_285 = arith.constant 32 : i32
            %mul3A_286 = arith.muli %while3A_284, %mul3A_285 : i32
            %dma_start3A_287 = tpu.memref_slice %arg11[%mul3A_286] : memref<4608xi32, #tpu.memory_space<vmem>> -> memref<32xi32, #tpu.memory_space<vmem>>
            %dma_start3A_288 = arith.constant 0 : i32
            %dma_start3A_289 = arith.constant 0 : i32
            %dma_start3A_290 = tpu.memref_slice %arg2[%dma_start3A_288, %dma_start3A_289] : memref<262144x128xf32, #tpu.memory_space<hbm>> -> memref<262144x128xf32, #tpu.memory_space<hbm>>
            tpu.enqueue_indirect_dma source(%dma_start3A_290 : memref<262144x128xf32, #tpu.memory_space<hbm>>) target(%arg13 : memref<32x128xf32, #tpu.memory_space<vmem>>) offsets(%dma_start3A_287 : memref<32xi32, #tpu.memory_space<vmem>>) semaphore(%arg20 : memref<!tpu.dma_semaphore, #tpu.memory_space<semaphore_mem>>)
            %dma_wait3A_291 = arith.constant 0 : i32
            %dma_wait3A_292 = arith.constant 0 : i32
            %dma_wait3A_293 = tpu.memref_slice %arg2[%dma_wait3A_291, %dma_wait3A_292] : memref<262144x128xf32, #tpu.memory_space<hbm>> -> memref<32x128xf32, #tpu.memory_space<hbm>>
            %dma_wait3A_294 = arith.constant 0 : i32
            %dma_wait3A_295 = arith.constant 0 : i32
            %dma_wait3A_296 = tpu.memref_slice %arg2[%dma_wait3A_294, %dma_wait3A_295] : memref<262144x128xf32, #tpu.memory_space<hbm>> -> memref<32x128xf32, #tpu.memory_space<hbm>>
            tpu.wait_dma2 semaphore(%arg20 : memref<!tpu.dma_semaphore, #tpu.memory_space<semaphore_mem>>) src(%dma_wait3A_296 : memref<32x128xf32, #tpu.memory_space<hbm>>) dst(%arg13 : memref<32x128xf32, #tpu.memory_space<vmem>>)
            %mul3A_297 = arith.constant 32 : i32
            %mul3A_298 = arith.muli %while3A_284, %mul3A_297 : i32
            %add3A_299 = arith.constant 0 : i32
            %add3A_300 = arith.addi %mul3A_298, %add3A_299 : i32
            %get3A = arith.index_cast %add3A_300 : i32 to index
            %get3A_301 = tpu.vector_load %arg12[%get3A] {strides = array<i32>} : memref<4608xi32, #tpu.memory_space<vmem>>, vector<16xi32>,
            %swap3A = arith.constant 0 : index
            %swap3A_302 = tpu.vector_load %arg15[%swap3A] {strides = array<i32>} : memref<32xi32, #tpu.memory_space<vmem>>, vector<16xi32>,
            tpu.vector_store %arg15[%swap3A], %get3A_301 {strides = array<i32>} : memref<32xi32, #tpu.memory_space<vmem>>, vector<16xi32>,
            %mul3A_303 = arith.constant 32 : i32
            %mul3A_304 = arith.muli %while3A_284, %mul3A_303 : i32
            %add3A_305 = arith.constant 16 : i32
            %add3A_306 = arith.addi %mul3A_304, %add3A_305 : i32
            %get3A_307 = arith.index_cast %add3A_306 : i32 to index
            %get3A_308 = tpu.vector_load %arg12[%get3A_307] {strides = array<i32>} : memref<4608xi32, #tpu.memory_space<vmem>>, vector<16xi32>,
            %swap3A_309 = arith.constant 16 : index
            %swap3A_310 = tpu.vector_load %arg15[%swap3A_309] {strides = array<i32>} : memref<32xi32, #tpu.memory_space<vmem>>, vector<16xi32>,
            tpu.vector_store %arg15[%swap3A_309], %get3A_308 {strides = array<i32>} : memref<32xi32, #tpu.memory_space<vmem>>, vector<16xi32>,
            "tpu.region"() ({
              %run_scoped3A = tpu.sem_alloc : memref<!tpu.dma_semaphore, #tpu.memory_space<semaphore_mem>>
              %dma_start3A_311 = arith.constant 0 : i32
              %dma_start3A_312 = arith.constant 0 : i32
              %dma_start3A_313 = tpu.memref_slice %arg17[%dma_start3A_311, %dma_start3A_312] : memref<13116x128xf32, #tpu.memory_space<vmem_shared>> -> memref<13116x128xf32, #tpu.memory_space<vmem_shared>>
              tpu.enqueue_indirect_dma source(%arg13 : memref<32x128xf32, #tpu.memory_space<vmem>>) target(%dma_start3A_313 : memref<13116x128xf32, #tpu.memory_space<vmem_shared>>) offsets(%arg15 : memref<32xi32, #tpu.memory_space<vmem>>) semaphore(%run_scoped3A : memref<!tpu.dma_semaphore, #tpu.memory_space<semaphore_mem>>) {add = true}
              %dma_wait3A_314 = arith.constant 0 : i32
              %dma_wait3A_315 = arith.constant 0 : i32
              %dma_wait3A_316 = tpu.memref_slice %arg17[%dma_wait3A_314, %dma_wait3A_315] : memref<13116x128xf32, #tpu.memory_space<vmem_shared>> -> memref<13116x128xf32, #tpu.memory_space<vmem_shared>>
              tpu.wait_indirect_dma semaphore(%run_scoped3A : memref<!tpu.dma_semaphore, #tpu.memory_space<semaphore_mem>>) src(%arg13 : memref<32x128xf32, #tpu.memory_space<vmem>>) dst(%dma_wait3A_316 : memref<13116x128xf32, #tpu.memory_space<vmem_shared>>)
              tpu.yield
            }) : () -> ()
          }
          %broadcast_in_dim3A_282 = arith.constant 0 : i32
          %broadcast_in_dim3A_283 = vector.broadcast %broadcast_in_dim3A_282 : i32 to vector<16xi32>
          scf.yield %broadcast_in_dim3A_283 : vector<16xi32>
        } else {
          scf.yield %scan3A_167 : vector<16xi32>
        }
        %lt3A_182 = arith.constant 7 : i32
        %lt3A_183 = arith.cmpi slt, %scan3A_140, %lt3A_182 : i32
        %convert_element_type3A_184 = arith.extui %lt3A_183 : i1 to i32
        %cond3A_185 = arith.constant 0 : i32
        %cond3A_186 = arith.cmpi ne, %convert_element_type3A_184, %cond3A_185 : i32
        scf.if %cond3A_186 {
          %mul3A_215 = arith.constant 2 : i32
          %mul3A_216 = arith.muli %mul3A_215, %scan3A_140 : i32
          %add3A_217 = arith.constant 2 : i32
          %add3A_218 = arith.addi %mul3A_216, %add3A_217 : i32
          %mul3A_219 = arith.constant 2048 : i32
          %mul3A_220 = arith.muli %add3A_218, %mul3A_219 : i32
          %add3A_221 = arith.addi %mul3A_3, %mul3A_220 : i32
          %dma_start3A_222 = tpu.memref_slice %arg3[%add3A_221] : memref<524288xi32, #tpu.memory_space<hbm>> -> memref<2048xi32, #tpu.memory_space<hbm>>
          %dma_start3A_223 = tpu.memref_slice %arg3[%add3A_221] : memref<524288xi32, #tpu.memory_space<hbm>> -> memref<2048xi32, #tpu.memory_space<hbm>>
          tpu.enqueue_dma source(%dma_start3A_223 : memref<2048xi32, #tpu.memory_space<hbm>>) target(%arg7 : memref<2048xi32, #tpu.memory_space<vmem>>) target_semaphore(%arg18 : memref<!tpu.dma_semaphore, #tpu.memory_space<semaphore_mem>>)
          %mul3A_224 = arith.constant 2048 : i32
          %mul3A_225 = arith.muli %add3A_218, %mul3A_224 : i32
          %add3A_226 = arith.addi %mul3A_3, %mul3A_225 : i32
          %dma_start3A_227 = tpu.memref_slice %arg4[%add3A_226] : memref<524288xi32, #tpu.memory_space<hbm>> -> memref<2048xi32, #tpu.memory_space<hbm>>
          %dma_start3A_228 = tpu.memref_slice %arg4[%add3A_226] : memref<524288xi32, #tpu.memory_space<hbm>> -> memref<2048xi32, #tpu.memory_space<hbm>>
          tpu.enqueue_dma source(%dma_start3A_228 : memref<2048xi32, #tpu.memory_space<hbm>>) target(%arg8 : memref<2048xi32, #tpu.memory_space<vmem>>) target_semaphore(%arg18 : memref<!tpu.dma_semaphore, #tpu.memory_space<semaphore_mem>>)
        } else {
        }
        %dma_wait3A_187 = arith.constant 0 : i32
        %dma_wait3A_188 = tpu.memref_slice %arg3[%dma_wait3A_187] : memref<524288xi32, #tpu.memory_space<hbm>> -> memref<2048xi32, #tpu.memory_space<hbm>>
        %dma_wait3A_189 = arith.constant 0 : i32
        %dma_wait3A_190 = tpu.memref_slice %arg3[%dma_wait3A_189] : memref<524288xi32, #tpu.memory_space<hbm>> -> memref<2048xi32, #tpu.memory_space<hbm>>
        tpu.wait_dma2 semaphore(%arg19 : memref<!tpu.dma_semaphore, #tpu.memory_space<semaphore_mem>>) src(%dma_wait3A_190 : memref<2048xi32, #tpu.memory_space<hbm>>) dst(%arg9 : memref<2048xi32, #tpu.memory_space<vmem>>)
        %dma_wait3A_191 = arith.constant 0 : i32
        %dma_wait3A_192 = tpu.memref_slice %arg3[%dma_wait3A_191] : memref<524288xi32, #tpu.memory_space<hbm>> -> memref<2048xi32, #tpu.memory_space<hbm>>
        %dma_wait3A_193 = arith.constant 0 : i32
        %dma_wait3A_194 = tpu.memref_slice %arg3[%dma_wait3A_193] : memref<524288xi32, #tpu.memory_space<hbm>> -> memref<2048xi32, #tpu.memory_space<hbm>>
        tpu.wait_dma2 semaphore(%arg19 : memref<!tpu.dma_semaphore, #tpu.memory_space<semaphore_mem>>) src(%dma_wait3A_194 : memref<2048xi32, #tpu.memory_space<hbm>>) dst(%arg10 : memref<2048xi32, #tpu.memory_space<vmem>>)
        %scan3A_195 = arith.constant 0 : i32
        %scan3A_196 = arith.constant 128 : i32
        %scan3A_197 = arith.addi %scan3A_195, %scan3A_196 : i32
        %scan3A_198 = arith.constant 1 : i32
        %scan3A_199 = scf.for %scan3A_215 = %scan3A_195 to %scan3A_197 step %scan3A_198 iter_args(%scan3A_216 = %cond3A_181) -> (vector<16xi32>)  : i32 {
          %mul3A_217 = arith.constant 16 : i32
          %mul3A_218 = arith.muli %scan3A_215, %mul3A_217 : i32
          %get3A = arith.index_cast %mul3A_218 : i32 to index
          %get3A_219 = tpu.vector_load %arg10[%get3A] {strides = array<i32>} : memref<2048xi32, #tpu.memory_space<vmem>>, vector<16xi32>,
          %mul3A_220 = arith.constant 16 : i32
          %mul3A_221 = arith.muli %scan3A_215, %mul3A_220 : i32
          %get3A_222 = arith.index_cast %mul3A_221 : i32 to index
          %get3A_223 = tpu.vector_load %arg9[%get3A_222] {strides = array<i32>} : memref<2048xi32, #tpu.memory_space<vmem>>, vector<16xi32>,
          %ge3A_224 = vector.broadcast %add3A_14 : i32 to vector<16xi32>
          %ge3A_225 = arith.cmpi sge, %get3A_219, %ge3A_224 : vector<16xi32>
          %add3A_226 = arith.constant 13112 : i32
          %add3A_227 = arith.addi %add3A_14, %add3A_226 : i32
          %lt3A_228 = vector.broadcast %add3A_227 : i32 to vector<16xi32>
          %lt3A_229 = arith.cmpi slt, %get3A_219, %lt3A_228 : vector<16xi32>
          %and3A_230 = arith.andi %ge3A_225, %lt3A_229 : vector<16xi1>
          %mul3A_231 = arith.constant 16 : i32
          %mul3A_232 = vector.broadcast %mul3A_231 : i32 to vector<16xi32>
          %mul3A_233 = arith.muli %scan3A_216, %mul3A_232 : vector<16xi32>
          %add3A_234 = arith.addi %mul3A_233, %iota3A : vector<16xi32>
          %select_n3A_235 = arith.select %and3A_230, %add3A_234, %add3A_2 : vector<16xi1>, vector<16xi32>
          tpu.vector_store_idx %arg11[%select_n3A_235], %get3A_223 : memref<4608xi32, #tpu.memory_space<vmem>>[vector<16xi32>], vector<16xi32>,
          %sub3A_236 = vector.broadcast %add3A_14 : i32 to vector<16xi32>
          %sub3A_237 = arith.subi %get3A_219, %sub3A_236 : vector<16xi32>
          tpu.vector_store_idx %arg12[%select_n3A_235], %sub3A_237 : memref<4608xi32, #tpu.memory_space<vmem>>[vector<16xi32>], vector<16xi32>,
          %convert_element_type3A_238 = arith.extui %and3A_230 : vector<16xi1> to vector<16xi32>
          %add3A_239 = arith.addi %scan3A_216, %convert_element_type3A_238 : vector<16xi32>
          scf.yield %add3A_239 : vector<16xi32>
        }
        %scan3A_200 = arith.constant 128 : i32
        %reduce_max3A_201 = arith.constant true
        %reduce_max3A_202 = vector.broadcast %reduce_max3A_201 : i1 to vector<16xi1>
        %reduce_max3A_203 = arith.constant -2147483648 : i32
        %reduce_max3A_204 = vector.broadcast %reduce_max3A_203 : i32 to vector<16xi32>
        %reduce_max3A_205 = arith.xori %scan3A_199, %reduce_max3A_204 : vector<16xi32>
        %reduce_max3A_206 = tpu.scan <max>, %reduce_max3A_205 masked %reduce_max3A_202 : vector<16xi32>, vector<16xi1> -> vector<16xi32>
        %reduce_max3A_207 = arith.xori %reduce_max3A_206, %reduce_max3A_204 : vector<16xi32>
        %reduce_max3A_208 = vector.extract %reduce_max3A_207[15] : i32 from vector<16xi32>
        %ge3A_209 = arith.constant 156 : i32
        %ge3A_210 = arith.cmpi sge, %reduce_max3A_208, %ge3A_209 : i32
        %convert_element_type3A_211 = arith.extui %ge3A_210 : i1 to i32
        %cond3A_212 = arith.constant 0 : i32
        %cond3A_213 = arith.cmpi ne, %convert_element_type3A_211, %cond3A_212 : i32
        %cond3A_214 = scf.if %cond3A_213 -> (vector<16xi32>) {
          %reduce_max3A_215 = arith.constant true
          %reduce_max3A_216 = vector.broadcast %reduce_max3A_215 : i1 to vector<16xi1>
          %reduce_max3A_217 = arith.constant -2147483648 : i32
          %reduce_max3A_218 = vector.broadcast %reduce_max3A_217 : i32 to vector<16xi32>
          %reduce_max3A_219 = arith.xori %scan3A_199, %reduce_max3A_218 : vector<16xi32>
          %reduce_max3A_220 = tpu.scan <max>, %reduce_max3A_219 masked %reduce_max3A_216 : vector<16xi32>, vector<16xi1> -> vector<16xi32>
          %reduce_max3A_221 = arith.xori %reduce_max3A_220, %reduce_max3A_218 : vector<16xi32>
          %reduce_max3A_222 = vector.extract %reduce_max3A_221[15] : i32 from vector<16xi32>
          %and3A_223 = arith.constant 1 : i32
          %and3A_224 = arith.andi %reduce_max3A_222, %and3A_223 : i32
          %add3A_225 = arith.addi %reduce_max3A_222, %and3A_224 : i32
          %reduce_min3A_226 = arith.constant true
          %reduce_min3A_227 = vector.broadcast %reduce_min3A_226 : i1 to vector<16xi1>
          %reduce_min3A_228 = arith.constant -2147483648 : i32
          %reduce_min3A_229 = vector.broadcast %reduce_min3A_228 : i32 to vector<16xi32>
          %reduce_min3A_230 = arith.xori %scan3A_199, %reduce_min3A_229 : vector<16xi32>
          %reduce_min3A_231 = tpu.scan <min>, %reduce_min3A_230 masked %reduce_min3A_227 : vector<16xi32>, vector<16xi1> -> vector<16xi32>
          %reduce_min3A_232 = arith.xori %reduce_min3A_231, %reduce_min3A_229 : vector<16xi32>
          %reduce_min3A_233 = vector.extract %reduce_min3A_232[15] : i32 from vector<16xi32>
          %sub3A_234 = arith.subi %add3A_225, %reduce_min3A_233 : i32
          %while3A_235 = arith.constant 0 : i32
          %while3A_236 = arith.subi %sub3A_234, %while3A_235 : i32
          %while3A_237 = arith.addi %while3A_235, %while3A_236 : i32
          %while3A_238 = arith.constant 1 : i32
          %while3A_239 = arith.divsi %while3A_236, %while3A_238 : i32
          %while3A_240 = arith.muli %while3A_239, %while3A_238 : i32
          %while3A_241 = arith.addi %while3A_235, %while3A_240 : i32
          %while3A_242 = arith.constant 1 : i32
          %while3A_243 = scf.for %while3A_284 = %while3A_235 to %while3A_241 step %while3A_242 iter_args(%while3A_285 = %scan3A_199) -> (vector<16xi32>)  : i32 {
            %lt3A_286 = vector.broadcast %add3A_225 : i32 to vector<16xi32>
            %lt3A_287 = arith.cmpi slt, %while3A_285, %lt3A_286 : vector<16xi32>
            %mul3A_288 = arith.constant 16 : i32
            %mul3A_289 = vector.broadcast %mul3A_288 : i32 to vector<16xi32>
            %mul3A_290 = arith.muli %while3A_285, %mul3A_289 : vector<16xi32>
            %add3A_291 = arith.addi %mul3A_290, %iota3A : vector<16xi32>
            %select_n3A_292 = arith.select %lt3A_287, %add3A_291, %add3A_2 : vector<16xi1>, vector<16xi32>
            tpu.vector_store_idx %arg11[%select_n3A_292], %iota3A : memref<4608xi32, #tpu.memory_space<vmem>>[vector<16xi32>], vector<16xi32>,
            tpu.vector_store_idx %arg12[%select_n3A_292], %broadcast_in_dim3A_0 : memref<4608xi32, #tpu.memory_space<vmem>>[vector<16xi32>], vector<16xi32>,
            %convert_element_type3A_293 = arith.extui %lt3A_287 : vector<16xi1> to vector<16xi32>
            %add3A_294 = arith.addi %while3A_285, %convert_element_type3A_293 : vector<16xi32>
            scf.yield %add3A_294 : vector<16xi32>
          }
          %while3A_244 = arith.constant 1 : i32
          %while3A_245 = scf.for %while3A_284 = %while3A_241 to %while3A_237 step %while3A_244 iter_args(%while3A_285 = %while3A_243) -> (vector<16xi32>)  : i32 {
            %lt3A_286 = vector.broadcast %add3A_225 : i32 to vector<16xi32>
            %lt3A_287 = arith.cmpi slt, %while3A_285, %lt3A_286 : vector<16xi32>
            %mul3A_288 = arith.constant 16 : i32
            %mul3A_289 = vector.broadcast %mul3A_288 : i32 to vector<16xi32>
            %mul3A_290 = arith.muli %while3A_285, %mul3A_289 : vector<16xi32>
            %add3A_291 = arith.addi %mul3A_290, %iota3A : vector<16xi32>
            %select_n3A_292 = arith.select %lt3A_287, %add3A_291, %add3A_2 : vector<16xi1>, vector<16xi32>
            tpu.vector_store_idx %arg11[%select_n3A_292], %iota3A : memref<4608xi32, #tpu.memory_space<vmem>>[vector<16xi32>], vector<16xi32>,
            tpu.vector_store_idx %arg12[%select_n3A_292], %broadcast_in_dim3A_0 : memref<4608xi32, #tpu.memory_space<vmem>>[vector<16xi32>], vector<16xi32>,
            %convert_element_type3A_293 = arith.extui %lt3A_287 : vector<16xi1> to vector<16xi32>
            %add3A_294 = arith.addi %while3A_285, %convert_element_type3A_293 : vector<16xi32>
            scf.yield %add3A_294 : vector<16xi32>
          }
          %mul3A_246 = arith.constant 16 : i32
          %mul3A_247 = arith.muli %add3A_225, %mul3A_246 : i32
          %jit3A_248 = arith.constant 32 : i32
          %div3A_249 = arith.divsi %mul3A_247, %jit3A_248 : i32
          %sign3A_250 = arith.constant 0 : i32
          %sign3A_251 = arith.cmpi sgt, %mul3A_247, %sign3A_250 : i32
          %sign3A_252 = arith.extui %sign3A_251 : i1 to i32
          %sign3A_253 = arith.constant 0 : i32
          %sign3A_254 = arith.cmpi slt, %mul3A_247, %sign3A_253 : i32
          %sign3A_255 = arith.extui %sign3A_254 : i1 to i32
          %sign3A_256 = arith.subi %sign3A_252, %sign3A_255 : i32
          %sign3A_257 = arith.constant 0 : i32
          %sign3A_258 = arith.cmpi sgt, %jit3A_248, %sign3A_257 : i32
          %sign3A_259 = arith.extui %sign3A_258 : i1 to i32
          %sign3A_260 = arith.constant 0 : i32
          %sign3A_261 = arith.cmpi slt, %jit3A_248, %sign3A_260 : i32
          %sign3A_262 = arith.extui %sign3A_261 : i1 to i32
          %sign3A_263 = arith.subi %sign3A_259, %sign3A_262 : i32
          %ne3A_264 = arith.cmpi ne, %sign3A_256, %sign3A_263 : i32
          %rem3A_265 = arith.remsi %mul3A_247, %jit3A_248 : i32
          %ne3A_266 = arith.constant 0 : i32
          %ne3A_267 = arith.cmpi ne, %rem3A_265, %ne3A_266 : i32
          %and3A_268 = arith.andi %ne3A_264, %ne3A_267 : i1
          %sub3A_269 = arith.constant 1 : i32
          %sub3A_270 = arith.subi %div3A_249, %sub3A_269 : i32
          %select_n3A_271 = arith.select %and3A_268, %sub3A_270, %div3A_249 : i32
          %while3A_272 = arith.constant 0 : i32
          %while3A_273 = arith.constant 0 : i32
          %while3A_274 = arith.subi %select_n3A_271, %while3A_273 : i32
          %while3A_275 = arith.addi %while3A_273, %while3A_274 : i32
          %while3A_276 = arith.constant 1 : i32
          %while3A_277 = arith.divsi %while3A_274, %while3A_276 : i32
          %while3A_278 = arith.muli %while3A_277, %while3A_276 : i32
          %while3A_279 = arith.addi %while3A_273, %while3A_278 : i32
          %while3A_280 = arith.constant 1 : i32
          scf.for %while3A_284 = %while3A_273 to %while3A_279 step %while3A_280  : i32 {
            %mul3A_285 = arith.constant 32 : i32
            %mul3A_286 = arith.muli %while3A_284, %mul3A_285 : i32
            %dma_start3A_287 = tpu.memref_slice %arg11[%mul3A_286] : memref<4608xi32, #tpu.memory_space<vmem>> -> memref<32xi32, #tpu.memory_space<vmem>>
            %dma_start3A_288 = arith.constant 0 : i32
            %dma_start3A_289 = arith.constant 0 : i32
            %dma_start3A_290 = tpu.memref_slice %arg2[%dma_start3A_288, %dma_start3A_289] : memref<262144x128xf32, #tpu.memory_space<hbm>> -> memref<262144x128xf32, #tpu.memory_space<hbm>>
            tpu.enqueue_indirect_dma source(%dma_start3A_290 : memref<262144x128xf32, #tpu.memory_space<hbm>>) target(%arg13 : memref<32x128xf32, #tpu.memory_space<vmem>>) offsets(%dma_start3A_287 : memref<32xi32, #tpu.memory_space<vmem>>) semaphore(%arg20 : memref<!tpu.dma_semaphore, #tpu.memory_space<semaphore_mem>>)
            %dma_wait3A_291 = arith.constant 0 : i32
            %dma_wait3A_292 = arith.constant 0 : i32
            %dma_wait3A_293 = tpu.memref_slice %arg2[%dma_wait3A_291, %dma_wait3A_292] : memref<262144x128xf32, #tpu.memory_space<hbm>> -> memref<32x128xf32, #tpu.memory_space<hbm>>
            %dma_wait3A_294 = arith.constant 0 : i32
            %dma_wait3A_295 = arith.constant 0 : i32
            %dma_wait3A_296 = tpu.memref_slice %arg2[%dma_wait3A_294, %dma_wait3A_295] : memref<262144x128xf32, #tpu.memory_space<hbm>> -> memref<32x128xf32, #tpu.memory_space<hbm>>
            tpu.wait_dma2 semaphore(%arg20 : memref<!tpu.dma_semaphore, #tpu.memory_space<semaphore_mem>>) src(%dma_wait3A_296 : memref<32x128xf32, #tpu.memory_space<hbm>>) dst(%arg13 : memref<32x128xf32, #tpu.memory_space<vmem>>)
            %mul3A_297 = arith.constant 32 : i32
            %mul3A_298 = arith.muli %while3A_284, %mul3A_297 : i32
            %add3A_299 = arith.constant 0 : i32
            %add3A_300 = arith.addi %mul3A_298, %add3A_299 : i32
            %get3A = arith.index_cast %add3A_300 : i32 to index
            %get3A_301 = tpu.vector_load %arg12[%get3A] {strides = array<i32>} : memref<4608xi32, #tpu.memory_space<vmem>>, vector<16xi32>,
            %swap3A = arith.constant 0 : index
            %swap3A_302 = tpu.vector_load %arg15[%swap3A] {strides = array<i32>} : memref<32xi32, #tpu.memory_space<vmem>>, vector<16xi32>,
            tpu.vector_store %arg15[%swap3A], %get3A_301 {strides = array<i32>} : memref<32xi32, #tpu.memory_space<vmem>>, vector<16xi32>,
            %mul3A_303 = arith.constant 32 : i32
            %mul3A_304 = arith.muli %while3A_284, %mul3A_303 : i32
            %add3A_305 = arith.constant 16 : i32
            %add3A_306 = arith.addi %mul3A_304, %add3A_305 : i32
            %get3A_307 = arith.index_cast %add3A_306 : i32 to index
            %get3A_308 = tpu.vector_load %arg12[%get3A_307] {strides = array<i32>} : memref<4608xi32, #tpu.memory_space<vmem>>, vector<16xi32>,
            %swap3A_309 = arith.constant 16 : index
            %swap3A_310 = tpu.vector_load %arg15[%swap3A_309] {strides = array<i32>} : memref<32xi32, #tpu.memory_space<vmem>>, vector<16xi32>,
            tpu.vector_store %arg15[%swap3A_309], %get3A_308 {strides = array<i32>} : memref<32xi32, #tpu.memory_space<vmem>>, vector<16xi32>,
            "tpu.region"() ({
              %run_scoped3A = tpu.sem_alloc : memref<!tpu.dma_semaphore, #tpu.memory_space<semaphore_mem>>
              %dma_start3A_311 = arith.constant 0 : i32
              %dma_start3A_312 = arith.constant 0 : i32
              %dma_start3A_313 = tpu.memref_slice %arg17[%dma_start3A_311, %dma_start3A_312] : memref<13116x128xf32, #tpu.memory_space<vmem_shared>> -> memref<13116x128xf32, #tpu.memory_space<vmem_shared>>
              tpu.enqueue_indirect_dma source(%arg13 : memref<32x128xf32, #tpu.memory_space<vmem>>) target(%dma_start3A_313 : memref<13116x128xf32, #tpu.memory_space<vmem_shared>>) offsets(%arg15 : memref<32xi32, #tpu.memory_space<vmem>>) semaphore(%run_scoped3A : memref<!tpu.dma_semaphore, #tpu.memory_space<semaphore_mem>>) {add = true}
              %dma_wait3A_314 = arith.constant 0 : i32
              %dma_wait3A_315 = arith.constant 0 : i32
              %dma_wait3A_316 = tpu.memref_slice %arg17[%dma_wait3A_314, %dma_wait3A_315] : memref<13116x128xf32, #tpu.memory_space<vmem_shared>> -> memref<13116x128xf32, #tpu.memory_space<vmem_shared>>
              tpu.wait_indirect_dma semaphore(%run_scoped3A : memref<!tpu.dma_semaphore, #tpu.memory_space<semaphore_mem>>) src(%arg13 : memref<32x128xf32, #tpu.memory_space<vmem>>) dst(%dma_wait3A_316 : memref<13116x128xf32, #tpu.memory_space<vmem_shared>>)
              tpu.yield
            }) : () -> ()
          }
          %while3A_281 = arith.constant 1 : i32
          scf.for %while3A_284 = %while3A_279 to %while3A_275 step %while3A_281  : i32 {
            %mul3A_285 = arith.constant 32 : i32
            %mul3A_286 = arith.muli %while3A_284, %mul3A_285 : i32
            %dma_start3A_287 = tpu.memref_slice %arg11[%mul3A_286] : memref<4608xi32, #tpu.memory_space<vmem>> -> memref<32xi32, #tpu.memory_space<vmem>>
            %dma_start3A_288 = arith.constant 0 : i32
            %dma_start3A_289 = arith.constant 0 : i32
            %dma_start3A_290 = tpu.memref_slice %arg2[%dma_start3A_288, %dma_start3A_289] : memref<262144x128xf32, #tpu.memory_space<hbm>> -> memref<262144x128xf32, #tpu.memory_space<hbm>>
            tpu.enqueue_indirect_dma source(%dma_start3A_290 : memref<262144x128xf32, #tpu.memory_space<hbm>>) target(%arg13 : memref<32x128xf32, #tpu.memory_space<vmem>>) offsets(%dma_start3A_287 : memref<32xi32, #tpu.memory_space<vmem>>) semaphore(%arg20 : memref<!tpu.dma_semaphore, #tpu.memory_space<semaphore_mem>>)
            %dma_wait3A_291 = arith.constant 0 : i32
            %dma_wait3A_292 = arith.constant 0 : i32
            %dma_wait3A_293 = tpu.memref_slice %arg2[%dma_wait3A_291, %dma_wait3A_292] : memref<262144x128xf32, #tpu.memory_space<hbm>> -> memref<32x128xf32, #tpu.memory_space<hbm>>
            %dma_wait3A_294 = arith.constant 0 : i32
            %dma_wait3A_295 = arith.constant 0 : i32
            %dma_wait3A_296 = tpu.memref_slice %arg2[%dma_wait3A_294, %dma_wait3A_295] : memref<262144x128xf32, #tpu.memory_space<hbm>> -> memref<32x128xf32, #tpu.memory_space<hbm>>
            tpu.wait_dma2 semaphore(%arg20 : memref<!tpu.dma_semaphore, #tpu.memory_space<semaphore_mem>>) src(%dma_wait3A_296 : memref<32x128xf32, #tpu.memory_space<hbm>>) dst(%arg13 : memref<32x128xf32, #tpu.memory_space<vmem>>)
            %mul3A_297 = arith.constant 32 : i32
            %mul3A_298 = arith.muli %while3A_284, %mul3A_297 : i32
            %add3A_299 = arith.constant 0 : i32
            %add3A_300 = arith.addi %mul3A_298, %add3A_299 : i32
            %get3A = arith.index_cast %add3A_300 : i32 to index
            %get3A_301 = tpu.vector_load %arg12[%get3A] {strides = array<i32>} : memref<4608xi32, #tpu.memory_space<vmem>>, vector<16xi32>,
            %swap3A = arith.constant 0 : index
            %swap3A_302 = tpu.vector_load %arg15[%swap3A] {strides = array<i32>} : memref<32xi32, #tpu.memory_space<vmem>>, vector<16xi32>,
            tpu.vector_store %arg15[%swap3A], %get3A_301 {strides = array<i32>} : memref<32xi32, #tpu.memory_space<vmem>>, vector<16xi32>,
            %mul3A_303 = arith.constant 32 : i32
            %mul3A_304 = arith.muli %while3A_284, %mul3A_303 : i32
            %add3A_305 = arith.constant 16 : i32
            %add3A_306 = arith.addi %mul3A_304, %add3A_305 : i32
            %get3A_307 = arith.index_cast %add3A_306 : i32 to index
            %get3A_308 = tpu.vector_load %arg12[%get3A_307] {strides = array<i32>} : memref<4608xi32, #tpu.memory_space<vmem>>, vector<16xi32>,
            %swap3A_309 = arith.constant 16 : index
            %swap3A_310 = tpu.vector_load %arg15[%swap3A_309] {strides = array<i32>} : memref<32xi32, #tpu.memory_space<vmem>>, vector<16xi32>,
            tpu.vector_store %arg15[%swap3A_309], %get3A_308 {strides = array<i32>} : memref<32xi32, #tpu.memory_space<vmem>>, vector<16xi32>,
            "tpu.region"() ({
              %run_scoped3A = tpu.sem_alloc : memref<!tpu.dma_semaphore, #tpu.memory_space<semaphore_mem>>
              %dma_start3A_311 = arith.constant 0 : i32
              %dma_start3A_312 = arith.constant 0 : i32
              %dma_start3A_313 = tpu.memref_slice %arg17[%dma_start3A_311, %dma_start3A_312] : memref<13116x128xf32, #tpu.memory_space<vmem_shared>> -> memref<13116x128xf32, #tpu.memory_space<vmem_shared>>
              tpu.enqueue_indirect_dma source(%arg13 : memref<32x128xf32, #tpu.memory_space<vmem>>) target(%dma_start3A_313 : memref<13116x128xf32, #tpu.memory_space<vmem_shared>>) offsets(%arg15 : memref<32xi32, #tpu.memory_space<vmem>>) semaphore(%run_scoped3A : memref<!tpu.dma_semaphore, #tpu.memory_space<semaphore_mem>>) {add = true}
              %dma_wait3A_314 = arith.constant 0 : i32
              %dma_wait3A_315 = arith.constant 0 : i32
              %dma_wait3A_316 = tpu.memref_slice %arg17[%dma_wait3A_314, %dma_wait3A_315] : memref<13116x128xf32, #tpu.memory_space<vmem_shared>> -> memref<13116x128xf32, #tpu.memory_space<vmem_shared>>
              tpu.wait_indirect_dma semaphore(%run_scoped3A : memref<!tpu.dma_semaphore, #tpu.memory_space<semaphore_mem>>) src(%arg13 : memref<32x128xf32, #tpu.memory_space<vmem>>) dst(%dma_wait3A_316 : memref<13116x128xf32, #tpu.memory_space<vmem_shared>>)
              tpu.yield
            }) : () -> ()
          }
          %broadcast_in_dim3A_282 = arith.constant 0 : i32
          %broadcast_in_dim3A_283 = vector.broadcast %broadcast_in_dim3A_282 : i32 to vector<16xi32>
          scf.yield %broadcast_in_dim3A_283 : vector<16xi32>
        } else {
          scf.yield %scan3A_199 : vector<16xi32>
        }
        scf.yield %cond3A_214 : vector<16xi32>
      }
      %scan3A_33 = arith.constant 8 : i32
      %reduce_max3A = arith.constant true
      %reduce_max3A_34 = vector.broadcast %reduce_max3A : i1 to vector<16xi1>
      %reduce_max3A_35 = arith.constant -2147483648 : i32
      %reduce_max3A_36 = vector.broadcast %reduce_max3A_35 : i32 to vector<16xi32>
      %reduce_max3A_37 = arith.xori %scan3A_32, %reduce_max3A_36 : vector<16xi32>
      %reduce_max3A_38 = tpu.scan <max>, %reduce_max3A_37 masked %reduce_max3A_34 : vector<16xi32>, vector<16xi1> -> vector<16xi32>
      %reduce_max3A_39 = arith.xori %reduce_max3A_38, %reduce_max3A_36 : vector<16xi32>
      %reduce_max3A_40 = vector.extract %reduce_max3A_39[15] : i32 from vector<16xi32>
      %and3A = arith.constant 1 : i32
      %and3A_41 = arith.andi %reduce_max3A_40, %and3A : i32
      %add3A_42 = arith.addi %reduce_max3A_40, %and3A_41 : i32
      %reduce_min3A = arith.constant true
      %reduce_min3A_43 = vector.broadcast %reduce_min3A : i1 to vector<16xi1>
      %reduce_min3A_44 = arith.constant -2147483648 : i32
      %reduce_min3A_45 = vector.broadcast %reduce_min3A_44 : i32 to vector<16xi32>
      %reduce_min3A_46 = arith.xori %scan3A_32, %reduce_min3A_45 : vector<16xi32>
      %reduce_min3A_47 = tpu.scan <min>, %reduce_min3A_46 masked %reduce_min3A_43 : vector<16xi32>, vector<16xi1> -> vector<16xi32>
      %reduce_min3A_48 = arith.xori %reduce_min3A_47, %reduce_min3A_45 : vector<16xi32>
      %reduce_min3A_49 = vector.extract %reduce_min3A_48[15] : i32 from vector<16xi32>
      %sub3A = arith.subi %add3A_42, %reduce_min3A_49 : i32
      %while3A = arith.constant 0 : i32
      %while3A_50 = arith.subi %sub3A, %while3A : i32
      %while3A_51 = arith.addi %while3A, %while3A_50 : i32
      %while3A_52 = arith.constant 1 : i32
      %while3A_53 = arith.divsi %while3A_50, %while3A_52 : i32
      %while3A_54 = arith.muli %while3A_53, %while3A_52 : i32
      %while3A_55 = arith.addi %while3A, %while3A_54 : i32
      %while3A_56 = arith.constant 1 : i32
      %while3A_57 = scf.for %while3A_140 = %while3A to %while3A_55 step %while3A_56 iter_args(%while3A_141 = %scan3A_32) -> (vector<16xi32>)  : i32 {
        %lt3A_142 = vector.broadcast %add3A_42 : i32 to vector<16xi32>
        %lt3A_143 = arith.cmpi slt, %while3A_141, %lt3A_142 : vector<16xi32>
        %mul3A_144 = arith.constant 16 : i32
        %mul3A_145 = vector.broadcast %mul3A_144 : i32 to vector<16xi32>
        %mul3A_146 = arith.muli %while3A_141, %mul3A_145 : vector<16xi32>
        %add3A_147 = arith.addi %mul3A_146, %iota3A : vector<16xi32>
        %select_n3A_148 = arith.select %lt3A_143, %add3A_147, %add3A_2 : vector<16xi1>, vector<16xi32>
        tpu.vector_store_idx %arg11[%select_n3A_148], %iota3A : memref<4608xi32, #tpu.memory_space<vmem>>[vector<16xi32>], vector<16xi32>,
        tpu.vector_store_idx %arg12[%select_n3A_148], %broadcast_in_dim3A_0 : memref<4608xi32, #tpu.memory_space<vmem>>[vector<16xi32>], vector<16xi32>,
        %convert_element_type3A_149 = arith.extui %lt3A_143 : vector<16xi1> to vector<16xi32>
        %add3A_150 = arith.addi %while3A_141, %convert_element_type3A_149 : vector<16xi32>
        scf.yield %add3A_150 : vector<16xi32>
      }
      %while3A_58 = arith.constant 1 : i32
      %while3A_59 = scf.for %while3A_140 = %while3A_55 to %while3A_51 step %while3A_58 iter_args(%while3A_141 = %while3A_57) -> (vector<16xi32>)  : i32 {
        %lt3A_142 = vector.broadcast %add3A_42 : i32 to vector<16xi32>
        %lt3A_143 = arith.cmpi slt, %while3A_141, %lt3A_142 : vector<16xi32>
        %mul3A_144 = arith.constant 16 : i32
        %mul3A_145 = vector.broadcast %mul3A_144 : i32 to vector<16xi32>
        %mul3A_146 = arith.muli %while3A_141, %mul3A_145 : vector<16xi32>
        %add3A_147 = arith.addi %mul3A_146, %iota3A : vector<16xi32>
        %select_n3A_148 = arith.select %lt3A_143, %add3A_147, %add3A_2 : vector<16xi1>, vector<16xi32>
        tpu.vector_store_idx %arg11[%select_n3A_148], %iota3A : memref<4608xi32, #tpu.memory_space<vmem>>[vector<16xi32>], vector<16xi32>,
        tpu.vector_store_idx %arg12[%select_n3A_148], %broadcast_in_dim3A_0 : memref<4608xi32, #tpu.memory_space<vmem>>[vector<16xi32>], vector<16xi32>,
        %convert_element_type3A_149 = arith.extui %lt3A_143 : vector<16xi1> to vector<16xi32>
        %add3A_150 = arith.addi %while3A_141, %convert_element_type3A_149 : vector<16xi32>
        scf.yield %add3A_150 : vector<16xi32>
      }
      %mul3A_60 = arith.constant 16 : i32
      %mul3A_61 = arith.muli %add3A_42, %mul3A_60 : i32
      %jit3A = arith.constant 32 : i32
      %div3A = arith.divsi %mul3A_61, %jit3A : i32
      %sign3A = arith.constant 0 : i32
      %sign3A_62 = arith.cmpi sgt, %mul3A_61, %sign3A : i32
      %sign3A_63 = arith.extui %sign3A_62 : i1 to i32
      %sign3A_64 = arith.constant 0 : i32
      %sign3A_65 = arith.cmpi slt, %mul3A_61, %sign3A_64 : i32
      %sign3A_66 = arith.extui %sign3A_65 : i1 to i32
      %sign3A_67 = arith.subi %sign3A_63, %sign3A_66 : i32
      %sign3A_68 = arith.constant 0 : i32
      %sign3A_69 = arith.cmpi sgt, %jit3A, %sign3A_68 : i32
      %sign3A_70 = arith.extui %sign3A_69 : i1 to i32
      %sign3A_71 = arith.constant 0 : i32
      %sign3A_72 = arith.cmpi slt, %jit3A, %sign3A_71 : i32
      %sign3A_73 = arith.extui %sign3A_72 : i1 to i32
      %sign3A_74 = arith.subi %sign3A_70, %sign3A_73 : i32
      %ne3A = arith.cmpi ne, %sign3A_67, %sign3A_74 : i32
      %rem3A = arith.remsi %mul3A_61, %jit3A : i32
      %ne3A_75 = arith.constant 0 : i32
      %ne3A_76 = arith.cmpi ne, %rem3A, %ne3A_75 : i32
      %and3A_77 = arith.andi %ne3A, %ne3A_76 : i1
      %sub3A_78 = arith.constant 1 : i32
      %sub3A_79 = arith.subi %div3A, %sub3A_78 : i32
      %select_n3A = arith.select %and3A_77, %sub3A_79, %div3A : i32
      %gt3A = arith.constant 0 : i32
      %gt3A_80 = arith.cmpi sgt, %select_n3A, %gt3A : i32
      %convert_element_type3A_81 = arith.extui %gt3A_80 : i1 to i32
      %cond3A_82 = arith.constant 0 : i32
      %cond3A_83 = arith.cmpi ne, %convert_element_type3A_81, %cond3A_82 : i32
      scf.if %cond3A_83 {
        %dma_start3A_140 = arith.constant 0 : i32
        %dma_start3A_141 = tpu.memref_slice %arg11[%dma_start3A_140] : memref<4608xi32, #tpu.memory_space<vmem>> -> memref<32xi32, #tpu.memory_space<vmem>>
        %dma_start3A_142 = arith.constant 0 : i32
        %dma_start3A_143 = arith.constant 0 : i32
        %dma_start3A_144 = tpu.memref_slice %arg2[%dma_start3A_142, %dma_start3A_143] : memref<262144x128xf32, #tpu.memory_space<hbm>> -> memref<262144x128xf32, #tpu.memory_space<hbm>>
        tpu.enqueue_indirect_dma source(%dma_start3A_144 : memref<262144x128xf32, #tpu.memory_space<hbm>>) target(%arg13 : memref<32x128xf32, #tpu.memory_space<vmem>>) offsets(%dma_start3A_141 : memref<32xi32, #tpu.memory_space<vmem>>) semaphore(%arg20 : memref<!tpu.dma_semaphore, #tpu.memory_space<semaphore_mem>>)
      } else {
      }
      %gt3A_84 = arith.constant 1 : i32
      %gt3A_85 = arith.cmpi sgt, %select_n3A, %gt3A_84 : i32
      %convert_element_type3A_86 = arith.extui %gt3A_85 : i1 to i32
      %cond3A_87 = arith.constant 0 : i32
      %cond3A_88 = arith.cmpi ne, %convert_element_type3A_86, %cond3A_87 : i32
      scf.if %cond3A_88 {
        %dma_start3A_140 = arith.constant 32 : i32
        %dma_start3A_141 = tpu.memref_slice %arg11[%dma_start3A_140] : memref<4608xi32, #tpu.memory_space<vmem>> -> memref<32xi32, #tpu.memory_space<vmem>>
        %dma_start3A_142 = arith.constant 0 : i32
        %dma_start3A_143 = arith.constant 0 : i32
        %dma_start3A_144 = tpu.memref_slice %arg2[%dma_start3A_142, %dma_start3A_143] : memref<262144x128xf32, #tpu.memory_space<hbm>> -> memref<262144x128xf32, #tpu.memory_space<hbm>>
        tpu.enqueue_indirect_dma source(%dma_start3A_144 : memref<262144x128xf32, #tpu.memory_space<hbm>>) target(%arg14 : memref<32x128xf32, #tpu.memory_space<vmem>>) offsets(%dma_start3A_141 : memref<32xi32, #tpu.memory_space<vmem>>) semaphore(%arg21 : memref<!tpu.dma_semaphore, #tpu.memory_space<semaphore_mem>>)
      } else {
      }
      %add3A_89 = arith.constant 1 : i32
      %add3A_90 = arith.addi %select_n3A, %add3A_89 : i32
      %jit3A_91 = arith.constant 2 : i32
      %div3A_92 = arith.divsi %add3A_90, %jit3A_91 : i32
      %sign3A_93 = arith.constant 0 : i32
      %sign3A_94 = arith.cmpi sgt, %add3A_90, %sign3A_93 : i32
      %sign3A_95 = arith.extui %sign3A_94 : i1 to i32
      %sign3A_96 = arith.constant 0 : i32
      %sign3A_97 = arith.cmpi slt, %add3A_90, %sign3A_96 : i32
      %sign3A_98 = arith.extui %sign3A_97 : i1 to i32
      %sign3A_99 = arith.subi %sign3A_95, %sign3A_98 : i32
      %sign3A_100 = arith.constant 0 : i32
      %sign3A_101 = arith.cmpi sgt, %jit3A_91, %sign3A_100 : i32
      %sign3A_102 = arith.extui %sign3A_101 : i1 to i32
      %sign3A_103 = arith.constant 0 : i32
      %sign3A_104 = arith.cmpi slt, %jit3A_91, %sign3A_103 : i32
      %sign3A_105 = arith.extui %sign3A_104 : i1 to i32
      %sign3A_106 = arith.subi %sign3A_102, %sign3A_105 : i32
      %ne3A_107 = arith.cmpi ne, %sign3A_99, %sign3A_106 : i32
      %rem3A_108 = arith.remsi %add3A_90, %jit3A_91 : i32
      %ne3A_109 = arith.constant 0 : i32
      %ne3A_110 = arith.cmpi ne, %rem3A_108, %ne3A_109 : i32
      %and3A_111 = arith.andi %ne3A_107, %ne3A_110 : i1
      %sub3A_112 = arith.constant 1 : i32
      %sub3A_113 = arith.subi %div3A_92, %sub3A_112 : i32
      %select_n3A_114 = arith.select %and3A_111, %sub3A_113, %div3A_92 : i32
      %while3A_115 = arith.constant 0 : i32
      %while3A_116 = arith.constant 0 : i32
      %while3A_117 = arith.subi %select_n3A_114, %while3A_116 : i32
      %while3A_118 = arith.addi %while3A_116, %while3A_117 : i32
      %while3A_119 = arith.constant 1 : i32
      %while3A_120 = arith.divsi %while3A_117, %while3A_119 : i32
      %while3A_121 = arith.muli %while3A_120, %while3A_119 : i32
      %while3A_122 = arith.addi %while3A_116, %while3A_121 : i32
      %while3A_123 = arith.constant 1 : i32
      scf.for %while3A_140 = %while3A_116 to %while3A_122 step %while3A_123  : i32 {
        %mul3A_141 = arith.constant 2 : i32
        %mul3A_142 = arith.muli %mul3A_141, %while3A_140 : i32
        %mul3A_143 = arith.constant 2 : i32
        %mul3A_144 = arith.muli %mul3A_143, %while3A_140 : i32
        %add3A_145 = arith.constant 1 : i32
        %add3A_146 = arith.addi %mul3A_144, %add3A_145 : i32
        %dma_wait3A = arith.constant 0 : i32
        %dma_wait3A_147 = arith.constant 0 : i32
        %dma_wait3A_148 = tpu.memref_slice %arg2[%dma_wait3A, %dma_wait3A_147] : memref<262144x128xf32, #tpu.memory_space<hbm>> -> memref<32x128xf32, #tpu.memory_space<hbm>>
        %dma_wait3A_149 = arith.constant 0 : i32
        %dma_wait3A_150 = arith.constant 0 : i32
        %dma_wait3A_151 = tpu.memref_slice %arg2[%dma_wait3A_149, %dma_wait3A_150] : memref<262144x128xf32, #tpu.memory_space<hbm>> -> memref<32x128xf32, #tpu.memory_space<hbm>>
        tpu.wait_dma2 semaphore(%arg20 : memref<!tpu.dma_semaphore, #tpu.memory_space<semaphore_mem>>) src(%dma_wait3A_151 : memref<32x128xf32, #tpu.memory_space<hbm>>) dst(%arg13 : memref<32x128xf32, #tpu.memory_space<vmem>>)
        %mul3A_152 = arith.constant 32 : i32
        %mul3A_153 = arith.muli %mul3A_142, %mul3A_152 : i32
        %add3A_154 = arith.constant 0 : i32
        %add3A_155 = arith.addi %mul3A_153, %add3A_154 : i32
        %get3A = arith.index_cast %add3A_155 : i32 to index
        %get3A_156 = tpu.vector_load %arg12[%get3A] {strides = array<i32>} : memref<4608xi32, #tpu.memory_space<vmem>>, vector<16xi32>,
        %swap3A = arith.constant 0 : index
        %swap3A_157 = tpu.vector_load %arg15[%swap3A] {strides = array<i32>} : memref<32xi32, #tpu.memory_space<vmem>>, vector<16xi32>,
        tpu.vector_store %arg15[%swap3A], %get3A_156 {strides = array<i32>} : memref<32xi32, #tpu.memory_space<vmem>>, vector<16xi32>,
        %mul3A_158 = arith.constant 32 : i32
        %mul3A_159 = arith.muli %mul3A_142, %mul3A_158 : i32
        %add3A_160 = arith.constant 16 : i32
        %add3A_161 = arith.addi %mul3A_159, %add3A_160 : i32
        %get3A_162 = arith.index_cast %add3A_161 : i32 to index
        %get3A_163 = tpu.vector_load %arg12[%get3A_162] {strides = array<i32>} : memref<4608xi32, #tpu.memory_space<vmem>>, vector<16xi32>,
        %swap3A_164 = arith.constant 16 : index
        %swap3A_165 = tpu.vector_load %arg15[%swap3A_164] {strides = array<i32>} : memref<32xi32, #tpu.memory_space<vmem>>, vector<16xi32>,
        tpu.vector_store %arg15[%swap3A_164], %get3A_163 {strides = array<i32>} : memref<32xi32, #tpu.memory_space<vmem>>, vector<16xi32>,
        %dma_start3A_166 = arith.constant 0 : i32
        %dma_start3A_167 = arith.constant 0 : i32
        %dma_start3A_168 = tpu.memref_slice %arg17[%dma_start3A_166, %dma_start3A_167] : memref<13116x128xf32, #tpu.memory_space<vmem_shared>> -> memref<13116x128xf32, #tpu.memory_space<vmem_shared>>
        tpu.enqueue_indirect_dma source(%arg13 : memref<32x128xf32, #tpu.memory_space<vmem>>) target(%dma_start3A_168 : memref<13116x128xf32, #tpu.memory_space<vmem_shared>>) offsets(%arg15 : memref<32xi32, #tpu.memory_space<vmem>>) semaphore(%arg22 : memref<!tpu.dma_semaphore, #tpu.memory_space<semaphore_mem>>) {add = true}
        %lt3A_169 = arith.cmpi slt, %add3A_146, %select_n3A : i32
        %convert_element_type3A_170 = arith.extui %lt3A_169 : i1 to i32
        %cond3A_171 = arith.constant 0 : i32
        %cond3A_172 = arith.cmpi ne, %convert_element_type3A_170, %cond3A_171 : i32
        scf.if %cond3A_172 {
          %dma_wait3A_192 = arith.constant 0 : i32
          %dma_wait3A_193 = arith.constant 0 : i32
          %dma_wait3A_194 = tpu.memref_slice %arg2[%dma_wait3A_192, %dma_wait3A_193] : memref<262144x128xf32, #tpu.memory_space<hbm>> -> memref<32x128xf32, #tpu.memory_space<hbm>>
          %dma_wait3A_195 = arith.constant 0 : i32
          %dma_wait3A_196 = arith.constant 0 : i32
          %dma_wait3A_197 = tpu.memref_slice %arg2[%dma_wait3A_195, %dma_wait3A_196] : memref<262144x128xf32, #tpu.memory_space<hbm>> -> memref<32x128xf32, #tpu.memory_space<hbm>>
          tpu.wait_dma2 semaphore(%arg21 : memref<!tpu.dma_semaphore, #tpu.memory_space<semaphore_mem>>) src(%dma_wait3A_197 : memref<32x128xf32, #tpu.memory_space<hbm>>) dst(%arg14 : memref<32x128xf32, #tpu.memory_space<vmem>>)
          %mul3A_198 = arith.constant 32 : i32
          %mul3A_199 = arith.muli %add3A_146, %mul3A_198 : i32
          %add3A_200 = arith.constant 0 : i32
          %add3A_201 = arith.addi %mul3A_199, %add3A_200 : i32
          %get3A_202 = arith.index_cast %add3A_201 : i32 to index
          %get3A_203 = tpu.vector_load %arg12[%get3A_202] {strides = array<i32>} : memref<4608xi32, #tpu.memory_space<vmem>>, vector<16xi32>,
          %swap3A_204 = arith.constant 0 : index
          %swap3A_205 = tpu.vector_load %arg16[%swap3A_204] {strides = array<i32>} : memref<32xi32, #tpu.memory_space<vmem>>, vector<16xi32>,
          tpu.vector_store %arg16[%swap3A_204], %get3A_203 {strides = array<i32>} : memref<32xi32, #tpu.memory_space<vmem>>, vector<16xi32>,
          %mul3A_206 = arith.constant 32 : i32
          %mul3A_207 = arith.muli %add3A_146, %mul3A_206 : i32
          %add3A_208 = arith.constant 16 : i32
          %add3A_209 = arith.addi %mul3A_207, %add3A_208 : i32
          %get3A_210 = arith.index_cast %add3A_209 : i32 to index
          %get3A_211 = tpu.vector_load %arg12[%get3A_210] {strides = array<i32>} : memref<4608xi32, #tpu.memory_space<vmem>>, vector<16xi32>,
          %swap3A_212 = arith.constant 16 : index
          %swap3A_213 = tpu.vector_load %arg16[%swap3A_212] {strides = array<i32>} : memref<32xi32, #tpu.memory_space<vmem>>, vector<16xi32>,
          tpu.vector_store %arg16[%swap3A_212], %get3A_211 {strides = array<i32>} : memref<32xi32, #tpu.memory_space<vmem>>, vector<16xi32>,
          %dma_start3A_214 = arith.constant 0 : i32
          %dma_start3A_215 = arith.constant 0 : i32
          %dma_start3A_216 = tpu.memref_slice %arg17[%dma_start3A_214, %dma_start3A_215] : memref<13116x128xf32, #tpu.memory_space<vmem_shared>> -> memref<13116x128xf32, #tpu.memory_space<vmem_shared>>
          tpu.enqueue_indirect_dma source(%arg14 : memref<32x128xf32, #tpu.memory_space<vmem>>) target(%dma_start3A_216 : memref<13116x128xf32, #tpu.memory_space<vmem_shared>>) offsets(%arg16 : memref<32xi32, #tpu.memory_space<vmem>>) semaphore(%arg23 : memref<!tpu.dma_semaphore, #tpu.memory_space<semaphore_mem>>) {add = true}
        } else {
        }
        %dma_wait3A_173 = arith.constant 0 : i32
        %dma_wait3A_174 = arith.constant 0 : i32
        %dma_wait3A_175 = tpu.memref_slice %arg17[%dma_wait3A_173, %dma_wait3A_174] : memref<13116x128xf32, #tpu.memory_space<vmem_shared>> -> memref<13116x128xf32, #tpu.memory_space<vmem_shared>>
        tpu.wait_indirect_dma semaphore(%arg22 : memref<!tpu.dma_semaphore, #tpu.memory_space<semaphore_mem>>) src(%arg13 : memref<32x128xf32, #tpu.memory_space<vmem>>) dst(%dma_wait3A_175 : memref<13116x128xf32, #tpu.memory_space<vmem_shared>>)
        %add3A_176 = arith.constant 2 : i32
        %add3A_177 = arith.addi %mul3A_142, %add3A_176 : i32
        %lt3A_178 = arith.cmpi slt, %add3A_177, %select_n3A : i32
        %convert_element_type3A_179 = arith.extui %lt3A_178 : i1 to i32
        %cond3A_180 = arith.constant 0 : i32
        %cond3A_181 = arith.cmpi ne, %convert_element_type3A_179, %cond3A_180 : i32
        scf.if %cond3A_181 {
          %add3A_192 = arith.constant 2 : i32
          %add3A_193 = arith.addi %mul3A_142, %add3A_192 : i32
          %mul3A_194 = arith.constant 32 : i32
          %mul3A_195 = arith.muli %add3A_193, %mul3A_194 : i32
          %dma_start3A_196 = tpu.memref_slice %arg11[%mul3A_195] : memref<4608xi32, #tpu.memory_space<vmem>> -> memref<32xi32, #tpu.memory_space<vmem>>
          %dma_start3A_197 = arith.constant 0 : i32
          %dma_start3A_198 = arith.constant 0 : i32
          %dma_start3A_199 = tpu.memref_slice %arg2[%dma_start3A_197, %dma_start3A_198] : memref<262144x128xf32, #tpu.memory_space<hbm>> -> memref<262144x128xf32, #tpu.memory_space<hbm>>
          tpu.enqueue_indirect_dma source(%dma_start3A_199 : memref<262144x128xf32, #tpu.memory_space<hbm>>) target(%arg13 : memref<32x128xf32, #tpu.memory_space<vmem>>) offsets(%dma_start3A_196 : memref<32xi32, #tpu.memory_space<vmem>>) semaphore(%arg20 : memref<!tpu.dma_semaphore, #tpu.memory_space<semaphore_mem>>)
        } else {
        }
        %lt3A_182 = arith.cmpi slt, %add3A_146, %select_n3A : i32
        %convert_element_type3A_183 = arith.extui %lt3A_182 : i1 to i32
        %cond3A_184 = arith.constant 0 : i32
        %cond3A_185 = arith.cmpi ne, %convert_element_type3A_183, %cond3A_184 : i32
        scf.if %cond3A_185 {
          %dma_wait3A_192 = arith.constant 0 : i32
          %dma_wait3A_193 = arith.constant 0 : i32
          %dma_wait3A_194 = tpu.memref_slice %arg17[%dma_wait3A_192, %dma_wait3A_193] : memref<13116x128xf32, #tpu.memory_space<vmem_shared>> -> memref<13116x128xf32, #tpu.memory_space<vmem_shared>>
          tpu.wait_indirect_dma semaphore(%arg23 : memref<!tpu.dma_semaphore, #tpu.memory_space<semaphore_mem>>) src(%arg14 : memref<32x128xf32, #tpu.memory_space<vmem>>) dst(%dma_wait3A_194 : memref<13116x128xf32, #tpu.memory_space<vmem_shared>>)
        } else {
        }
        %add3A_186 = arith.constant 2 : i32
        %add3A_187 = arith.addi %add3A_146, %add3A_186 : i32
        %lt3A_188 = arith.cmpi slt, %add3A_187, %select_n3A : i32
        %convert_element_type3A_189 = arith.extui %lt3A_188 : i1 to i32
        %cond3A_190 = arith.constant 0 : i32
        %cond3A_191 = arith.cmpi ne, %convert_element_type3A_189, %cond3A_190 : i32
        scf.if %cond3A_191 {
          %add3A_192 = arith.constant 2 : i32
          %add3A_193 = arith.addi %add3A_146, %add3A_192 : i32
          %mul3A_194 = arith.constant 32 : i32
          %mul3A_195 = arith.muli %add3A_193, %mul3A_194 : i32
          %dma_start3A_196 = tpu.memref_slice %arg11[%mul3A_195] : memref<4608xi32, #tpu.memory_space<vmem>> -> memref<32xi32, #tpu.memory_space<vmem>>
          %dma_start3A_197 = arith.constant 0 : i32
          %dma_start3A_198 = arith.constant 0 : i32
          %dma_start3A_199 = tpu.memref_slice %arg2[%dma_start3A_197, %dma_start3A_198] : memref<262144x128xf32, #tpu.memory_space<hbm>> -> memref<262144x128xf32, #tpu.memory_space<hbm>>
          tpu.enqueue_indirect_dma source(%dma_start3A_199 : memref<262144x128xf32, #tpu.memory_space<hbm>>) target(%arg14 : memref<32x128xf32, #tpu.memory_space<vmem>>) offsets(%dma_start3A_196 : memref<32xi32, #tpu.memory_space<vmem>>) semaphore(%arg21 : memref<!tpu.dma_semaphore, #tpu.memory_space<semaphore_mem>>)
        } else {
        }
      }
      %while3A_124 = arith.constant 1 : i32
      scf.for %while3A_140 = %while3A_122 to %while3A_118 step %while3A_124  : i32 {
        %mul3A_141 = arith.constant 2 : i32
        %mul3A_142 = arith.muli %mul3A_141, %while3A_140 : i32
        %mul3A_143 = arith.constant 2 : i32
        %mul3A_144 = arith.muli %mul3A_143, %while3A_140 : i32
        %add3A_145 = arith.constant 1 : i32
        %add3A_146 = arith.addi %mul3A_144, %add3A_145 : i32
        %dma_wait3A = arith.constant 0 : i32
        %dma_wait3A_147 = arith.constant 0 : i32
        %dma_wait3A_148 = tpu.memref_slice %arg2[%dma_wait3A, %dma_wait3A_147] : memref<262144x128xf32, #tpu.memory_space<hbm>> -> memref<32x128xf32, #tpu.memory_space<hbm>>
        %dma_wait3A_149 = arith.constant 0 : i32
        %dma_wait3A_150 = arith.constant 0 : i32
        %dma_wait3A_151 = tpu.memref_slice %arg2[%dma_wait3A_149, %dma_wait3A_150] : memref<262144x128xf32, #tpu.memory_space<hbm>> -> memref<32x128xf32, #tpu.memory_space<hbm>>
        tpu.wait_dma2 semaphore(%arg20 : memref<!tpu.dma_semaphore, #tpu.memory_space<semaphore_mem>>) src(%dma_wait3A_151 : memref<32x128xf32, #tpu.memory_space<hbm>>) dst(%arg13 : memref<32x128xf32, #tpu.memory_space<vmem>>)
        %mul3A_152 = arith.constant 32 : i32
        %mul3A_153 = arith.muli %mul3A_142, %mul3A_152 : i32
        %add3A_154 = arith.constant 0 : i32
        %add3A_155 = arith.addi %mul3A_153, %add3A_154 : i32
        %get3A = arith.index_cast %add3A_155 : i32 to index
        %get3A_156 = tpu.vector_load %arg12[%get3A] {strides = array<i32>} : memref<4608xi32, #tpu.memory_space<vmem>>, vector<16xi32>,
        %swap3A = arith.constant 0 : index
        %swap3A_157 = tpu.vector_load %arg15[%swap3A] {strides = array<i32>} : memref<32xi32, #tpu.memory_space<vmem>>, vector<16xi32>,
        tpu.vector_store %arg15[%swap3A], %get3A_156 {strides = array<i32>} : memref<32xi32, #tpu.memory_space<vmem>>, vector<16xi32>,
        %mul3A_158 = arith.constant 32 : i32
        %mul3A_159 = arith.muli %mul3A_142, %mul3A_158 : i32
        %add3A_160 = arith.constant 16 : i32
        %add3A_161 = arith.addi %mul3A_159, %add3A_160 : i32
        %get3A_162 = arith.index_cast %add3A_161 : i32 to index
        %get3A_163 = tpu.vector_load %arg12[%get3A_162] {strides = array<i32>} : memref<4608xi32, #tpu.memory_space<vmem>>, vector<16xi32>,
        %swap3A_164 = arith.constant 16 : index
        %swap3A_165 = tpu.vector_load %arg15[%swap3A_164] {strides = array<i32>} : memref<32xi32, #tpu.memory_space<vmem>>, vector<16xi32>,
        tpu.vector_store %arg15[%swap3A_164], %get3A_163 {strides = array<i32>} : memref<32xi32, #tpu.memory_space<vmem>>, vector<16xi32>,
        %dma_start3A_166 = arith.constant 0 : i32
        %dma_start3A_167 = arith.constant 0 : i32
        %dma_start3A_168 = tpu.memref_slice %arg17[%dma_start3A_166, %dma_start3A_167] : memref<13116x128xf32, #tpu.memory_space<vmem_shared>> -> memref<13116x128xf32, #tpu.memory_space<vmem_shared>>
        tpu.enqueue_indirect_dma source(%arg13 : memref<32x128xf32, #tpu.memory_space<vmem>>) target(%dma_start3A_168 : memref<13116x128xf32, #tpu.memory_space<vmem_shared>>) offsets(%arg15 : memref<32xi32, #tpu.memory_space<vmem>>) semaphore(%arg22 : memref<!tpu.dma_semaphore, #tpu.memory_space<semaphore_mem>>) {add = true}
        %lt3A_169 = arith.cmpi slt, %add3A_146, %select_n3A : i32
        %convert_element_type3A_170 = arith.extui %lt3A_169 : i1 to i32
        %cond3A_171 = arith.constant 0 : i32
        %cond3A_172 = arith.cmpi ne, %convert_element_type3A_170, %cond3A_171 : i32
        scf.if %cond3A_172 {
          %dma_wait3A_192 = arith.constant 0 : i32
          %dma_wait3A_193 = arith.constant 0 : i32
          %dma_wait3A_194 = tpu.memref_slice %arg2[%dma_wait3A_192, %dma_wait3A_193] : memref<262144x128xf32, #tpu.memory_space<hbm>> -> memref<32x128xf32, #tpu.memory_space<hbm>>
          %dma_wait3A_195 = arith.constant 0 : i32
          %dma_wait3A_196 = arith.constant 0 : i32
          %dma_wait3A_197 = tpu.memref_slice %arg2[%dma_wait3A_195, %dma_wait3A_196] : memref<262144x128xf32, #tpu.memory_space<hbm>> -> memref<32x128xf32, #tpu.memory_space<hbm>>
          tpu.wait_dma2 semaphore(%arg21 : memref<!tpu.dma_semaphore, #tpu.memory_space<semaphore_mem>>) src(%dma_wait3A_197 : memref<32x128xf32, #tpu.memory_space<hbm>>) dst(%arg14 : memref<32x128xf32, #tpu.memory_space<vmem>>)
          %mul3A_198 = arith.constant 32 : i32
          %mul3A_199 = arith.muli %add3A_146, %mul3A_198 : i32
          %add3A_200 = arith.constant 0 : i32
          %add3A_201 = arith.addi %mul3A_199, %add3A_200 : i32
          %get3A_202 = arith.index_cast %add3A_201 : i32 to index
          %get3A_203 = tpu.vector_load %arg12[%get3A_202] {strides = array<i32>} : memref<4608xi32, #tpu.memory_space<vmem>>, vector<16xi32>,
          %swap3A_204 = arith.constant 0 : index
          %swap3A_205 = tpu.vector_load %arg16[%swap3A_204] {strides = array<i32>} : memref<32xi32, #tpu.memory_space<vmem>>, vector<16xi32>,
          tpu.vector_store %arg16[%swap3A_204], %get3A_203 {strides = array<i32>} : memref<32xi32, #tpu.memory_space<vmem>>, vector<16xi32>,
          %mul3A_206 = arith.constant 32 : i32
          %mul3A_207 = arith.muli %add3A_146, %mul3A_206 : i32
          %add3A_208 = arith.constant 16 : i32
          %add3A_209 = arith.addi %mul3A_207, %add3A_208 : i32
          %get3A_210 = arith.index_cast %add3A_209 : i32 to index
          %get3A_211 = tpu.vector_load %arg12[%get3A_210] {strides = array<i32>} : memref<4608xi32, #tpu.memory_space<vmem>>, vector<16xi32>,
          %swap3A_212 = arith.constant 16 : index
          %swap3A_213 = tpu.vector_load %arg16[%swap3A_212] {strides = array<i32>} : memref<32xi32, #tpu.memory_space<vmem>>, vector<16xi32>,
          tpu.vector_store %arg16[%swap3A_212], %get3A_211 {strides = array<i32>} : memref<32xi32, #tpu.memory_space<vmem>>, vector<16xi32>,
          %dma_start3A_214 = arith.constant 0 : i32
          %dma_start3A_215 = arith.constant 0 : i32
          %dma_start3A_216 = tpu.memref_slice %arg17[%dma_start3A_214, %dma_start3A_215] : memref<13116x128xf32, #tpu.memory_space<vmem_shared>> -> memref<13116x128xf32, #tpu.memory_space<vmem_shared>>
          tpu.enqueue_indirect_dma source(%arg14 : memref<32x128xf32, #tpu.memory_space<vmem>>) target(%dma_start3A_216 : memref<13116x128xf32, #tpu.memory_space<vmem_shared>>) offsets(%arg16 : memref<32xi32, #tpu.memory_space<vmem>>) semaphore(%arg23 : memref<!tpu.dma_semaphore, #tpu.memory_space<semaphore_mem>>) {add = true}
        } else {
        }
        %dma_wait3A_173 = arith.constant 0 : i32
        %dma_wait3A_174 = arith.constant 0 : i32
        %dma_wait3A_175 = tpu.memref_slice %arg17[%dma_wait3A_173, %dma_wait3A_174] : memref<13116x128xf32, #tpu.memory_space<vmem_shared>> -> memref<13116x128xf32, #tpu.memory_space<vmem_shared>>
        tpu.wait_indirect_dma semaphore(%arg22 : memref<!tpu.dma_semaphore, #tpu.memory_space<semaphore_mem>>) src(%arg13 : memref<32x128xf32, #tpu.memory_space<vmem>>) dst(%dma_wait3A_175 : memref<13116x128xf32, #tpu.memory_space<vmem_shared>>)
        %add3A_176 = arith.constant 2 : i32
        %add3A_177 = arith.addi %mul3A_142, %add3A_176 : i32
        %lt3A_178 = arith.cmpi slt, %add3A_177, %select_n3A : i32
        %convert_element_type3A_179 = arith.extui %lt3A_178 : i1 to i32
        %cond3A_180 = arith.constant 0 : i32
        %cond3A_181 = arith.cmpi ne, %convert_element_type3A_179, %cond3A_180 : i32
        scf.if %cond3A_181 {
          %add3A_192 = arith.constant 2 : i32
          %add3A_193 = arith.addi %mul3A_142, %add3A_192 : i32
          %mul3A_194 = arith.constant 32 : i32
          %mul3A_195 = arith.muli %add3A_193, %mul3A_194 : i32
          %dma_start3A_196 = tpu.memref_slice %arg11[%mul3A_195] : memref<4608xi32, #tpu.memory_space<vmem>> -> memref<32xi32, #tpu.memory_space<vmem>>
          %dma_start3A_197 = arith.constant 0 : i32
          %dma_start3A_198 = arith.constant 0 : i32
          %dma_start3A_199 = tpu.memref_slice %arg2[%dma_start3A_197, %dma_start3A_198] : memref<262144x128xf32, #tpu.memory_space<hbm>> -> memref<262144x128xf32, #tpu.memory_space<hbm>>
          tpu.enqueue_indirect_dma source(%dma_start3A_199 : memref<262144x128xf32, #tpu.memory_space<hbm>>) target(%arg13 : memref<32x128xf32, #tpu.memory_space<vmem>>) offsets(%dma_start3A_196 : memref<32xi32, #tpu.memory_space<vmem>>) semaphore(%arg20 : memref<!tpu.dma_semaphore, #tpu.memory_space<semaphore_mem>>)
        } else {
        }
        %lt3A_182 = arith.cmpi slt, %add3A_146, %select_n3A : i32
        %convert_element_type3A_183 = arith.extui %lt3A_182 : i1 to i32
        %cond3A_184 = arith.constant 0 : i32
        %cond3A_185 = arith.cmpi ne, %convert_element_type3A_183, %cond3A_184 : i32
        scf.if %cond3A_185 {
          %dma_wait3A_192 = arith.constant 0 : i32
          %dma_wait3A_193 = arith.constant 0 : i32
          %dma_wait3A_194 = tpu.memref_slice %arg17[%dma_wait3A_192, %dma_wait3A_193] : memref<13116x128xf32, #tpu.memory_space<vmem_shared>> -> memref<13116x128xf32, #tpu.memory_space<vmem_shared>>
          tpu.wait_indirect_dma semaphore(%arg23 : memref<!tpu.dma_semaphore, #tpu.memory_space<semaphore_mem>>) src(%arg14 : memref<32x128xf32, #tpu.memory_space<vmem>>) dst(%dma_wait3A_194 : memref<13116x128xf32, #tpu.memory_space<vmem_shared>>)
        } else {
        }
        %add3A_186 = arith.constant 2 : i32
        %add3A_187 = arith.addi %add3A_146, %add3A_186 : i32
        %lt3A_188 = arith.cmpi slt, %add3A_187, %select_n3A : i32
        %convert_element_type3A_189 = arith.extui %lt3A_188 : i1 to i32
        %cond3A_190 = arith.constant 0 : i32
        %cond3A_191 = arith.cmpi ne, %convert_element_type3A_189, %cond3A_190 : i32
        scf.if %cond3A_191 {
          %add3A_192 = arith.constant 2 : i32
          %add3A_193 = arith.addi %add3A_146, %add3A_192 : i32
          %mul3A_194 = arith.constant 32 : i32
          %mul3A_195 = arith.muli %add3A_193, %mul3A_194 : i32
          %dma_start3A_196 = tpu.memref_slice %arg11[%mul3A_195] : memref<4608xi32, #tpu.memory_space<vmem>> -> memref<32xi32, #tpu.memory_space<vmem>>
          %dma_start3A_197 = arith.constant 0 : i32
          %dma_start3A_198 = arith.constant 0 : i32
          %dma_start3A_199 = tpu.memref_slice %arg2[%dma_start3A_197, %dma_start3A_198] : memref<262144x128xf32, #tpu.memory_space<hbm>> -> memref<262144x128xf32, #tpu.memory_space<hbm>>
          tpu.enqueue_indirect_dma source(%dma_start3A_199 : memref<262144x128xf32, #tpu.memory_space<hbm>>) target(%arg14 : memref<32x128xf32, #tpu.memory_space<vmem>>) offsets(%dma_start3A_196 : memref<32xi32, #tpu.memory_space<vmem>>) semaphore(%arg21 : memref<!tpu.dma_semaphore, #tpu.memory_space<semaphore_mem>>)
        } else {
        }
      }
      %barrier3A_125 = arith.constant 0 : index
      tpu.barrier barrier_id(%barrier3A_125)
      %mul3A_126 = arith.constant 13112 : i32
      %mul3A_127 = arith.muli %arg0, %mul3A_126 : i32
      %add3A_128 = arith.addi %mul3A_11, %mul3A_127 : i32
      %mul3A_129 = arith.constant 824 : i32
      %mul3A_130 = arith.muli %arg1, %mul3A_129 : i32
      %mul3A_131 = arith.constant 824 : i32
      %mul3A_132 = arith.muli %arg1, %mul3A_131 : i32
      %add3A_133 = arith.addi %add3A_128, %mul3A_132 : i32
      "tpu.region"() ({
        %run_scoped3A = tpu.sem_alloc : memref<!tpu.dma_semaphore, #tpu.memory_space<semaphore_mem>>
        %dma_start3A_140 = arith.constant 0 : i32
        %dma_start3A_141 = tpu.memref_slice %arg6[%add3A_133, %dma_start3A_140] : memref<262240x128xf32, #tpu.memory_space<hbm>> -> memref<752x128xf32, #tpu.memory_space<hbm>>
        %dma_start3A_142 = arith.constant 0 : i32
        %dma_start3A_143 = tpu.memref_slice %arg17[%mul3A_130, %dma_start3A_142] : memref<13116x128xf32, #tpu.memory_space<vmem_shared>> -> memref<752x128xf32, #tpu.memory_space<vmem_shared>>
        tpu.enqueue_dma source(%dma_start3A_143 : memref<752x128xf32, #tpu.memory_space<vmem_shared>>) target(%dma_start3A_141 : memref<752x128xf32, #tpu.memory_space<hbm>>) target_semaphore(%run_scoped3A : memref<!tpu.dma_semaphore, #tpu.memory_space<semaphore_mem>>)
        %dma_wait3A = arith.constant 0 : i32
        %dma_wait3A_144 = tpu.memref_slice %arg6[%add3A_133, %dma_wait3A] : memref<262240x128xf32, #tpu.memory_space<hbm>> -> memref<752x128xf32, #tpu.memory_space<hbm>>
        %dma_wait3A_145 = arith.constant 0 : i32
        %dma_wait3A_146 = tpu.memref_slice %arg17[%mul3A_130, %dma_wait3A_145] : memref<13116x128xf32, #tpu.memory_space<vmem_shared>> -> memref<752x128xf32, #tpu.memory_space<vmem_shared>>
        tpu.wait_dma2 semaphore(%run_scoped3A : memref<!tpu.dma_semaphore, #tpu.memory_space<semaphore_mem>>) src(%dma_wait3A_146 : memref<752x128xf32, #tpu.memory_space<vmem_shared>>) dst(%dma_wait3A_144 : memref<752x128xf32, #tpu.memory_space<hbm>>)
        tpu.yield
      }) : () -> ()
      %lt3A_134 = arith.constant 15 : i32
      %lt3A_135 = arith.cmpi slt, %arg1, %lt3A_134 : i32
      %convert_element_type3A_136 = arith.extui %lt3A_135 : i1 to i32
      %cond3A_137 = arith.constant 0 : i32
      %cond3A_138 = arith.cmpi ne, %convert_element_type3A_136, %cond3A_137 : i32
      scf.if %cond3A_138 {
        %mul3A_140 = arith.constant 824 : i32
        %mul3A_141 = arith.muli %arg1, %mul3A_140 : i32
        %add3A_142 = arith.constant 752 : i32
        %add3A_143 = arith.addi %mul3A_141, %add3A_142 : i32
        %mul3A_144 = arith.constant 824 : i32
        %mul3A_145 = arith.muli %arg1, %mul3A_144 : i32
        %add3A_146 = arith.addi %add3A_128, %mul3A_145 : i32
        %add3A_147 = arith.constant 752 : i32
        %add3A_148 = arith.addi %add3A_146, %add3A_147 : i32
        "tpu.region"() ({
          %run_scoped3A = tpu.sem_alloc : memref<!tpu.dma_semaphore, #tpu.memory_space<semaphore_mem>>
          %dma_start3A_149 = arith.constant 0 : i32
          %dma_start3A_150 = tpu.memref_slice %arg6[%add3A_148, %dma_start3A_149] : memref<262240x128xf32, #tpu.memory_space<hbm>> -> memref<72x128xf32, #tpu.memory_space<hbm>>
          %dma_start3A_151 = arith.constant 0 : i32
          %dma_start3A_152 = tpu.memref_slice %arg17[%add3A_143, %dma_start3A_151] : memref<13116x128xf32, #tpu.memory_space<vmem_shared>> -> memref<72x128xf32, #tpu.memory_space<vmem_shared>>
          tpu.enqueue_dma source(%dma_start3A_152 : memref<72x128xf32, #tpu.memory_space<vmem_shared>>) target(%dma_start3A_150 : memref<72x128xf32, #tpu.memory_space<hbm>>) target_semaphore(%run_scoped3A : memref<!tpu.dma_semaphore, #tpu.memory_space<semaphore_mem>>)
          %dma_wait3A = arith.constant 0 : i32
          %dma_wait3A_153 = tpu.memref_slice %arg6[%add3A_148, %dma_wait3A] : memref<262240x128xf32, #tpu.memory_space<hbm>> -> memref<72x128xf32, #tpu.memory_space<hbm>>
          %dma_wait3A_154 = arith.constant 0 : i32
          %dma_wait3A_155 = tpu.memref_slice %arg17[%add3A_143, %dma_wait3A_154] : memref<13116x128xf32, #tpu.memory_space<vmem_shared>> -> memref<72x128xf32, #tpu.memory_space<vmem_shared>>
          tpu.wait_dma2 semaphore(%run_scoped3A : memref<!tpu.dma_semaphore, #tpu.memory_space<semaphore_mem>>) src(%dma_wait3A_155 : memref<72x128xf32, #tpu.memory_space<vmem_shared>>) dst(%dma_wait3A_153 : memref<72x128xf32, #tpu.memory_space<hbm>>)
          tpu.yield
        }) : () -> ()
      } else {
      }
      %barrier3A_139 = arith.constant 0 : index
      tpu.barrier barrier_id(%barrier3A_139)
    }
    %scan3A_8 = arith.constant 10 : i32
    return
  }
}

#map = affine_map<(d0, d1) -> (0, 0)>
#map1 = affine_map<(d0, d1) -> (0)>
module attributes {stable_mosaic.version = 14 : i64} {
  func.func @_build_v(%arg0: i32, %arg1: i32, %arg2: memref<131072x128xf32, #tpu.memory_space<hbm>>, %arg3: memref<262144xi32, #tpu.memory_space<hbm>>, %arg4: memref<262144xi32, #tpu.memory_space<hbm>>, %arg5: memref<262144x128xf32, #tpu.memory_space<hbm>>, %arg6: memref<128xi32, #tpu.memory_space<vmem>>, %arg7: memref<128xi32, #tpu.memory_space<vmem>>, %arg8: memref<128xi32, #tpu.memory_space<vmem>>, %arg9: memref<128xi32, #tpu.memory_space<vmem>>, %arg10: memref<128x128xf32, #tpu.memory_space<vmem>>, %arg11: memref<128x128xf32, #tpu.memory_space<vmem>>, %arg12: memref<128x128xf32, #tpu.memory_space<vmem>>, %arg13: memref<128x128xf32, #tpu.memory_space<vmem>>, %arg14: memref<!tpu.dma_semaphore, #tpu.memory_space<semaphore_mem>>, %arg15: memref<!tpu.dma_semaphore, #tpu.memory_space<semaphore_mem>>, %arg16: memref<!tpu.dma_semaphore, #tpu.memory_space<semaphore_mem>>, %arg17: memref<!tpu.dma_semaphore, #tpu.memory_space<semaphore_mem>>, %arg18: memref<!tpu.dma_semaphore, #tpu.memory_space<semaphore_mem>>, %arg19: memref<!tpu.dma_semaphore, #tpu.memory_space<semaphore_mem>>) attributes {dimension_semantics = [#tpu.dimension_semantics<core_parallel>, #tpu.dimension_semantics<subcore_parallel>], iteration_bounds = array<i64: 2, 16>, scalar_prefetch = 0 : i64, scratch_operands = 14 : i64, tpu.core_type = #tpu.core_type<sc_vector_subcore>, window_params = [{transform_indices = #map}, {transform_indices = #map1}, {transform_indices = #map1}, {transform_indices = #map}]} {
    %mul3A = arith.constant 2 : i32
    %mul3A_0 = arith.muli %arg1, %mul3A : i32
    %add3A = arith.addi %mul3A_0, %arg0 : i32
    %mul3A_1 = arith.constant 8192 : i32
    %mul3A_2 = arith.muli %add3A, %mul3A_1 : i32
    %add3A_3 = arith.constant 0 : i32
    %add3A_4 = arith.addi %mul3A_2, %add3A_3 : i32
    %dma_start3A = tpu.memref_slice %arg3[%add3A_4] : memref<262144xi32, #tpu.memory_space<hbm>> -> memref<128xi32, #tpu.memory_space<hbm>>
    %dma_start3A_5 = tpu.memref_slice %arg3[%add3A_4] : memref<262144xi32, #tpu.memory_space<hbm>> -> memref<128xi32, #tpu.memory_space<hbm>>
    tpu.enqueue_dma source(%dma_start3A_5 : memref<128xi32, #tpu.memory_space<hbm>>) target(%arg6 : memref<128xi32, #tpu.memory_space<vmem>>) target_semaphore(%arg14 : memref<!tpu.dma_semaphore, #tpu.memory_space<semaphore_mem>>)
    %dma_start3A_6 = tpu.memref_slice %arg4[%add3A_4] : memref<262144xi32, #tpu.memory_space<hbm>> -> memref<128xi32, #tpu.memory_space<hbm>>
    %dma_start3A_7 = tpu.memref_slice %arg4[%add3A_4] : memref<262144xi32, #tpu.memory_space<hbm>> -> memref<128xi32, #tpu.memory_space<hbm>>
    tpu.enqueue_dma source(%dma_start3A_7 : memref<128xi32, #tpu.memory_space<hbm>>) target(%arg7 : memref<128xi32, #tpu.memory_space<vmem>>) target_semaphore(%arg14 : memref<!tpu.dma_semaphore, #tpu.memory_space<semaphore_mem>>)
    %dma_wait3A = arith.constant 0 : i32
    %dma_wait3A_8 = tpu.memref_slice %arg3[%dma_wait3A] : memref<262144xi32, #tpu.memory_space<hbm>> -> memref<128xi32, #tpu.memory_space<hbm>>
    %dma_wait3A_9 = arith.constant 0 : i32
    %dma_wait3A_10 = tpu.memref_slice %arg3[%dma_wait3A_9] : memref<262144xi32, #tpu.memory_space<hbm>> -> memref<128xi32, #tpu.memory_space<hbm>>
    tpu.wait_dma2 semaphore(%arg14 : memref<!tpu.dma_semaphore, #tpu.memory_space<semaphore_mem>>) src(%dma_wait3A_10 : memref<128xi32, #tpu.memory_space<hbm>>) dst(%arg6 : memref<128xi32, #tpu.memory_space<vmem>>)
    %dma_wait3A_11 = arith.constant 0 : i32
    %dma_wait3A_12 = tpu.memref_slice %arg3[%dma_wait3A_11] : memref<262144xi32, #tpu.memory_space<hbm>> -> memref<128xi32, #tpu.memory_space<hbm>>
    %dma_wait3A_13 = arith.constant 0 : i32
    %dma_wait3A_14 = tpu.memref_slice %arg3[%dma_wait3A_13] : memref<262144xi32, #tpu.memory_space<hbm>> -> memref<128xi32, #tpu.memory_space<hbm>>
    tpu.wait_dma2 semaphore(%arg14 : memref<!tpu.dma_semaphore, #tpu.memory_space<semaphore_mem>>) src(%dma_wait3A_14 : memref<128xi32, #tpu.memory_space<hbm>>) dst(%arg7 : memref<128xi32, #tpu.memory_space<vmem>>)
    %dma_start3A_15 = arith.constant 0 : i32
    %dma_start3A_16 = arith.constant 0 : i32
    %dma_start3A_17 = tpu.memref_slice %arg2[%dma_start3A_15, %dma_start3A_16] : memref<131072x128xf32, #tpu.memory_space<hbm>> -> memref<131072x128xf32, #tpu.memory_space<hbm>>
    tpu.enqueue_indirect_dma source(%dma_start3A_17 : memref<131072x128xf32, #tpu.memory_space<hbm>>) target(%arg10 : memref<128x128xf32, #tpu.memory_space<vmem>>) offsets(%arg6 : memref<128xi32, #tpu.memory_space<vmem>>) semaphore(%arg16 : memref<!tpu.dma_semaphore, #tpu.memory_space<semaphore_mem>>)
    %dma_start3A_18 = arith.constant 0 : i32
    %dma_start3A_19 = arith.constant 0 : i32
    %dma_start3A_20 = tpu.memref_slice %arg2[%dma_start3A_18, %dma_start3A_19] : memref<131072x128xf32, #tpu.memory_space<hbm>> -> memref<131072x128xf32, #tpu.memory_space<hbm>>
    tpu.enqueue_indirect_dma source(%dma_start3A_20 : memref<131072x128xf32, #tpu.memory_space<hbm>>) target(%arg11 : memref<128x128xf32, #tpu.memory_space<vmem>>) offsets(%arg7 : memref<128xi32, #tpu.memory_space<vmem>>) semaphore(%arg16 : memref<!tpu.dma_semaphore, #tpu.memory_space<semaphore_mem>>)
    %add3A_21 = arith.constant 128 : i32
    %add3A_22 = arith.addi %mul3A_2, %add3A_21 : i32
    %dma_start3A_23 = tpu.memref_slice %arg3[%add3A_22] : memref<262144xi32, #tpu.memory_space<hbm>> -> memref<128xi32, #tpu.memory_space<hbm>>
    %dma_start3A_24 = tpu.memref_slice %arg3[%add3A_22] : memref<262144xi32, #tpu.memory_space<hbm>> -> memref<128xi32, #tpu.memory_space<hbm>>
    tpu.enqueue_dma source(%dma_start3A_24 : memref<128xi32, #tpu.memory_space<hbm>>) target(%arg8 : memref<128xi32, #tpu.memory_space<vmem>>) target_semaphore(%arg15 : memref<!tpu.dma_semaphore, #tpu.memory_space<semaphore_mem>>)
    %dma_start3A_25 = tpu.memref_slice %arg4[%add3A_22] : memref<262144xi32, #tpu.memory_space<hbm>> -> memref<128xi32, #tpu.memory_space<hbm>>
    %dma_start3A_26 = tpu.memref_slice %arg4[%add3A_22] : memref<262144xi32, #tpu.memory_space<hbm>> -> memref<128xi32, #tpu.memory_space<hbm>>
    tpu.enqueue_dma source(%dma_start3A_26 : memref<128xi32, #tpu.memory_space<hbm>>) target(%arg9 : memref<128xi32, #tpu.memory_space<vmem>>) target_semaphore(%arg15 : memref<!tpu.dma_semaphore, #tpu.memory_space<semaphore_mem>>)
    %scan3A = arith.constant 0 : i32
    %scan3A_27 = arith.constant 0 : i32
    %scan3A_28 = arith.constant 32 : i32
    %scan3A_29 = arith.addi %scan3A_27, %scan3A_28 : i32
    %scan3A_30 = arith.constant 1 : i32
    scf.for %scan3A_44 = %scan3A_27 to %scan3A_29 step %scan3A_30  : i32 {
      %mul3A_45 = arith.constant 2 : i32
      %mul3A_46 = arith.muli %mul3A_45, %scan3A_44 : i32
      %mul3A_47 = arith.constant 2 : i32
      %mul3A_48 = arith.muli %mul3A_47, %scan3A_44 : i32
      %add3A_49 = arith.constant 1 : i32
      %add3A_50 = arith.addi %mul3A_48, %add3A_49 : i32
      %dma_wait3A_51 = arith.constant 0 : i32
      %dma_wait3A_52 = arith.constant 0 : i32
      %dma_wait3A_53 = tpu.memref_slice %arg2[%dma_wait3A_51, %dma_wait3A_52] : memref<131072x128xf32, #tpu.memory_space<hbm>> -> memref<128x128xf32, #tpu.memory_space<hbm>>
      %dma_wait3A_54 = arith.constant 0 : i32
      %dma_wait3A_55 = arith.constant 0 : i32
      %dma_wait3A_56 = tpu.memref_slice %arg2[%dma_wait3A_54, %dma_wait3A_55] : memref<131072x128xf32, #tpu.memory_space<hbm>> -> memref<128x128xf32, #tpu.memory_space<hbm>>
      tpu.wait_dma2 semaphore(%arg16 : memref<!tpu.dma_semaphore, #tpu.memory_space<semaphore_mem>>) src(%dma_wait3A_56 : memref<128x128xf32, #tpu.memory_space<hbm>>) dst(%arg10 : memref<128x128xf32, #tpu.memory_space<vmem>>)
      %dma_wait3A_57 = arith.constant 0 : i32
      %dma_wait3A_58 = arith.constant 0 : i32
      %dma_wait3A_59 = tpu.memref_slice %arg2[%dma_wait3A_57, %dma_wait3A_58] : memref<131072x128xf32, #tpu.memory_space<hbm>> -> memref<128x128xf32, #tpu.memory_space<hbm>>
      %dma_wait3A_60 = arith.constant 0 : i32
      %dma_wait3A_61 = arith.constant 0 : i32
      %dma_wait3A_62 = tpu.memref_slice %arg2[%dma_wait3A_60, %dma_wait3A_61] : memref<131072x128xf32, #tpu.memory_space<hbm>> -> memref<128x128xf32, #tpu.memory_space<hbm>>
      tpu.wait_dma2 semaphore(%arg16 : memref<!tpu.dma_semaphore, #tpu.memory_space<semaphore_mem>>) src(%dma_wait3A_62 : memref<128x128xf32, #tpu.memory_space<hbm>>) dst(%arg11 : memref<128x128xf32, #tpu.memory_space<vmem>>)
      %lt3A = arith.constant 31 : i32
      %lt3A_63 = arith.cmpi slt, %scan3A_44, %lt3A : i32
      %convert_element_type3A = arith.extui %lt3A_63 : i1 to i32
      %cond3A = arith.constant 0 : i32
      %cond3A_64 = arith.cmpi ne, %convert_element_type3A, %cond3A : i32
      scf.if %cond3A_64 {
        %add3A_126 = arith.constant 2 : i32
        %add3A_127 = arith.addi %mul3A_46, %add3A_126 : i32
        %mul3A_128 = arith.constant 128 : i32
        %mul3A_129 = arith.muli %add3A_127, %mul3A_128 : i32
        %add3A_130 = arith.addi %mul3A_2, %mul3A_129 : i32
        %dma_start3A_131 = tpu.memref_slice %arg3[%add3A_130] : memref<262144xi32, #tpu.memory_space<hbm>> -> memref<128xi32, #tpu.memory_space<hbm>>
        %dma_start3A_132 = tpu.memref_slice %arg3[%add3A_130] : memref<262144xi32, #tpu.memory_space<hbm>> -> memref<128xi32, #tpu.memory_space<hbm>>
        tpu.enqueue_dma source(%dma_start3A_132 : memref<128xi32, #tpu.memory_space<hbm>>) target(%arg6 : memref<128xi32, #tpu.memory_space<vmem>>) target_semaphore(%arg14 : memref<!tpu.dma_semaphore, #tpu.memory_space<semaphore_mem>>)
        %dma_start3A_133 = tpu.memref_slice %arg4[%add3A_130] : memref<262144xi32, #tpu.memory_space<hbm>> -> memref<128xi32, #tpu.memory_space<hbm>>
        %dma_start3A_134 = tpu.memref_slice %arg4[%add3A_130] : memref<262144xi32, #tpu.memory_space<hbm>> -> memref<128xi32, #tpu.memory_space<hbm>>
        tpu.enqueue_dma source(%dma_start3A_134 : memref<128xi32, #tpu.memory_space<hbm>>) target(%arg7 : memref<128xi32, #tpu.memory_space<vmem>>) target_semaphore(%arg14 : memref<!tpu.dma_semaphore, #tpu.memory_space<semaphore_mem>>)
      } else {
      }
      %dma_wait3A_65 = arith.constant 0 : i32
      %dma_wait3A_66 = tpu.memref_slice %arg3[%dma_wait3A_65] : memref<262144xi32, #tpu.memory_space<hbm>> -> memref<128xi32, #tpu.memory_space<hbm>>
      %dma_wait3A_67 = arith.constant 0 : i32
      %dma_wait3A_68 = tpu.memref_slice %arg3[%dma_wait3A_67] : memref<262144xi32, #tpu.memory_space<hbm>> -> memref<128xi32, #tpu.memory_space<hbm>>
      tpu.wait_dma2 semaphore(%arg15 : memref<!tpu.dma_semaphore, #tpu.memory_space<semaphore_mem>>) src(%dma_wait3A_68 : memref<128xi32, #tpu.memory_space<hbm>>) dst(%arg8 : memref<128xi32, #tpu.memory_space<vmem>>)
      %dma_wait3A_69 = arith.constant 0 : i32
      %dma_wait3A_70 = tpu.memref_slice %arg3[%dma_wait3A_69] : memref<262144xi32, #tpu.memory_space<hbm>> -> memref<128xi32, #tpu.memory_space<hbm>>
      %dma_wait3A_71 = arith.constant 0 : i32
      %dma_wait3A_72 = tpu.memref_slice %arg3[%dma_wait3A_71] : memref<262144xi32, #tpu.memory_space<hbm>> -> memref<128xi32, #tpu.memory_space<hbm>>
      tpu.wait_dma2 semaphore(%arg15 : memref<!tpu.dma_semaphore, #tpu.memory_space<semaphore_mem>>) src(%dma_wait3A_72 : memref<128xi32, #tpu.memory_space<hbm>>) dst(%arg9 : memref<128xi32, #tpu.memory_space<vmem>>)
      %gt3A = arith.constant 0 : i32
      %gt3A_73 = arith.cmpi sgt, %scan3A_44, %gt3A : i32
      %convert_element_type3A_74 = arith.extui %gt3A_73 : i1 to i32
      %cond3A_75 = arith.constant 0 : i32
      %cond3A_76 = arith.cmpi ne, %convert_element_type3A_74, %cond3A_75 : i32
      scf.if %cond3A_76 {
        %dma_wait3A_126 = arith.constant 0 : i32
        %dma_wait3A_127 = arith.constant 0 : i32
        %dma_wait3A_128 = tpu.memref_slice %arg5[%dma_wait3A_126, %dma_wait3A_127] : memref<262144x128xf32, #tpu.memory_space<hbm>> -> memref<128x128xf32, #tpu.memory_space<hbm>>
        %dma_wait3A_129 = arith.constant 0 : i32
        %dma_wait3A_130 = arith.constant 0 : i32
        %dma_wait3A_131 = tpu.memref_slice %arg5[%dma_wait3A_129, %dma_wait3A_130] : memref<262144x128xf32, #tpu.memory_space<hbm>> -> memref<128x128xf32, #tpu.memory_space<hbm>>
        tpu.wait_dma2 semaphore(%arg19 : memref<!tpu.dma_semaphore, #tpu.memory_space<semaphore_mem>>) src(%arg12 : memref<128x128xf32, #tpu.memory_space<vmem>>) dst(%dma_wait3A_131 : memref<128x128xf32, #tpu.memory_space<hbm>>)
      } else {
      }
      %dma_start3A_77 = arith.constant 0 : i32
      %dma_start3A_78 = arith.constant 0 : i32
      %dma_start3A_79 = tpu.memref_slice %arg2[%dma_start3A_77, %dma_start3A_78] : memref<131072x128xf32, #tpu.memory_space<hbm>> -> memref<131072x128xf32, #tpu.memory_space<hbm>>
      tpu.enqueue_indirect_dma source(%dma_start3A_79 : memref<131072x128xf32, #tpu.memory_space<hbm>>) target(%arg12 : memref<128x128xf32, #tpu.memory_space<vmem>>) offsets(%arg8 : memref<128xi32, #tpu.memory_space<vmem>>) semaphore(%arg17 : memref<!tpu.dma_semaphore, #tpu.memory_space<semaphore_mem>>)
      %dma_start3A_80 = arith.constant 0 : i32
      %dma_start3A_81 = arith.constant 0 : i32
      %dma_start3A_82 = tpu.memref_slice %arg2[%dma_start3A_80, %dma_start3A_81] : memref<131072x128xf32, #tpu.memory_space<hbm>> -> memref<131072x128xf32, #tpu.memory_space<hbm>>
      tpu.enqueue_indirect_dma source(%dma_start3A_82 : memref<131072x128xf32, #tpu.memory_space<hbm>>) target(%arg13 : memref<128x128xf32, #tpu.memory_space<vmem>>) offsets(%arg9 : memref<128xi32, #tpu.memory_space<vmem>>) semaphore(%arg17 : memref<!tpu.dma_semaphore, #tpu.memory_space<semaphore_mem>>)
      %scan3A_83 = arith.constant 0 : i32
      %scan3A_84 = arith.constant 0 : i32
      %scan3A_85 = arith.constant 128 : i32
      %scan3A_86 = arith.addi %scan3A_84, %scan3A_85 : i32
      %scan3A_87 = arith.constant 1 : i32
      scf.for %scan3A_126 = %scan3A_84 to %scan3A_86 step %scan3A_87  : i32 {
        %get3A = arith.index_cast %scan3A_126 : i32 to index
        %get3A_127 = arith.constant 0 : index
        %get3A_128 = tpu.vector_load %arg10[%get3A, %get3A_127] {strides = array<i32>} : memref<128x128xf32, #tpu.memory_space<vmem>>, vector<1x16xf32>,
        %get3A_129 = vector.shape_cast %get3A_128 : vector<1x16xf32> to vector<16xf32>
        %get3A_130 = arith.index_cast %scan3A_126 : i32 to index
        %get3A_131 = arith.constant 0 : index
        %get3A_132 = tpu.vector_load %arg11[%get3A_130, %get3A_131] {strides = array<i32>} : memref<128x128xf32, #tpu.memory_space<vmem>>, vector<1x16xf32>,
        %get3A_133 = vector.shape_cast %get3A_132 : vector<1x16xf32> to vector<16xf32>
        %add3A_134 = arith.addf %get3A_129, %get3A_133 : vector<16xf32>
        %swap3A = arith.index_cast %scan3A_126 : i32 to index
        %swap3A_135 = arith.constant 0 : index
        %swap3A_136 = tpu.vector_load %arg10[%swap3A, %swap3A_135] {strides = array<i32>} : memref<128x128xf32, #tpu.memory_space<vmem>>, vector<1x16xf32>,
        %swap3A_137 = vector.shape_cast %swap3A_136 : vector<1x16xf32> to vector<16xf32>
        %swap3A_138 = vector.shape_cast %add3A_134 : vector<16xf32> to vector<1x16xf32>
        tpu.vector_store %arg10[%swap3A, %swap3A_135], %swap3A_138 {strides = array<i32>} : memref<128x128xf32, #tpu.memory_space<vmem>>, vector<1x16xf32>,
        %get3A_139 = arith.index_cast %scan3A_126 : i32 to index
        %get3A_140 = arith.constant 16 : index
        %get3A_141 = tpu.vector_load %arg10[%get3A_139, %get3A_140] {strides = array<i32>} : memref<128x128xf32, #tpu.memory_space<vmem>>, vector<1x16xf32>,
        %get3A_142 = vector.shape_cast %get3A_141 : vector<1x16xf32> to vector<16xf32>
        %get3A_143 = arith.index_cast %scan3A_126 : i32 to index
        %get3A_144 = arith.constant 16 : index
        %get3A_145 = tpu.vector_load %arg11[%get3A_143, %get3A_144] {strides = array<i32>} : memref<128x128xf32, #tpu.memory_space<vmem>>, vector<1x16xf32>,
        %get3A_146 = vector.shape_cast %get3A_145 : vector<1x16xf32> to vector<16xf32>
        %add3A_147 = arith.addf %get3A_142, %get3A_146 : vector<16xf32>
        %swap3A_148 = arith.index_cast %scan3A_126 : i32 to index
        %swap3A_149 = arith.constant 16 : index
        %swap3A_150 = tpu.vector_load %arg10[%swap3A_148, %swap3A_149] {strides = array<i32>} : memref<128x128xf32, #tpu.memory_space<vmem>>, vector<1x16xf32>,
        %swap3A_151 = vector.shape_cast %swap3A_150 : vector<1x16xf32> to vector<16xf32>
        %swap3A_152 = vector.shape_cast %add3A_147 : vector<16xf32> to vector<1x16xf32>
        tpu.vector_store %arg10[%swap3A_148, %swap3A_149], %swap3A_152 {strides = array<i32>} : memref<128x128xf32, #tpu.memory_space<vmem>>, vector<1x16xf32>,
        %get3A_153 = arith.index_cast %scan3A_126 : i32 to index
        %get3A_154 = arith.constant 32 : index
        %get3A_155 = tpu.vector_load %arg10[%get3A_153, %get3A_154] {strides = array<i32>} : memref<128x128xf32, #tpu.memory_space<vmem>>, vector<1x16xf32>,
        %get3A_156 = vector.shape_cast %get3A_155 : vector<1x16xf32> to vector<16xf32>
        %get3A_157 = arith.index_cast %scan3A_126 : i32 to index
        %get3A_158 = arith.constant 32 : index
        %get3A_159 = tpu.vector_load %arg11[%get3A_157, %get3A_158] {strides = array<i32>} : memref<128x128xf32, #tpu.memory_space<vmem>>, vector<1x16xf32>,
        %get3A_160 = vector.shape_cast %get3A_159 : vector<1x16xf32> to vector<16xf32>
        %add3A_161 = arith.addf %get3A_156, %get3A_160 : vector<16xf32>
        %swap3A_162 = arith.index_cast %scan3A_126 : i32 to index
        %swap3A_163 = arith.constant 32 : index
        %swap3A_164 = tpu.vector_load %arg10[%swap3A_162, %swap3A_163] {strides = array<i32>} : memref<128x128xf32, #tpu.memory_space<vmem>>, vector<1x16xf32>,
        %swap3A_165 = vector.shape_cast %swap3A_164 : vector<1x16xf32> to vector<16xf32>
        %swap3A_166 = vector.shape_cast %add3A_161 : vector<16xf32> to vector<1x16xf32>
        tpu.vector_store %arg10[%swap3A_162, %swap3A_163], %swap3A_166 {strides = array<i32>} : memref<128x128xf32, #tpu.memory_space<vmem>>, vector<1x16xf32>,
        %get3A_167 = arith.index_cast %scan3A_126 : i32 to index
        %get3A_168 = arith.constant 48 : index
        %get3A_169 = tpu.vector_load %arg10[%get3A_167, %get3A_168] {strides = array<i32>} : memref<128x128xf32, #tpu.memory_space<vmem>>, vector<1x16xf32>,
        %get3A_170 = vector.shape_cast %get3A_169 : vector<1x16xf32> to vector<16xf32>
        %get3A_171 = arith.index_cast %scan3A_126 : i32 to index
        %get3A_172 = arith.constant 48 : index
        %get3A_173 = tpu.vector_load %arg11[%get3A_171, %get3A_172] {strides = array<i32>} : memref<128x128xf32, #tpu.memory_space<vmem>>, vector<1x16xf32>,
        %get3A_174 = vector.shape_cast %get3A_173 : vector<1x16xf32> to vector<16xf32>
        %add3A_175 = arith.addf %get3A_170, %get3A_174 : vector<16xf32>
        %swap3A_176 = arith.index_cast %scan3A_126 : i32 to index
        %swap3A_177 = arith.constant 48 : index
        %swap3A_178 = tpu.vector_load %arg10[%swap3A_176, %swap3A_177] {strides = array<i32>} : memref<128x128xf32, #tpu.memory_space<vmem>>, vector<1x16xf32>,
        %swap3A_179 = vector.shape_cast %swap3A_178 : vector<1x16xf32> to vector<16xf32>
        %swap3A_180 = vector.shape_cast %add3A_175 : vector<16xf32> to vector<1x16xf32>
        tpu.vector_store %arg10[%swap3A_176, %swap3A_177], %swap3A_180 {strides = array<i32>} : memref<128x128xf32, #tpu.memory_space<vmem>>, vector<1x16xf32>,
        %get3A_181 = arith.index_cast %scan3A_126 : i32 to index
        %get3A_182 = arith.constant 64 : index
        %get3A_183 = tpu.vector_load %arg10[%get3A_181, %get3A_182] {strides = array<i32>} : memref<128x128xf32, #tpu.memory_space<vmem>>, vector<1x16xf32>,
        %get3A_184 = vector.shape_cast %get3A_183 : vector<1x16xf32> to vector<16xf32>
        %get3A_185 = arith.index_cast %scan3A_126 : i32 to index
        %get3A_186 = arith.constant 64 : index
        %get3A_187 = tpu.vector_load %arg11[%get3A_185, %get3A_186] {strides = array<i32>} : memref<128x128xf32, #tpu.memory_space<vmem>>, vector<1x16xf32>,
        %get3A_188 = vector.shape_cast %get3A_187 : vector<1x16xf32> to vector<16xf32>
        %add3A_189 = arith.addf %get3A_184, %get3A_188 : vector<16xf32>
        %swap3A_190 = arith.index_cast %scan3A_126 : i32 to index
        %swap3A_191 = arith.constant 64 : index
        %swap3A_192 = tpu.vector_load %arg10[%swap3A_190, %swap3A_191] {strides = array<i32>} : memref<128x128xf32, #tpu.memory_space<vmem>>, vector<1x16xf32>,
        %swap3A_193 = vector.shape_cast %swap3A_192 : vector<1x16xf32> to vector<16xf32>
        %swap3A_194 = vector.shape_cast %add3A_189 : vector<16xf32> to vector<1x16xf32>
        tpu.vector_store %arg10[%swap3A_190, %swap3A_191], %swap3A_194 {strides = array<i32>} : memref<128x128xf32, #tpu.memory_space<vmem>>, vector<1x16xf32>,
        %get3A_195 = arith.index_cast %scan3A_126 : i32 to index
        %get3A_196 = arith.constant 80 : index
        %get3A_197 = tpu.vector_load %arg10[%get3A_195, %get3A_196] {strides = array<i32>} : memref<128x128xf32, #tpu.memory_space<vmem>>, vector<1x16xf32>,
        %get3A_198 = vector.shape_cast %get3A_197 : vector<1x16xf32> to vector<16xf32>
        %get3A_199 = arith.index_cast %scan3A_126 : i32 to index
        %get3A_200 = arith.constant 80 : index
        %get3A_201 = tpu.vector_load %arg11[%get3A_199, %get3A_200] {strides = array<i32>} : memref<128x128xf32, #tpu.memory_space<vmem>>, vector<1x16xf32>,
        %get3A_202 = vector.shape_cast %get3A_201 : vector<1x16xf32> to vector<16xf32>
        %add3A_203 = arith.addf %get3A_198, %get3A_202 : vector<16xf32>
        %swap3A_204 = arith.index_cast %scan3A_126 : i32 to index
        %swap3A_205 = arith.constant 80 : index
        %swap3A_206 = tpu.vector_load %arg10[%swap3A_204, %swap3A_205] {strides = array<i32>} : memref<128x128xf32, #tpu.memory_space<vmem>>, vector<1x16xf32>,
        %swap3A_207 = vector.shape_cast %swap3A_206 : vector<1x16xf32> to vector<16xf32>
        %swap3A_208 = vector.shape_cast %add3A_203 : vector<16xf32> to vector<1x16xf32>
        tpu.vector_store %arg10[%swap3A_204, %swap3A_205], %swap3A_208 {strides = array<i32>} : memref<128x128xf32, #tpu.memory_space<vmem>>, vector<1x16xf32>,
        %get3A_209 = arith.index_cast %scan3A_126 : i32 to index
        %get3A_210 = arith.constant 96 : index
        %get3A_211 = tpu.vector_load %arg10[%get3A_209, %get3A_210] {strides = array<i32>} : memref<128x128xf32, #tpu.memory_space<vmem>>, vector<1x16xf32>,
        %get3A_212 = vector.shape_cast %get3A_211 : vector<1x16xf32> to vector<16xf32>
        %get3A_213 = arith.index_cast %scan3A_126 : i32 to index
        %get3A_214 = arith.constant 96 : index
        %get3A_215 = tpu.vector_load %arg11[%get3A_213, %get3A_214] {strides = array<i32>} : memref<128x128xf32, #tpu.memory_space<vmem>>, vector<1x16xf32>,
        %get3A_216 = vector.shape_cast %get3A_215 : vector<1x16xf32> to vector<16xf32>
        %add3A_217 = arith.addf %get3A_212, %get3A_216 : vector<16xf32>
        %swap3A_218 = arith.index_cast %scan3A_126 : i32 to index
        %swap3A_219 = arith.constant 96 : index
        %swap3A_220 = tpu.vector_load %arg10[%swap3A_218, %swap3A_219] {strides = array<i32>} : memref<128x128xf32, #tpu.memory_space<vmem>>, vector<1x16xf32>,
        %swap3A_221 = vector.shape_cast %swap3A_220 : vector<1x16xf32> to vector<16xf32>
        %swap3A_222 = vector.shape_cast %add3A_217 : vector<16xf32> to vector<1x16xf32>
        tpu.vector_store %arg10[%swap3A_218, %swap3A_219], %swap3A_222 {strides = array<i32>} : memref<128x128xf32, #tpu.memory_space<vmem>>, vector<1x16xf32>,
        %get3A_223 = arith.index_cast %scan3A_126 : i32 to index
        %get3A_224 = arith.constant 112 : index
        %get3A_225 = tpu.vector_load %arg10[%get3A_223, %get3A_224] {strides = array<i32>} : memref<128x128xf32, #tpu.memory_space<vmem>>, vector<1x16xf32>,
        %get3A_226 = vector.shape_cast %get3A_225 : vector<1x16xf32> to vector<16xf32>
        %get3A_227 = arith.index_cast %scan3A_126 : i32 to index
        %get3A_228 = arith.constant 112 : index
        %get3A_229 = tpu.vector_load %arg11[%get3A_227, %get3A_228] {strides = array<i32>} : memref<128x128xf32, #tpu.memory_space<vmem>>, vector<1x16xf32>,
        %get3A_230 = vector.shape_cast %get3A_229 : vector<1x16xf32> to vector<16xf32>
        %add3A_231 = arith.addf %get3A_226, %get3A_230 : vector<16xf32>
        %swap3A_232 = arith.index_cast %scan3A_126 : i32 to index
        %swap3A_233 = arith.constant 112 : index
        %swap3A_234 = tpu.vector_load %arg10[%swap3A_232, %swap3A_233] {strides = array<i32>} : memref<128x128xf32, #tpu.memory_space<vmem>>, vector<1x16xf32>,
        %swap3A_235 = vector.shape_cast %swap3A_234 : vector<1x16xf32> to vector<16xf32>
        %swap3A_236 = vector.shape_cast %add3A_231 : vector<16xf32> to vector<1x16xf32>
        tpu.vector_store %arg10[%swap3A_232, %swap3A_233], %swap3A_236 {strides = array<i32>} : memref<128x128xf32, #tpu.memory_space<vmem>>, vector<1x16xf32>,
      }
      %scan3A_88 = arith.constant 128 : i32
      %mul3A_89 = arith.constant 128 : i32
      %mul3A_90 = arith.muli %mul3A_46, %mul3A_89 : i32
      %add3A_91 = arith.addi %mul3A_2, %mul3A_90 : i32
      %dma_start3A_92 = arith.constant 0 : i32
      %dma_start3A_93 = tpu.memref_slice %arg5[%add3A_91, %dma_start3A_92] : memref<262144x128xf32, #tpu.memory_space<hbm>> -> memref<128x128xf32, #tpu.memory_space<hbm>>
      %dma_start3A_94 = arith.constant 0 : i32
      %dma_start3A_95 = tpu.memref_slice %arg5[%add3A_91, %dma_start3A_94] : memref<262144x128xf32, #tpu.memory_space<hbm>> -> memref<128x128xf32, #tpu.memory_space<hbm>>
      tpu.enqueue_dma source(%arg10 : memref<128x128xf32, #tpu.memory_space<vmem>>) target(%dma_start3A_95 : memref<128x128xf32, #tpu.memory_space<hbm>>) target_semaphore(%arg18 : memref<!tpu.dma_semaphore, #tpu.memory_space<semaphore_mem>>)
      %dma_wait3A_96 = arith.constant 0 : i32
      %dma_wait3A_97 = arith.constant 0 : i32
      %dma_wait3A_98 = tpu.memref_slice %arg2[%dma_wait3A_96, %dma_wait3A_97] : memref<131072x128xf32, #tpu.memory_space<hbm>> -> memref<128x128xf32, #tpu.memory_space<hbm>>
      %dma_wait3A_99 = arith.constant 0 : i32
      %dma_wait3A_100 = arith.constant 0 : i32
      %dma_wait3A_101 = tpu.memref_slice %arg2[%dma_wait3A_99, %dma_wait3A_100] : memref<131072x128xf32, #tpu.memory_space<hbm>> -> memref<128x128xf32, #tpu.memory_space<hbm>>
      tpu.wait_dma2 semaphore(%arg17 : memref<!tpu.dma_semaphore, #tpu.memory_space<semaphore_mem>>) src(%dma_wait3A_101 : memref<128x128xf32, #tpu.memory_space<hbm>>) dst(%arg12 : memref<128x128xf32, #tpu.memory_space<vmem>>)
      %dma_wait3A_102 = arith.constant 0 : i32
      %dma_wait3A_103 = arith.constant 0 : i32
      %dma_wait3A_104 = tpu.memref_slice %arg2[%dma_wait3A_102, %dma_wait3A_103] : memref<131072x128xf32, #tpu.memory_space<hbm>> -> memref<128x128xf32, #tpu.memory_space<hbm>>
      %dma_wait3A_105 = arith.constant 0 : i32
      %dma_wait3A_106 = arith.constant 0 : i32
      %dma_wait3A_107 = tpu.memref_slice %arg2[%dma_wait3A_105, %dma_wait3A_106] : memref<131072x128xf32, #tpu.memory_space<hbm>> -> memref<128x128xf32, #tpu.memory_space<hbm>>
      tpu.wait_dma2 semaphore(%arg17 : memref<!tpu.dma_semaphore, #tpu.memory_space<semaphore_mem>>) src(%dma_wait3A_107 : memref<128x128xf32, #tpu.memory_space<hbm>>) dst(%arg13 : memref<128x128xf32, #tpu.memory_space<vmem>>)
      %lt3A_108 = arith.constant 31 : i32
      %lt3A_109 = arith.cmpi slt, %scan3A_44, %lt3A_108 : i32
      %convert_element_type3A_110 = arith.extui %lt3A_109 : i1 to i32
      %cond3A_111 = arith.constant 0 : i32
      %cond3A_112 = arith.cmpi ne, %convert_element_type3A_110, %cond3A_111 : i32
      scf.if %cond3A_112 {
        %add3A_126 = arith.constant 2 : i32
        %add3A_127 = arith.addi %add3A_50, %add3A_126 : i32
        %mul3A_128 = arith.constant 128 : i32
        %mul3A_129 = arith.muli %add3A_127, %mul3A_128 : i32
        %add3A_130 = arith.addi %mul3A_2, %mul3A_129 : i32
        %dma_start3A_131 = tpu.memref_slice %arg3[%add3A_130] : memref<262144xi32, #tpu.memory_space<hbm>> -> memref<128xi32, #tpu.memory_space<hbm>>
        %dma_start3A_132 = tpu.memref_slice %arg3[%add3A_130] : memref<262144xi32, #tpu.memory_space<hbm>> -> memref<128xi32, #tpu.memory_space<hbm>>
        tpu.enqueue_dma source(%dma_start3A_132 : memref<128xi32, #tpu.memory_space<hbm>>) target(%arg8 : memref<128xi32, #tpu.memory_space<vmem>>) target_semaphore(%arg15 : memref<!tpu.dma_semaphore, #tpu.memory_space<semaphore_mem>>)
        %dma_start3A_133 = tpu.memref_slice %arg4[%add3A_130] : memref<262144xi32, #tpu.memory_space<hbm>> -> memref<128xi32, #tpu.memory_space<hbm>>
        %dma_start3A_134 = tpu.memref_slice %arg4[%add3A_130] : memref<262144xi32, #tpu.memory_space<hbm>> -> memref<128xi32, #tpu.memory_space<hbm>>
        tpu.enqueue_dma source(%dma_start3A_134 : memref<128xi32, #tpu.memory_space<hbm>>) target(%arg9 : memref<128xi32, #tpu.memory_space<vmem>>) target_semaphore(%arg15 : memref<!tpu.dma_semaphore, #tpu.memory_space<semaphore_mem>>)
        %dma_wait3A_135 = arith.constant 0 : i32
        %dma_wait3A_136 = tpu.memref_slice %arg3[%dma_wait3A_135] : memref<262144xi32, #tpu.memory_space<hbm>> -> memref<128xi32, #tpu.memory_space<hbm>>
        %dma_wait3A_137 = arith.constant 0 : i32
        %dma_wait3A_138 = tpu.memref_slice %arg3[%dma_wait3A_137] : memref<262144xi32, #tpu.memory_space<hbm>> -> memref<128xi32, #tpu.memory_space<hbm>>
        tpu.wait_dma2 semaphore(%arg14 : memref<!tpu.dma_semaphore, #tpu.memory_space<semaphore_mem>>) src(%dma_wait3A_138 : memref<128xi32, #tpu.memory_space<hbm>>) dst(%arg6 : memref<128xi32, #tpu.memory_space<vmem>>)
        %dma_wait3A_139 = arith.constant 0 : i32
        %dma_wait3A_140 = tpu.memref_slice %arg3[%dma_wait3A_139] : memref<262144xi32, #tpu.memory_space<hbm>> -> memref<128xi32, #tpu.memory_space<hbm>>
        %dma_wait3A_141 = arith.constant 0 : i32
        %dma_wait3A_142 = tpu.memref_slice %arg3[%dma_wait3A_141] : memref<262144xi32, #tpu.memory_space<hbm>> -> memref<128xi32, #tpu.memory_space<hbm>>
        tpu.wait_dma2 semaphore(%arg14 : memref<!tpu.dma_semaphore, #tpu.memory_space<semaphore_mem>>) src(%dma_wait3A_142 : memref<128xi32, #tpu.memory_space<hbm>>) dst(%arg7 : memref<128xi32, #tpu.memory_space<vmem>>)
        %dma_wait3A_143 = arith.constant 0 : i32
        %dma_wait3A_144 = arith.constant 0 : i32
        %dma_wait3A_145 = tpu.memref_slice %arg5[%dma_wait3A_143, %dma_wait3A_144] : memref<262144x128xf32, #tpu.memory_space<hbm>> -> memref<128x128xf32, #tpu.memory_space<hbm>>
        %dma_wait3A_146 = arith.constant 0 : i32
        %dma_wait3A_147 = arith.constant 0 : i32
        %dma_wait3A_148 = tpu.memref_slice %arg5[%dma_wait3A_146, %dma_wait3A_147] : memref<262144x128xf32, #tpu.memory_space<hbm>> -> memref<128x128xf32, #tpu.memory_space<hbm>>
        tpu.wait_dma2 semaphore(%arg18 : memref<!tpu.dma_semaphore, #tpu.memory_space<semaphore_mem>>) src(%arg10 : memref<128x128xf32, #tpu.memory_space<vmem>>) dst(%dma_wait3A_148 : memref<128x128xf32, #tpu.memory_space<hbm>>)
        %dma_start3A_149 = arith.constant 0 : i32
        %dma_start3A_150 = arith.constant 0 : i32
        %dma_start3A_151 = tpu.memref_slice %arg2[%dma_start3A_149, %dma_start3A_150] : memref<131072x128xf32, #tpu.memory_space<hbm>> -> memref<131072x128xf32, #tpu.memory_space<hbm>>
        tpu.enqueue_indirect_dma source(%dma_start3A_151 : memref<131072x128xf32, #tpu.memory_space<hbm>>) target(%arg10 : memref<128x128xf32, #tpu.memory_space<vmem>>) offsets(%arg6 : memref<128xi32, #tpu.memory_space<vmem>>) semaphore(%arg16 : memref<!tpu.dma_semaphore, #tpu.memory_space<semaphore_mem>>)
        %dma_start3A_152 = arith.constant 0 : i32
        %dma_start3A_153 = arith.constant 0 : i32
        %dma_start3A_154 = tpu.memref_slice %arg2[%dma_start3A_152, %dma_start3A_153] : memref<131072x128xf32, #tpu.memory_space<hbm>> -> memref<131072x128xf32, #tpu.memory_space<hbm>>
        tpu.enqueue_indirect_dma source(%dma_start3A_154 : memref<131072x128xf32, #tpu.memory_space<hbm>>) target(%arg11 : memref<128x128xf32, #tpu.memory_space<vmem>>) offsets(%arg7 : memref<128xi32, #tpu.memory_space<vmem>>) semaphore(%arg16 : memref<!tpu.dma_semaphore, #tpu.memory_space<semaphore_mem>>)
      } else {
      }
      %scan3A_113 = arith.constant 0 : i32
      %scan3A_114 = arith.constant 0 : i32
      %scan3A_115 = arith.constant 128 : i32
      %scan3A_116 = arith.addi %scan3A_114, %scan3A_115 : i32
      %scan3A_117 = arith.constant 1 : i32
      scf.for %scan3A_126 = %scan3A_114 to %scan3A_116 step %scan3A_117  : i32 {
        %get3A = arith.index_cast %scan3A_126 : i32 to index
        %get3A_127 = arith.constant 0 : index
        %get3A_128 = tpu.vector_load %arg12[%get3A, %get3A_127] {strides = array<i32>} : memref<128x128xf32, #tpu.memory_space<vmem>>, vector<1x16xf32>,
        %get3A_129 = vector.shape_cast %get3A_128 : vector<1x16xf32> to vector<16xf32>
        %get3A_130 = arith.index_cast %scan3A_126 : i32 to index
        %get3A_131 = arith.constant 0 : index
        %get3A_132 = tpu.vector_load %arg13[%get3A_130, %get3A_131] {strides = array<i32>} : memref<128x128xf32, #tpu.memory_space<vmem>>, vector<1x16xf32>,
        %get3A_133 = vector.shape_cast %get3A_132 : vector<1x16xf32> to vector<16xf32>
        %add3A_134 = arith.addf %get3A_129, %get3A_133 : vector<16xf32>
        %swap3A = arith.index_cast %scan3A_126 : i32 to index
        %swap3A_135 = arith.constant 0 : index
        %swap3A_136 = tpu.vector_load %arg12[%swap3A, %swap3A_135] {strides = array<i32>} : memref<128x128xf32, #tpu.memory_space<vmem>>, vector<1x16xf32>,
        %swap3A_137 = vector.shape_cast %swap3A_136 : vector<1x16xf32> to vector<16xf32>
        %swap3A_138 = vector.shape_cast %add3A_134 : vector<16xf32> to vector<1x16xf32>
        tpu.vector_store %arg12[%swap3A, %swap3A_135], %swap3A_138 {strides = array<i32>} : memref<128x128xf32, #tpu.memory_space<vmem>>, vector<1x16xf32>,
        %get3A_139 = arith.index_cast %scan3A_126 : i32 to index
        %get3A_140 = arith.constant 16 : index
        %get3A_141 = tpu.vector_load %arg12[%get3A_139, %get3A_140] {strides = array<i32>} : memref<128x128xf32, #tpu.memory_space<vmem>>, vector<1x16xf32>,
        %get3A_142 = vector.shape_cast %get3A_141 : vector<1x16xf32> to vector<16xf32>
        %get3A_143 = arith.index_cast %scan3A_126 : i32 to index
        %get3A_144 = arith.constant 16 : index
        %get3A_145 = tpu.vector_load %arg13[%get3A_143, %get3A_144] {strides = array<i32>} : memref<128x128xf32, #tpu.memory_space<vmem>>, vector<1x16xf32>,
        %get3A_146 = vector.shape_cast %get3A_145 : vector<1x16xf32> to vector<16xf32>
        %add3A_147 = arith.addf %get3A_142, %get3A_146 : vector<16xf32>
        %swap3A_148 = arith.index_cast %scan3A_126 : i32 to index
        %swap3A_149 = arith.constant 16 : index
        %swap3A_150 = tpu.vector_load %arg12[%swap3A_148, %swap3A_149] {strides = array<i32>} : memref<128x128xf32, #tpu.memory_space<vmem>>, vector<1x16xf32>,
        %swap3A_151 = vector.shape_cast %swap3A_150 : vector<1x16xf32> to vector<16xf32>
        %swap3A_152 = vector.shape_cast %add3A_147 : vector<16xf32> to vector<1x16xf32>
        tpu.vector_store %arg12[%swap3A_148, %swap3A_149], %swap3A_152 {strides = array<i32>} : memref<128x128xf32, #tpu.memory_space<vmem>>, vector<1x16xf32>,
        %get3A_153 = arith.index_cast %scan3A_126 : i32 to index
        %get3A_154 = arith.constant 32 : index
        %get3A_155 = tpu.vector_load %arg12[%get3A_153, %get3A_154] {strides = array<i32>} : memref<128x128xf32, #tpu.memory_space<vmem>>, vector<1x16xf32>,
        %get3A_156 = vector.shape_cast %get3A_155 : vector<1x16xf32> to vector<16xf32>
        %get3A_157 = arith.index_cast %scan3A_126 : i32 to index
        %get3A_158 = arith.constant 32 : index
        %get3A_159 = tpu.vector_load %arg13[%get3A_157, %get3A_158] {strides = array<i32>} : memref<128x128xf32, #tpu.memory_space<vmem>>, vector<1x16xf32>,
        %get3A_160 = vector.shape_cast %get3A_159 : vector<1x16xf32> to vector<16xf32>
        %add3A_161 = arith.addf %get3A_156, %get3A_160 : vector<16xf32>
        %swap3A_162 = arith.index_cast %scan3A_126 : i32 to index
        %swap3A_163 = arith.constant 32 : index
        %swap3A_164 = tpu.vector_load %arg12[%swap3A_162, %swap3A_163] {strides = array<i32>} : memref<128x128xf32, #tpu.memory_space<vmem>>, vector<1x16xf32>,
        %swap3A_165 = vector.shape_cast %swap3A_164 : vector<1x16xf32> to vector<16xf32>
        %swap3A_166 = vector.shape_cast %add3A_161 : vector<16xf32> to vector<1x16xf32>
        tpu.vector_store %arg12[%swap3A_162, %swap3A_163], %swap3A_166 {strides = array<i32>} : memref<128x128xf32, #tpu.memory_space<vmem>>, vector<1x16xf32>,
        %get3A_167 = arith.index_cast %scan3A_126 : i32 to index
        %get3A_168 = arith.constant 48 : index
        %get3A_169 = tpu.vector_load %arg12[%get3A_167, %get3A_168] {strides = array<i32>} : memref<128x128xf32, #tpu.memory_space<vmem>>, vector<1x16xf32>,
        %get3A_170 = vector.shape_cast %get3A_169 : vector<1x16xf32> to vector<16xf32>
        %get3A_171 = arith.index_cast %scan3A_126 : i32 to index
        %get3A_172 = arith.constant 48 : index
        %get3A_173 = tpu.vector_load %arg13[%get3A_171, %get3A_172] {strides = array<i32>} : memref<128x128xf32, #tpu.memory_space<vmem>>, vector<1x16xf32>,
        %get3A_174 = vector.shape_cast %get3A_173 : vector<1x16xf32> to vector<16xf32>
        %add3A_175 = arith.addf %get3A_170, %get3A_174 : vector<16xf32>
        %swap3A_176 = arith.index_cast %scan3A_126 : i32 to index
        %swap3A_177 = arith.constant 48 : index
        %swap3A_178 = tpu.vector_load %arg12[%swap3A_176, %swap3A_177] {strides = array<i32>} : memref<128x128xf32, #tpu.memory_space<vmem>>, vector<1x16xf32>,
        %swap3A_179 = vector.shape_cast %swap3A_178 : vector<1x16xf32> to vector<16xf32>
        %swap3A_180 = vector.shape_cast %add3A_175 : vector<16xf32> to vector<1x16xf32>
        tpu.vector_store %arg12[%swap3A_176, %swap3A_177], %swap3A_180 {strides = array<i32>} : memref<128x128xf32, #tpu.memory_space<vmem>>, vector<1x16xf32>,
        %get3A_181 = arith.index_cast %scan3A_126 : i32 to index
        %get3A_182 = arith.constant 64 : index
        %get3A_183 = tpu.vector_load %arg12[%get3A_181, %get3A_182] {strides = array<i32>} : memref<128x128xf32, #tpu.memory_space<vmem>>, vector<1x16xf32>,
        %get3A_184 = vector.shape_cast %get3A_183 : vector<1x16xf32> to vector<16xf32>
        %get3A_185 = arith.index_cast %scan3A_126 : i32 to index
        %get3A_186 = arith.constant 64 : index
        %get3A_187 = tpu.vector_load %arg13[%get3A_185, %get3A_186] {strides = array<i32>} : memref<128x128xf32, #tpu.memory_space<vmem>>, vector<1x16xf32>,
        %get3A_188 = vector.shape_cast %get3A_187 : vector<1x16xf32> to vector<16xf32>
        %add3A_189 = arith.addf %get3A_184, %get3A_188 : vector<16xf32>
        %swap3A_190 = arith.index_cast %scan3A_126 : i32 to index
        %swap3A_191 = arith.constant 64 : index
        %swap3A_192 = tpu.vector_load %arg12[%swap3A_190, %swap3A_191] {strides = array<i32>} : memref<128x128xf32, #tpu.memory_space<vmem>>, vector<1x16xf32>,
        %swap3A_193 = vector.shape_cast %swap3A_192 : vector<1x16xf32> to vector<16xf32>
        %swap3A_194 = vector.shape_cast %add3A_189 : vector<16xf32> to vector<1x16xf32>
        tpu.vector_store %arg12[%swap3A_190, %swap3A_191], %swap3A_194 {strides = array<i32>} : memref<128x128xf32, #tpu.memory_space<vmem>>, vector<1x16xf32>,
        %get3A_195 = arith.index_cast %scan3A_126 : i32 to index
        %get3A_196 = arith.constant 80 : index
        %get3A_197 = tpu.vector_load %arg12[%get3A_195, %get3A_196] {strides = array<i32>} : memref<128x128xf32, #tpu.memory_space<vmem>>, vector<1x16xf32>,
        %get3A_198 = vector.shape_cast %get3A_197 : vector<1x16xf32> to vector<16xf32>
        %get3A_199 = arith.index_cast %scan3A_126 : i32 to index
        %get3A_200 = arith.constant 80 : index
        %get3A_201 = tpu.vector_load %arg13[%get3A_199, %get3A_200] {strides = array<i32>} : memref<128x128xf32, #tpu.memory_space<vmem>>, vector<1x16xf32>,
        %get3A_202 = vector.shape_cast %get3A_201 : vector<1x16xf32> to vector<16xf32>
        %add3A_203 = arith.addf %get3A_198, %get3A_202 : vector<16xf32>
        %swap3A_204 = arith.index_cast %scan3A_126 : i32 to index
        %swap3A_205 = arith.constant 80 : index
        %swap3A_206 = tpu.vector_load %arg12[%swap3A_204, %swap3A_205] {strides = array<i32>} : memref<128x128xf32, #tpu.memory_space<vmem>>, vector<1x16xf32>,
        %swap3A_207 = vector.shape_cast %swap3A_206 : vector<1x16xf32> to vector<16xf32>
        %swap3A_208 = vector.shape_cast %add3A_203 : vector<16xf32> to vector<1x16xf32>
        tpu.vector_store %arg12[%swap3A_204, %swap3A_205], %swap3A_208 {strides = array<i32>} : memref<128x128xf32, #tpu.memory_space<vmem>>, vector<1x16xf32>,
        %get3A_209 = arith.index_cast %scan3A_126 : i32 to index
        %get3A_210 = arith.constant 96 : index
        %get3A_211 = tpu.vector_load %arg12[%get3A_209, %get3A_210] {strides = array<i32>} : memref<128x128xf32, #tpu.memory_space<vmem>>, vector<1x16xf32>,
        %get3A_212 = vector.shape_cast %get3A_211 : vector<1x16xf32> to vector<16xf32>
        %get3A_213 = arith.index_cast %scan3A_126 : i32 to index
        %get3A_214 = arith.constant 96 : index
        %get3A_215 = tpu.vector_load %arg13[%get3A_213, %get3A_214] {strides = array<i32>} : memref<128x128xf32, #tpu.memory_space<vmem>>, vector<1x16xf32>,
        %get3A_216 = vector.shape_cast %get3A_215 : vector<1x16xf32> to vector<16xf32>
        %add3A_217 = arith.addf %get3A_212, %get3A_216 : vector<16xf32>
        %swap3A_218 = arith.index_cast %scan3A_126 : i32 to index
        %swap3A_219 = arith.constant 96 : index
        %swap3A_220 = tpu.vector_load %arg12[%swap3A_218, %swap3A_219] {strides = array<i32>} : memref<128x128xf32, #tpu.memory_space<vmem>>, vector<1x16xf32>,
        %swap3A_221 = vector.shape_cast %swap3A_220 : vector<1x16xf32> to vector<16xf32>
        %swap3A_222 = vector.shape_cast %add3A_217 : vector<16xf32> to vector<1x16xf32>
        tpu.vector_store %arg12[%swap3A_218, %swap3A_219], %swap3A_222 {strides = array<i32>} : memref<128x128xf32, #tpu.memory_space<vmem>>, vector<1x16xf32>,
        %get3A_223 = arith.index_cast %scan3A_126 : i32 to index
        %get3A_224 = arith.constant 112 : index
        %get3A_225 = tpu.vector_load %arg12[%get3A_223, %get3A_224] {strides = array<i32>} : memref<128x128xf32, #tpu.memory_space<vmem>>, vector<1x16xf32>,
        %get3A_226 = vector.shape_cast %get3A_225 : vector<1x16xf32> to vector<16xf32>
        %get3A_227 = arith.index_cast %scan3A_126 : i32 to index
        %get3A_228 = arith.constant 112 : index
        %get3A_229 = tpu.vector_load %arg13[%get3A_227, %get3A_228] {strides = array<i32>} : memref<128x128xf32, #tpu.memory_space<vmem>>, vector<1x16xf32>,
        %get3A_230 = vector.shape_cast %get3A_229 : vector<1x16xf32> to vector<16xf32>
        %add3A_231 = arith.addf %get3A_226, %get3A_230 : vector<16xf32>
        %swap3A_232 = arith.index_cast %scan3A_126 : i32 to index
        %swap3A_233 = arith.constant 112 : index
        %swap3A_234 = tpu.vector_load %arg12[%swap3A_232, %swap3A_233] {strides = array<i32>} : memref<128x128xf32, #tpu.memory_space<vmem>>, vector<1x16xf32>,
        %swap3A_235 = vector.shape_cast %swap3A_234 : vector<1x16xf32> to vector<16xf32>
        %swap3A_236 = vector.shape_cast %add3A_231 : vector<16xf32> to vector<1x16xf32>
        tpu.vector_store %arg12[%swap3A_232, %swap3A_233], %swap3A_236 {strides = array<i32>} : memref<128x128xf32, #tpu.memory_space<vmem>>, vector<1x16xf32>,
      }
      %scan3A_118 = arith.constant 128 : i32
      %mul3A_119 = arith.constant 128 : i32
      %mul3A_120 = arith.muli %add3A_50, %mul3A_119 : i32
      %add3A_121 = arith.addi %mul3A_2, %mul3A_120 : i32
      %dma_start3A_122 = arith.constant 0 : i32
      %dma_start3A_123 = tpu.memref_slice %arg5[%add3A_121, %dma_start3A_122] : memref<262144x128xf32, #tpu.memory_space<hbm>> -> memref<128x128xf32, #tpu.memory_space<hbm>>
      %dma_start3A_124 = arith.constant 0 : i32
      %dma_start3A_125 = tpu.memref_slice %arg5[%add3A_121, %dma_start3A_124] : memref<262144x128xf32, #tpu.memory_space<hbm>> -> memref<128x128xf32, #tpu.memory_space<hbm>>
      tpu.enqueue_dma source(%arg12 : memref<128x128xf32, #tpu.memory_space<vmem>>) target(%dma_start3A_125 : memref<128x128xf32, #tpu.memory_space<hbm>>) target_semaphore(%arg19 : memref<!tpu.dma_semaphore, #tpu.memory_space<semaphore_mem>>)
    }
    %scan3A_31 = arith.constant 32 : i32
    %dma_wait3A_32 = arith.constant 0 : i32
    %dma_wait3A_33 = arith.constant 0 : i32
    %dma_wait3A_34 = tpu.memref_slice %arg5[%dma_wait3A_32, %dma_wait3A_33] : memref<262144x128xf32, #tpu.memory_space<hbm>> -> memref<128x128xf32, #tpu.memory_space<hbm>>
    %dma_wait3A_35 = arith.constant 0 : i32
    %dma_wait3A_36 = arith.constant 0 : i32
    %dma_wait3A_37 = tpu.memref_slice %arg5[%dma_wait3A_35, %dma_wait3A_36] : memref<262144x128xf32, #tpu.memory_space<hbm>> -> memref<128x128xf32, #tpu.memory_space<hbm>>
    tpu.wait_dma2 semaphore(%arg18 : memref<!tpu.dma_semaphore, #tpu.memory_space<semaphore_mem>>) src(%arg10 : memref<128x128xf32, #tpu.memory_space<vmem>>) dst(%dma_wait3A_37 : memref<128x128xf32, #tpu.memory_space<hbm>>)
    %dma_wait3A_38 = arith.constant 0 : i32
    %dma_wait3A_39 = arith.constant 0 : i32
    %dma_wait3A_40 = tpu.memref_slice %arg5[%dma_wait3A_38, %dma_wait3A_39] : memref<262144x128xf32, #tpu.memory_space<hbm>> -> memref<128x128xf32, #tpu.memory_space<hbm>>
    %dma_wait3A_41 = arith.constant 0 : i32
    %dma_wait3A_42 = arith.constant 0 : i32
    %dma_wait3A_43 = tpu.memref_slice %arg5[%dma_wait3A_41, %dma_wait3A_42] : memref<262144x128xf32, #tpu.memory_space<hbm>> -> memref<128x128xf32, #tpu.memory_space<hbm>>
    tpu.wait_dma2 semaphore(%arg19 : memref<!tpu.dma_semaphore, #tpu.memory_space<semaphore_mem>>) src(%arg12 : memref<128x128xf32, #tpu.memory_space<vmem>>) dst(%dma_wait3A_43 : memref<128x128xf32, #tpu.memory_space<hbm>>)
    return
  }
}

module attributes {stable_mosaic.version = 14 : i64} {
  func.func @_mm_body(%arg0: i32, %arg1: memref<1024x128xf32, #tpu.memory_space<vmem>>, %arg2: memref<1024x128xf32, #tpu.memory_space<vmem>>, %arg3: memref<128x128xf32, #tpu.memory_space<vmem>>, %arg4: memref<128x128xf32, #tpu.memory_space<vmem>>, %arg5: memref<1024x128xf32, #tpu.memory_space<vmem>>) attributes {dimension_semantics = [#tpu.dimension_semantics<arbitrary>], iteration_bounds = array<i64: 256>, scalar_prefetch = 0 : i64, scratch_operands = 0 : i64, tpu.core_type = #tpu.core_type<tc>, window_params = [{transform_indices = @transform_0, window_bounds = array<i64: 1024, 128>}, {transform_indices = @transform_1, window_bounds = array<i64: 1024, 128>}, {pipeline_mode = #tpu.pipeline_mode<synchronous>, transform_indices = @transform_2, window_bounds = array<i64: 128, 128>}, {pipeline_mode = #tpu.pipeline_mode<synchronous>, transform_indices = @transform_3, window_bounds = array<i64: 128, 128>}, {transform_indices = @transform_4, window_bounds = array<i64: 1024, 128>}]} {
    %get3A = arith.constant 0 : index
    %get3A_0 = arith.constant 0 : index
    %get3A_1 = vector.load %arg1[%get3A, %get3A_0] : memref<1024x128xf32, #tpu.memory_space<vmem>>, vector<1024x128xf32>
    %get3A_2 = arith.constant 0 : index
    %get3A_3 = arith.constant 0 : index
    %get3A_4 = vector.load %arg3[%get3A_2, %get3A_3] : memref<128x128xf32, #tpu.memory_space<vmem>>, vector<128x128xf32>
    %dot_general3A = arith.constant dense<0.000000e+00> : vector<1024x128xf32>
    %dot_general3A_5 = tpu.matmul %get3A_1, %get3A_4, %dot_general3A {dimension_numbers = #tpu.dot_dimension_numbers<[1], [0], [0], [1], [0, 0, 1, 1], [], []>, transpose_lhs_hint = false} : vector<1024x128xf32>, vector<128x128xf32>, vector<1024x128xf32> -> vector<1024x128xf32>
    %get3A_6 = arith.constant 0 : index
    %get3A_7 = arith.constant 0 : index
    %get3A_8 = vector.load %arg2[%get3A_6, %get3A_7] : memref<1024x128xf32, #tpu.memory_space<vmem>>, vector<1024x128xf32>
    %get3A_9 = arith.constant 0 : index
    %get3A_10 = arith.constant 0 : index
    %get3A_11 = vector.load %arg4[%get3A_9, %get3A_10] : memref<128x128xf32, #tpu.memory_space<vmem>>, vector<128x128xf32>
    %dot_general3A_12 = arith.constant dense<0.000000e+00> : vector<1024x128xf32>
    %dot_general3A_13 = tpu.matmul %get3A_8, %get3A_11, %dot_general3A_12 {dimension_numbers = #tpu.dot_dimension_numbers<[1], [0], [0], [1], [0, 0, 1, 1], [], []>, transpose_lhs_hint = false} : vector<1024x128xf32>, vector<128x128xf32>, vector<1024x128xf32> -> vector<1024x128xf32>
    %add3A = arith.addf %dot_general3A_5, %dot_general3A_13 : vector<1024x128xf32>
    %swap3A = arith.constant 0 : index
    %swap3A_14 = arith.constant 0 : index
    %swap3A_15 = vector.load %arg5[%swap3A, %swap3A_14] : memref<1024x128xf32, #tpu.memory_space<vmem>>, vector<1024x128xf32>
    tpu.vector_store %arg5[%swap3A, %swap3A_14], %add3A {strides = array<i32>} : memref<1024x128xf32, #tpu.memory_space<vmem>>, vector<1024x128xf32>,
    return
  }
  func.func @transform_0(%arg0: i32) -> (i32, i32) {
    %c0_i32 = arith.constant 0 : i32
    %c0_i32_0 = arith.constant 0 : i32
    return %arg0, %c0_i32 : i32, i32
  }
  func.func @transform_1(%arg0: i32) -> (i32, i32) {
    %c0_i32 = arith.constant 0 : i32
    %c0_i32_0 = arith.constant 0 : i32
    return %arg0, %c0_i32 : i32, i32
  }
  func.func @transform_2(%arg0: i32) -> (i32, i32) {
    %c0_i32 = arith.constant 0 : i32
    %c0_i32_0 = arith.constant 0 : i32
    %c0_i32_1 = arith.constant 0 : i32
    return %c0_i32, %c0_i32_0 : i32, i32
  }
  func.func @transform_3(%arg0: i32) -> (i32, i32) {
    %c0_i32 = arith.constant 0 : i32
    %c0_i32_0 = arith.constant 0 : i32
    %c0_i32_1 = arith.constant 0 : i32
    return %c0_i32, %c0_i32_0 : i32, i32
  }
  func.func @transform_4(%arg0: i32) -> (i32, i32) {
    %c0_i32 = arith.constant 0 : i32
    %c0_i32_0 = arith.constant 0 : i32
    return %arg0, %c0_i32 : i32, i32
  }
}

</mosaic_0001>

<sc_bundles>
// kernel: kernel.5.cloned.1.call-start
scs
__scs_entry_jumppad:
0x0: {  	(pc) =	sbr.rel $0x88, $3  }
0x1: {  	(tag) =	ssettag $0x0;
	lr =	simm.s32 $0x1  }
0x2: {  	[smem:$0x3F9B] =	sst lr;
	_ =	strace $0xD0000000  }
0x3: {  	_ = 	snop  }
0x4: {  	_ = 	snop  }
0x5: {  	_ = 	snop  }
0x6: {  	_ = 	snop  }
0x7: {  	_ = 	snop  }
__scs_overlays_trampoline_lowered:
0x8: {  	[smem:$0x3FAA] =	sst s0  }
0x9: {  	[smem:$0x3FAB] =	sst s1  }
0xa: {  	[smem:$0x3FAC] =	sst s2  }
0xb: {  	[smem:$0x3FAD] =	sst s3  }
0xc: {  	[smem:$0x3FAE] =	sst s4  }
0xd: {  	[smem:$0x3FAF] =	sst s5  }
0xe: {  	[smem:$0x3FB0] =	sst s6  }
0xf: {  	[smem:$0x3FB1] =	sst s7  }
0x10: {  	[smem:$0x3FB2] =	sst s8  }
0x11: {  	[smem:$0x3FB3] =	sst s9;
	s0 =	simm.s32 @!p0 $0x0  }
0x12: {  	s1 =	sld [smem:$0x3F99];
	s0 =	simm.s32 @p0 $0x1  }
0x13: {  	[smem:$0x3FB4] =	sst s0;
	s0 =	simm.s32 @!p1 $0x0  }
0x14: {  	s2 =	sld [smem:$0x3F98];
	s0 =	simm.s32 @p1 $0x1  }
0x15: {  	[smem:$0x3FB5] =	sst s0;
	s0 =	simm.s32 @!p2 $0x0  }
0x16: {  	s3 =	sld [smem:$0x3FDB];
	s0 =	simm.s32 @p2 $0x1  }
0x17: {  	s4 =	simm.s32 $0x1BF5;
	[smem:$0x3FB7] =	sst s0  }
0x18: {  	s0 =	sld [smem:$0x3F9A];
	_ =	swait.ge [sflag:s4], $0x0  }
0x19: {  	s7 =	sld [smem:$0x3F9B]  }
0x1a: {  	s8 =	sadd.s32 $0xFFFFE003, lr  }
0x1b: {  	s9 =	sadd.s32 $0xFFFFFEF7, lr;
	s5 =	simm.s32 $0xFFFFFFFF;
	p2 =	slt.u32 s8, $0xFFFFF086  }
0x1c: {  	p1 =	slt.u32 s9, $0xF7A;
	s5 =	simm.s32 @!p2 $0x0  }
0x1d: {  	s5 =	simm.s32 @p1 $0x1;
	p0 =	seq.s32 s7, s2  }
0x1e: {  	s7 =	smul.u32 @!p0 $0xF7A, s2;
	p2 =	seq.s32 @!p0 s5, $0x0  }
0x1f: {  	s9 =	smul.u32 $0xF7A, s1;
	s8 =	simm.s32 @!p0 $0x1BF5;
	p2 =	por !p2, p0  }
0x20: {  	[sflag:s8] =	ssyncset.s32 @!p0 $0xFFFFF086;
	s6 =	sadd.s32 @!p0 s3, s7;
	s7 =	simm.s32 @!p0 $0x108  }
0x21: {  	s3 =	sadd.s32 s3, s9;
	s6 =	sadd.s32 @!p0 $0x88, s6;
	s7 =	simm.s32 @p2 $0x1082  }
0x22: {  	[simem:s7], [sflag:s8] =	dma.local @!p0 [hbm:s6], $0xF7A  }
0x23: {  	s9 =	sor.u32 $0xD0000000, s2;
	s6 =	simm.s32 $0x108;
	_ =	swait.ge @!p0 [sflag:s8], $0x0  }
0x24: {  	s3 =	sadd.s32 $0x88, s3;
	s6 =	simm.s32 @!p1 $0x1082;
	[sflag:s4] =	ssyncset.s32 $0xFFFFF086  }
0x25: {  	[simem:s6], [sflag:s4] =	dma.local [hbm:s3], $0xF7A  }
0x26: {  	[smem:$0x3F9B] =	sst s1;
	(tag) =	ssettag s2;
	_ =	strace s9  }
0x27: {  	s1 =	sld [smem:$0x3FAB]  }
0x28: {  	s2 =	sld [smem:$0x3FAC]  }
0x29: {  	s4 =	sld [smem:$0x3FAE]  }
0x2a: {  	p0 =	seq.s32 s5, $0x0;
	s5 =	sld [smem:$0x3FAF]  }
0x2b: {  	s6 =	sld [smem:$0x3FB0]  }
0x2c: {  	s7 =	sld [smem:$0x3FB1]  }
0x2d: {  	s3 =	simm.s32 $0x108;
	s8 =	sld [smem:$0x3FB2]  }
0x2e: {  	s3 =	simm.s32 @!p0 $0x1082;
	s9 =	sld [smem:$0x3FB3]  }
0x2f: {  	lr =	sadd.s32 s0, s3;
	s0 =	sld [smem:$0x3FAA]  }
0x30: {  	s3 =	sld [smem:$0x3FAD]  }
0x31: {  	[smem:$0x3FB6] =	sst s10  }
0x32: {  	s10 =	sld [smem:$0x3FB4];
	_ =	sdelay $0x3  }
0x33: {  	p0 =	seq.s32 s10, $0x1;
	s10 =	sld [smem:$0x3FB6];
	_ =	sdelay $0x3  }
0x34: {  	[smem:$0x3FB6] =	sst s10  }
0x35: {  	s10 =	sld [smem:$0x3FB5];
	_ =	sdelay $0x3  }
0x36: {  	p1 =	seq.s32 s10, $0x1;
	s10 =	sld [smem:$0x3FB6];
	_ =	sdelay $0x3  }
0x37: {  	[smem:$0x3FB6] =	sst s10  }
0x38: {  	s10 =	sld [smem:$0x3FB7]  }
0x39: {  	_ = 	snop;
	(pc) =	sbr.ind lr, $3  }
0x3a: {  	_ = 	snop  }
0x3b: {  	_ = 	snop  }
0x3c: {  	p2 =	seq.s32 s10, $0x1;
	s10 =	sld [smem:$0x3FB6]  }
0x3d: {  	_ =	shalt  }
0x3e: {  	_ =	shalt  }
0x3f: {  	_ =	shalt  }
0x40: {  	_ =	shalt  }
0x41: {  	_ =	shalt  }
0x42: {  	_ =	shalt  }
0x43: {  	_ =	shalt  }
0x44: {  	_ =	shalt  }
0x45: {  	_ =	shalt  }
0x46: {  	_ =	shalt  }
0x47: {  	_ =	shalt  }
0x48: {  	_ =	shalt  }
0x49: {  	_ =	shalt  }
0x4a: {  	_ =	shalt  }
0x4b: {  	_ =	shalt  }
0x4c: {  	_ =	shalt  }
0x4d: {  	_ =	shalt  }
0x4e: {  	_ =	shalt  }
0x4f: {  	_ =	shalt  }
0x50: {  	_ =	shalt  }
0x51: {  	_ =	shalt  }
0x52: {  	_ =	shalt  }
0x53: {  	_ =	shalt  }
0x54: {  	_ =	shalt  }
0x55: {  	_ =	shalt  }
0x56: {  	_ =	shalt  }
0x57: {  	_ =	shalt  }
0x58: {  	_ =	shalt  }
0x59: {  	_ =	shalt  }
0x5a: {  	_ =	shalt  }
0x5b: {  	_ =	shalt  }
0x5c: {  	_ =	shalt  }
0x5d: {  	_ =	shalt  }
0x5e: {  	_ =	shalt  }
0x5f: {  	_ =	shalt  }
0x60: {  	_ =	shalt  }
0x61: {  	_ =	shalt  }
0x62: {  	_ =	shalt  }
0x63: {  	_ =	shalt  }
0x64: {  	_ =	shalt  }
0x65: {  	_ =	shalt  }
0x66: {  	_ =	shalt  }
0x67: {  	_ =	shalt  }
0x68: {  	_ =	shalt  }
0x69: {  	_ =	shalt  }
0x6a: {  	_ =	shalt  }
0x6b: {  	_ =	shalt  }
0x6c: {  	_ =	shalt  }
0x6d: {  	_ =	shalt  }
0x6e: {  	_ =	shalt  }
0x6f: {  	_ =	shalt  }
0x70: {  	_ =	shalt  }
0x71: {  	_ =	shalt  }
0x72: {  	_ =	shalt  }
0x73: {  	_ =	shalt  }
0x74: {  	_ =	shalt  }
0x75: {  	_ =	shalt  }
0x76: {  	_ =	shalt  }
0x77: {  	_ =	shalt  }
0x78: {  	_ =	shalt  }
0x79: {  	_ =	shalt  }
0x7a: {  	_ =	shalt  }
0x7b: {  	_ =	shalt  }
0x7c: {  	_ =	shalt  }
0x7d: {  	_ =	shalt  }
0x7e: {  	_ =	shalt  }
0x7f: {  	_ =	shalt  }
0x80: {  	_ =	shalt  }
0x81: {  	_ =	shalt  }
0x82: {  	_ =	shalt  }
0x83: {  	_ =	shalt  }
0x84: {  	_ =	shalt  }
0x85: {  	_ =	shalt  }
0x86: {  	_ =	shalt  }
0x87: {  	_ =	shalt  }
.Lfunc_end0:
.L_simem_size_0:
called_computation_lowered:
.L_overlay_start_0:
0x88: {  	s2 =	sld [smem:$0x3FD9]  }
0x89: {  	s3 =	sld [smem:$0x3FFE];
	_ =	sdelay $0x1  }
0x8a: {  	s1 =	srdreg.scid  }
0x8b: {  	s0 =	sand.u32 $0x1, s1  }
0x8c: {  	s17 =	sshll.u32 s0, $0xA;
	s2 =	sadd.s32 s3, s2  }
0x8d: {  	s2 =	sadd.s32 s2, s17  }
0x8e: {  	[smem:$0x3FC2] =	sst s2  }
0x8f: {  	_ = 	snop  }
0x90: {  	s2 =	sld [smem:$0x3FC9];
	(tm) =	ssettm $0x1  }
0x91: {  	s18 =	sld [smem:$0x3FFB];
	_ =	sdelay $0x3  }
0x92: {  	_ =	strace s18  }
0x93: {  	s3 =	sld [smem:$0x3FFC];
	_ =	sdelay $0x3  }
0x94: {  	_ =	strace s3  }
0x95: {  	s3 =	sld [smem:$0x3FFD];
	_ =	sdelay $0x3  }
0x96: {  	_ =	strace s3  }
0x97: {  	_ =	strace $0x8FFFFFFF  }
0x98: {  	s19 =	sld [smem:$0x3FDB];
	_ =	sdelay $0x1  }
0x99: {  	s4 =	simm.s32 $_scs_section_size  }
0x9a: {  	s5 =	simm.s32 $_size__tile_overlayer_lowered;
	s6 =	simm.s32 $_tile_overlayer_lowered  }
0x9b: {  	s22 =	simm.s32 $0x1BFF;
	s21 =	sshll.u32 s6, $0x1;
	s3 =	sadd.s32 s4, s19  }
0x9c: {  	s7 =	simm.s32 $0x0;
	s20 =	sshll.u32 s5, $0x1;
	s5 =	sadd.s32 s21, s3  }
0x9d: {  	[timem:s7], [sflag:s22] =	dma.local [hbm:s5], s20  }
0x9e: {  	_ =	swait.ge [sflag:s22], s20  }
0x9f: {  	s4 =	ssub.s32 $0x0, s20;
	[sflag:s22] =	ssyncset.done $0x0  }
0xa0: {  	[sflag:s22] =	ssyncadd.s32 s4;
	_ =	sdelay $0x1  }
0xa1: {  	s23 =	simm.s32 $0x1B8B  }
0xa2: {  	_ =	swait.ge [sflag:s23], $0x1  }
0xa3: {  	[sflag:s23] =	ssyncset.done $0x0  }
0xa4: {  	s25 =	simm.s32 $0x1B8E;
	s24 =	sld [smem:$0x3FFE];
	[sflag:s23] =	ssyncadd.s32 $0xFFFFFFFF  }
0xa5: {  	s26 =	simm.s32 $execute0_lowered;
	[smem:$0x3FD2] =	sst s25  }
0xa6: {  	s5 =	sshll.u32 s26, $0x1;
	_ =	strace $0x80000046;
	[dreg:$0x1] =	wrdreg $0xFFFFFFFF  }
0xa7: {  	s28 =	simm.s32 $_size_execute0_lowered;
	s3 =	sadd.s32 s3, s5;
	[dreg:$0x0] =	wrdreg $0x0  }
0xa8: {  	s5 =	sshll.u32 s28, $0x1;
	[dreg:$0x2] =	wrdreg s3  }
0xa9: {  	[dreg:$0x3] =	wrdreg s5  }
0xaa: {  	[dreg:$0x4] =	wrdreg $0xC0  }
0xab: {  	_ =	task [dreg:s7], $0x5FFFF  }
0xac: {  	[dreg:$0x1] =	wrdreg $0xFFFFFFFF  }
0xad: {  	[dreg:$0x0] =	wrdreg $0x60  }
0xae: {  	[dreg:$0x2] =	wrdreg s2  }
0xaf: {  	[dreg:$0x3] =	wrdreg s24  }
0xb0: {  	[dreg:$0x4] =	wrdreg $0x9  }
0xb1: {  	_ =	task.clear_ibuf [dreg:s7], $0x5FFFF;
	_ =	strace $0x90000046  }
0xb2: {  	s29 =	simm.s32 $0x9;
	_ =	strace $0x80000048  }
0xb3: {  	_ =	swait.ge [sflag:s29], $0x1  }
0xb4: {  	[sflag:s29] =	ssyncadd.s32 $0xFFFFFFFF  }
0xb5: {  	_ =	strace $0x90000048  }
0xb6: {  	_ =	sfence  }
0xb7: {  	s30 =	sld [smem:$0x0];
	_ =	sdelay $0x2  }
0xb8: {  	s31 =	sshll.u32 s1, $0xD;
	s1 =	sshrl.u32 s1, $0x2  }
0xb9: {  	s3 =	sand.u32 $0x4000, s31;
	s1 =	sadd.s32 s1, s30  }
0xba: {  	s0 =	sor.u32 s3, s0;
	s1 =	sshll.u32 s1, $0x11  }
0xbb: {  	s0 =	sor.u32 s1, s0  }
0xbc: {  	s0 =	sadd.s32 $0x8F2B, s0  }
0xbd: {  	[sflag:s0] =	ssyncadd.remote.s32 $0x1  }
0xbe: {  	_ =	sfence.sel $0xFFFF  }
0xbf: {  	[dreg:$0x0] =	wrdreg $0xFFFFFFFF;
	(pc) =	sbr.abs _section_cstart, $3  }
0xc0: {  	[dreg:$0x1] =	wrdreg $0xFFFFFFFF  }
0xc1: {  	_ =	task.clear_ibuf [dreg:s7], $0x2FFFF;
	_ =	strace $0x9FFFFFFF  }
0xc2: {  	(tm) =	ssettm $0x7FFFFFFF  }
0xc3: {  	_ =	shalt  }
tec
execute0_lowered:
.L_overlay_start_1:
0x0: {  	(tag) =	ssettag $0x1  }
0x1: {  	s1 =	rddreg [dreg:$0x0]  }
0x2: {  	s0 =	rddreg [dreg:$0x1];
	s2 =	simm.s32 $0x0;
	s3 =	srdreg.scid  }
0x3: {  	s5 =	stileid.u32;
	s16 =	simm.s32 $0x80;
	s17 =	simm.s32 $0x1  }
0x4: {  	s18 =	simm.s32 $0x200;
	s20 =	simm.s32 $0x100;
	s21 =	simm.s32 $0x180  }
0x5: {  	s22 =	simm.s32 $0x3;
	s23 =	simm.s32 $0x2;
	s28 =	simm.s32 $0x5  }
0x6: {  	s29 =	simm.s32 $0x6;
	s30 =	simm.s32 $0x0;
	[smem:$0x7FF] =	sst s2  }
0x7: {  	s4 =	sadd.s32 $0x600, s0;
	s3 =	sand.u32 $0x1, s3;
	s6 =	sshll.u32 s5, $0xE  }
0x8: {  	s5 =	sadd.s32 $0x8600, s0;
	s8 =	ssub.s32 $0x2, s3;
	s3 =	sshll.u32 s3, $0xD  }
0x9: {  	s7 =	sadd.s32 $0x10600, s0;
	s9 =	sshrl.u32 s8, $0x1;
	s6 =	sor.u32 s3, s6  }
0xa: {  	_ =	strace $0x80000047;
	s24 =	ssub.s32 s8, s9;
	s3 =	sshrl.u32 s6, $0x3  }
0xb: {  	s31 =	sshll.u32 s6, $0x4;
	s12 =	sor.u32 $0x100, s6;
	s14 =	sor.u32 $0x180, s6  }
0xc: {  	s25 =	sadd.s32 s4, s3;
	s26 =	sadd.s32 s5, s3;
	s3 =	sor.u32 $0x10, s3  }
0xd: {  	s13 =	sadd.s32 s7, s31;
	s15 =	smax.u32 s24, $0x1;
	[dreg:$0x3] =	wrdreg s25  }
0xe: {  	s24 =	simm.s32 $0x8200;
	[dreg:$0x4] =	wrdreg s26;
	s10 =	sadd.s32 s4, s3  }
0xf: {  	s11 =	sadd.s32 s5, s3;
	s25 =	simm.s32 $0xC200;
	s26 =	simm.s32 $0x4  }
.LBB2_1:
0x10: {  	s0 =	rddreg [dreg:$0x3]  }
0x11: {  	[tilespmem:s2], [sflag:$0x1] =	stream.linear.gather [hbm4b:s0+s2], $0x80, $0x38;
	[tilespmem:$0x10200] =	vst v63  }
0x12: {  	s9 =	rddreg [dreg:$0x4]  }
0x13: {  	[tilespmem:s16], [sflag:$0x1] =	stream.linear.gather [hbm4b:s9+s2], $0x80, $0x38;
	[tilespmem:$0x10200] =	vst v63  }
0x14: {  	_ =	swait.ge [sflag:s17], $0x80  }
0x15: {  	[sflag:s17] =	ssyncset.done $0x0  }
0x16: {  	[sflag:s17] =	ssyncadd.s32 $0xFFFFFF80  }
0x17: {  	_ =	swait.ge [sflag:s17], $0x80  }
0x18: {  	[sflag:s17] =	ssyncset.done $0x0  }
0x19: {  	[sflag:s17] =	ssyncadd.s32 $0xFFFFFF80  }
0x1a: {  	[tilespmem:s18], [sflag:$0x3] =	stream.indirect.gather [hbm4b:s1+s16], $0x80, s2, s16, $0xb8;
	[tilespmem:$0x10200] =	vst v63  }
0x1b: {  	s19 =	simm.s32 $0x4200  }
0x1c: {  	[tilespmem:s19], [sflag:$0x3] =	stream.indirect.gather [hbm4b:s1+s16], $0x80, s16, s16, $0xb8;
	[tilespmem:$0x10200] =	vst v63  }
0x1d: {  	_ = 	snop  }
0x1e: {  	[tilespmem:s20], [sflag:$0x2] =	stream.linear.gather [hbm4b:s10+s2], $0x80, $0x38;
	[tilespmem:$0x10200] =	vst v63  }
0x1f: {  	s31 =	simm.s32 $0x0  }
0x20: {  	[tilespmem:s21], [sflag:$0x2] =	stream.linear.gather [hbm4b:s11+s2], $0x80, $0x38;
	[tilespmem:$0x10200] =	vst v63  }
.LBB2_2:
0x21: {  	_ =	swait.ge [sflag:s22], $0x4000  }
0x22: {  	[sflag:s22] =	ssyncset.done $0x0  }
0x23: {  	s3 =	sshll.u32 s31, $0x8;
	p0 =	seq.s32 s31, $0x1F;
	[sflag:s22] =	ssyncadd.s32 $0xFFFFC000  }
0x24: {  	s0 =	sadd.s32 @!p0 s3, s12;
	_ =	swait.ge [sflag:s22], $0x4000  }
0x25: {  	s0 =	sshrl.u32 @!p0 s0, $0x3;
	[sflag:s22] =	ssyncset.done $0x0  }
0x26: {  	s19 =	simm.s32 @!p0 $0x0;
	s8 =	sadd.s32 @!p0 s4, s0;
	[sflag:s22] =	ssyncadd.s32 $0xFFFFC000  }
0x27: {  	[tilespmem:s19], [sflag:$0x1] =	stream.linear.gather @!p0 [hbm4b:s8+s19], $0x80, $0x38;
	[tilespmem:$0x10200] =	vst v63  }
0x28: {  	s0 =	sadd.s32 @!p0 s5, s0;
	s8 =	simm.s32 @!p0 $0x80  }
0x29: {  	[tilespmem:s8], [sflag:$0x1] =	stream.linear.gather @!p0 [hbm4b:s0+s19], $0x80, $0x38;
	[tilespmem:$0x10200] =	vst v63  }
0x2a: {  	_ =	swait.ge [sflag:s23], $0x80  }
0x2b: {  	[sflag:s23] =	ssyncset.done $0x0  }
0x2c: {  	[sflag:s23] =	ssyncadd.s32 $0xFFFFFF80  }
0x2d: {  	_ =	swait.ge [sflag:s23], $0x80  }
0x2e: {  	p1 =	seq.s32 s31, $0x0;
	[sflag:s23] =	ssyncset.done $0x0  }
0x2f: {  	s0 =	simm.s32 @!p1 $0x6;
	[sflag:s23] =	ssyncadd.s32 $0xFFFFFF80  }
0x30: {  	_ =	swait.ge @!p1 [sflag:s0], $0x4000  }
0x31: {  	[sflag:s0] =	ssyncset.done @!p1 $0x0  }
0x32: {  	[sflag:s0] =	ssyncadd.s32 @!p1 $0xFFFFC000  }
0x33: {  	[tilespmem:s24], [sflag:$0x4] =	stream.indirect.gather [hbm4b:s1+s16], $0x80, s20, s16, $0xb8;
	[tilespmem:$0x10200] =	vst v63  }
0x34: {  	s19 =	simm.s32 $0x0  }
0x35: {  	[tilespmem:s25], [sflag:$0x4] =	stream.indirect.gather [hbm4b:s1+s16], $0x80, s21, s16, $0xb8;
	[tilespmem:$0x10200] =	vst v63  }
0x36: {  	v7 =	vld [tilespmem:s19+$0x4200]  }
0x37: {  	v11 =	vld [tilespmem:s19+$0x4210]  }
0x38: {  	v5 =	vld [tilespmem:s19+$0x4220]  }
0x39: {  	v4 =	vld [tilespmem:s19+$0x4230]  }
0x3a: {  	v3 =	vld [tilespmem:s19+$0x4240]  }
0x3b: {  	v2 =	vld [tilespmem:s19+$0x4250]  }
0x3c: {  	v1 =	vld [tilespmem:s19+$0x4260]  }
0x3d: {  	v0 =	vld [tilespmem:s19+$0x4270]  }
0x3e: {  	v12 =	vld [tilespmem:s19+$0x200]  }
0x3f: {  	v13 =	vld [tilespmem:s19+$0x210]  }
0x40: {  	v10 =	vld [tilespmem:s19+$0x220]  }
0x41: {  	v9 =	vld [tilespmem:s19+$0x230]  }
0x42: {  	v8 =	vld [tilespmem:s19+$0x240]  }
0x43: {  	v6 =	vld [tilespmem:s19+$0x250];
	v12 =	vadd.f32 v7, v12  }
0x44: {  	s8 =	simm.s32 $0x200;
	s0 =	sor.u32 $0x80, s3;
	v11 =	vadd.f32 v11, v13;
	v7 =	vld [tilespmem:s19+$0x260]  }
.LBB2_3:
0x45: {  	s9 =	sshra.s32 s8, $0x2;
	p1 =	sne.s32 s8, $0xFE00;
	[tilespmem:s19+$0x200] =	vst v12;
	v5 =	vadd.f32 v5, v10;
	v10 =	vld [tilespmem:s19+$0x270]  }
0x46: {  	v12 =	vld [tilespmem:s9+$0x4200];
	[tilespmem:s19+$0x210] =	vst v11;
	v4 =	vadd.f32 v4, v9  }
0x47: {  	v11 =	vld [tilespmem:s9+$0x4210];
	[tilespmem:s19+$0x220] =	vst v5;
	v3 =	vadd.f32 v3, v8  }
0x48: {  	v5 =	vld [tilespmem:s9+$0x4220];
	[tilespmem:s19+$0x230] =	vst v4;
	v2 =	vadd.f32 v2, v6  }
0x49: {  	v4 =	vld [tilespmem:s9+$0x4230];
	[tilespmem:s19+$0x240] =	vst v3;
	v1 =	vadd.f32 v1, v7  }
0x4a: {  	v3 =	vld [tilespmem:s9+$0x4240];
	[tilespmem:s19+$0x250] =	vst v2;
	v0 =	vadd.f32 v0, v10  }
0x4b: {  	v2 =	vld [tilespmem:s9+$0x4250];
	[tilespmem:s19+$0x260] =	vst v1  }
0x4c: {  	v1 =	vld [tilespmem:s9+$0x4260];
	[tilespmem:s19+$0x270] =	vst v0;
	s19 =	smov.u32 s9  }
0x4d: {  	v0 =	vld [tilespmem:s19+$0x4270]  }
0x4e: {  	v6 =	vld [tilespmem:s19+$0x200]  }
0x4f: {  	v7 =	vld [tilespmem:s19+$0x210]  }
.Ltmp0:
0x50: {  	v10 =	vld [tilespmem:s19+$0x220];
	(pc) =	sbr.rel @p1 .LBB2_3-.Ltmp0, $4  }
0x51: {  	v9 =	vld [tilespmem:s19+$0x230]  }
0x52: {  	v8 =	vld [tilespmem:s19+$0x240]  }
0x53: {  	v12 =	vadd.f32 v12, v6;
	v6 =	vld [tilespmem:s19+$0x250]  }
0x54: {  	s8 =	sadd.s32 $0x200, s8;
	v11 =	vadd.f32 v11, v7;
	v7 =	vld [tilespmem:s19+$0x260]  }
0x55: {  	[tilespmem:s19+$0x200] =	vst v12;
	v5 =	vadd.f32 v5, v10;
	v10 =	vld [tilespmem:s19+$0x270]  }
0x56: {  	[tilespmem:s19+$0x210] =	vst v11;
	v4 =	vadd.f32 v4, v9  }
0x57: {  	[tilespmem:s19+$0x220] =	vst v5;
	v3 =	vadd.f32 v3, v8  }
0x58: {  	[tilespmem:s19+$0x230] =	vst v4;
	v2 =	vadd.f32 v2, v6  }
0x59: {  	[tilespmem:s19+$0x240] =	vst v3;
	v1 =	vadd.f32 v1, v7  }
0x5a: {  	[tilespmem:s19+$0x250] =	vst v2;
	v0 =	vadd.f32 v0, v10  }
0x5b: {  	s8 =	sshll.u32 s31, $0xC;
	[tilespmem:s19+$0x260] =	vst v1  }
0x5c: {  	s8 =	sadd.s32 s8, s13;
	[tilespmem:s19+$0x270] =	vst v0  }
0x5d: {  	[hbm4b:s8+s2] =	stream.linear.scatter [tilespmem:s18], [sflag:$0x5], $0x4000, $0x38;
	[tilespmem:$0x10200] =	vst v63  }
0x5e: {  	_ =	swait.ge [sflag:s26], $0x4000  }
0x5f: {  	[sflag:s26] =	ssyncset.done $0x0  }
0x60: {  	[sflag:s26] =	ssyncadd.s32 $0xFFFFC000  }
0x61: {  	s3 =	sadd.s32 @!p0 s3, s14;
	_ =	swait.ge [sflag:s26], $0x4000  }
0x62: {  	s9 =	simm.s32 @!p0 $0x0;
	s3 =	sshrl.u32 @!p0 s3, $0x3;
	[sflag:s26] =	ssyncset.done $0x0  }
0x63: {  	s19 =	simm.s32 @!p0 $0x100;
	s8 =	sadd.s32 @!p0 s4, s3;
	[sflag:s26] =	ssyncadd.s32 $0xFFFFC000  }
0x64: {  	[tilespmem:s19], [sflag:$0x2] =	stream.linear.gather @!p0 [hbm4b:s8+s9], $0x80, $0x38;
	[tilespmem:$0x10200] =	vst v63  }
0x65: {  	s3 =	sadd.s32 @!p0 s5, s3;
	s8 =	simm.s32 @!p0 $0x180  }
0x66: {  	[tilespmem:s8], [sflag:$0x2] =	stream.linear.gather @!p0 [hbm4b:s3+s9], $0x80, $0x38;
	[tilespmem:$0x10200] =	vst v63  }
0x67: {  	s3 =	simm.s32 @!p0 $0x1  }
0x68: {  	_ =	swait.ge @!p0 [sflag:s3], $0x80  }
0x69: {  	[sflag:s3] =	ssyncset.done @!p0 $0x0  }
0x6a: {  	[sflag:s3] =	ssyncadd.s32 @!p0 $0xFFFFFF80  }
0x6b: {  	_ =	swait.ge @!p0 [sflag:s3], $0x80  }
0x6c: {  	[sflag:s3] =	ssyncset.done @!p0 $0x0  }
0x6d: {  	[sflag:s3] =	ssyncadd.s32 @!p0 $0xFFFFFF80;
	s3 =	simm.s32 @!p0 $0x5  }
0x6e: {  	_ =	swait.ge @!p0 [sflag:s3], $0x4000  }
0x6f: {  	[sflag:s3] =	ssyncset.done @!p0 $0x0  }
0x70: {  	s8 =	simm.s32 @!p0 $0x200;
	[sflag:s3] =	ssyncadd.s32 @!p0 $0xFFFFC000;
	s3 =	simm.s32 @!p0 $0x80  }
0x71: {  	[tilespmem:s8], [sflag:$0x3] =	stream.indirect.gather @!p0 [hbm4b:s1+s3], $0x80, s9, s3, $0xb8;
	[tilespmem:$0x10200] =	vst v63  }
0x72: {  	s8 =	simm.s32 @!p0 $0x4200  }
0x73: {  	[tilespmem:s8], [sflag:$0x3] =	stream.indirect.gather @!p0 [hbm4b:s1+s3], $0x80, s3, s3, $0xb8;
	[tilespmem:$0x10200] =	vst v63  }
0x74: {  	s3 =	simm.s32 $0x0  }
0x75: {  	v7 =	vld [tilespmem:s3+$0xC200]  }
0x76: {  	v11 =	vld [tilespmem:s3+$0xC210]  }
0x77: {  	v5 =	vld [tilespmem:s3+$0xC220]  }
0x78: {  	v4 =	vld [tilespmem:s3+$0xC230]  }
0x79: {  	v3 =	vld [tilespmem:s3+$0xC240]  }
0x7a: {  	v2 =	vld [tilespmem:s3+$0xC250]  }
0x7b: {  	v1 =	vld [tilespmem:s3+$0xC260]  }
0x7c: {  	v0 =	vld [tilespmem:s3+$0xC270]  }
0x7d: {  	v12 =	vld [tilespmem:s3+$0x8200]  }
0x7e: {  	v13 =	vld [tilespmem:s3+$0x8210]  }
0x7f: {  	v10 =	vld [tilespmem:s3+$0x8220]  }
0x80: {  	v9 =	vld [tilespmem:s3+$0x8230]  }
0x81: {  	v8 =	vld [tilespmem:s3+$0x8240]  }
0x82: {  	v6 =	vld [tilespmem:s3+$0x8250];
	v12 =	vadd.f32 v7, v12  }
0x83: {  	s8 =	simm.s32 $0x200;
	v11 =	vadd.f32 v11, v13;
	v7 =	vld [tilespmem:s3+$0x8260]  }
.LBB2_5:
0x84: {  	s9 =	sshra.s32 s8, $0x2;
	p0 =	sne.s32 s8, $0xFE00;
	[tilespmem:s3+$0x8200] =	vst v12;
	v5 =	vadd.f32 v5, v10;
	v10 =	vld [tilespmem:s3+$0x8270]  }
0x85: {  	v12 =	vld [tilespmem:s9+$0xC200];
	[tilespmem:s3+$0x8210] =	vst v11;
	v4 =	vadd.f32 v4, v9  }
0x86: {  	v11 =	vld [tilespmem:s9+$0xC210];
	[tilespmem:s3+$0x8220] =	vst v5;
	v3 =	vadd.f32 v3, v8  }
0x87: {  	v5 =	vld [tilespmem:s9+$0xC220];
	[tilespmem:s3+$0x8230] =	vst v4;
	v2 =	vadd.f32 v2, v6  }
0x88: {  	v4 =	vld [tilespmem:s9+$0xC230];
	[tilespmem:s3+$0x8240] =	vst v3;
	v1 =	vadd.f32 v1, v7  }
0x89: {  	v3 =	vld [tilespmem:s9+$0xC240];
	[tilespmem:s3+$0x8250] =	vst v2;
	v0 =	vadd.f32 v0, v10  }
0x8a: {  	v2 =	vld [tilespmem:s9+$0xC250];
	[tilespmem:s3+$0x8260] =	vst v1  }
0x8b: {  	v1 =	vld [tilespmem:s9+$0xC260];
	[tilespmem:s3+$0x8270] =	vst v0;
	s3 =	smov.u32 s9  }
0x8c: {  	v0 =	vld [tilespmem:s3+$0xC270]  }
0x8d: {  	v6 =	vld [tilespmem:s3+$0x8200]  }
0x8e: {  	v7 =	vld [tilespmem:s3+$0x8210]  }
.Ltmp1:
0x8f: {  	v10 =	vld [tilespmem:s3+$0x8220];
	(pc) =	sbr.rel @p0 .LBB2_5-.Ltmp1, $4  }
0x90: {  	v9 =	vld [tilespmem:s3+$0x8230]  }
0x91: {  	v8 =	vld [tilespmem:s3+$0x8240]  }
0x92: {  	v12 =	vadd.f32 v12, v6;
	v6 =	vld [tilespmem:s3+$0x8250]  }
0x93: {  	s8 =	sadd.s32 $0x200, s8;
	v11 =	vadd.f32 v11, v7;
	v7 =	vld [tilespmem:s3+$0x8260]  }
0x94: {  	[tilespmem:s3+$0x8200] =	vst v12;
	v5 =	vadd.f32 v5, v10;
	v63 =	vld [tilespmem:s3+$0x8270]  }
0x95: {  	[tilespmem:s3+$0x8210] =	vst v11;
	v4 =	vadd.f32 v4, v9  }
0x96: {  	s31 =	sadd.s32 $0x1, s31;
	[tilespmem:s3+$0x8220] =	vst v5;
	v3 =	vadd.f32 v3, v8  }
0x97: {  	p0 =	sne.s32 s31, $0x20;
	[tilespmem:s3+$0x8230] =	vst v4;
	v2 =	vadd.f32 v2, v6  }
.Ltmp2:
0x98: {  	[tilespmem:s3+$0x8240] =	vst v3;
	v1 =	vadd.f32 v1, v7;
	(pc) =	sbr.rel @p0 .LBB2_2-.Ltmp2, $4  }
0x99: {  	s0 =	sadd.s32 s6, s0;
	[tilespmem:s3+$0x8250] =	vst v2;
	v0 =	vadd.f32 v0, v63  }
0x9a: {  	s0 =	sshll.u32 s0, $0x4;
	[tilespmem:s3+$0x8260] =	vst v1  }
0x9b: {  	s0 =	sadd.s32 s7, s0;
	[tilespmem:s3+$0x8270] =	vst v0  }
0x9c: {  	[hbm4b:s0+s2] =	stream.linear.scatter [tilespmem:s24], [sflag:$0x6], $0x4000, $0x38;
	[tilespmem:$0x10200] =	vst v63  }
0x9d: {  	s30 =	sadd.s32 $0x1, s30  }
0x9e: {  	_ =	swait.ge [sflag:s28], $0x4000;
	p0 =	sne.s32 s30, s15  }
.Ltmp3:
0x9f: {  	[sflag:s28] =	ssyncset.done $0x0;
	(pc) =	sbr.rel @p0 .LBB2_1-.Ltmp3, $4  }
0xa0: {  	[sflag:s28] =	ssyncadd.s32 $0xFFFFC000  }
0xa1: {  	_ =	swait.ge [sflag:s29], $0x4000  }
0xa2: {  	[sflag:s29] =	ssyncset.done $0x0  }
0xa3: {  	[sflag:s29] =	ssyncadd.s32 $0xFFFFC000  }
0xa4: {  	_ =	sfence.sel $0x180000  }
0xa5: {  	[bflag:$0x0] =	sbarrier.arrive $0xFFFF  }
0xa6: {  	_ =	strace $0x90000047  }
0xa7: {  	s0 =	stileid.u32;
	[bflag:$0x2] =	sbarrier.arrive $0xFFFF  }
0xa8: {  	p0 =	sne.s32 s0, $0x0;
	s0 =	rddreg [dreg:$0x2]  }
0xa9: {  	s0 =	sadd.s32 @!p0 $0x100000, s0  }
0xaa: {  	[sflag:s0] =	ssyncadd.tile.s32 @!p0 $0x1;
	_ =	shalt  }
.Lfunc_end2:
_tile_overlayer_lowered:
.L_overlay_start_2:
0xab: {  	(tag) =	ssettag $0x2  }
0xac: {  	s0 =	rddreg [dreg:$0x0];
	s2 =	stileid.u32  }
0xad: {  	s1 =	rddreg [dreg:$0x1];
	p0 =	sne.s32 s2, $0x0  }
0xae: {  	s3 =	rddreg [dreg:$0x2];
	[bflag:$0x3] =	sbarrier.arrive $0xFFFF;
	s2 =	simm.s32 @!p0 $0x1C07  }
0xaf: {  	[timem:s3], [sflag:s2] =	dma.local @!p0 [hbm:s0], s1  }
0xb0: {  	s0 =	simm.s32 @!p0 $0x7  }
0xb1: {  	_ =	swait.ge @!p0 [sflag:s0], s1  }
0xb2: {  	s1 =	ssub.s32 @!p0 $0x0, s1;
	[sflag:s0] =	ssyncset.done @!p0 $0x0  }
0xb3: {  	[sflag:s0] =	ssyncadd.s32 @!p0 s1  }
0xb4: {  	[bflag:$0x3] =	sbarrier.arrive $0xFFFF  }
0xb5: {  	_ =	shalt  }

// kernel: kernel.8.cloned.1.call-start
scs
__scs_entry_jumppad:
0x0: {  	(pc) =	sbr.rel $0x88, $3  }
0x1: {  	(tag) =	ssettag $0x0;
	lr =	simm.s32 $0x1  }
0x2: {  	[smem:$0x3F9B] =	sst lr;
	_ =	strace $0xD0000000  }
0x3: {  	_ = 	snop  }
0x4: {  	_ = 	snop  }
0x5: {  	_ = 	snop  }
0x6: {  	_ = 	snop  }
0x7: {  	_ = 	snop  }
__scs_overlays_trampoline_lowered:
0x8: {  	[smem:$0x3FAA] =	sst s0  }
0x9: {  	[smem:$0x3FAB] =	sst s1  }
0xa: {  	[smem:$0x3FAC] =	sst s2  }
0xb: {  	[smem:$0x3FAD] =	sst s3  }
0xc: {  	[smem:$0x3FAE] =	sst s4  }
0xd: {  	[smem:$0x3FAF] =	sst s5  }
0xe: {  	[smem:$0x3FB0] =	sst s6  }
0xf: {  	[smem:$0x3FB1] =	sst s7  }
0x10: {  	[smem:$0x3FB2] =	sst s8  }
0x11: {  	[smem:$0x3FB3] =	sst s9;
	s0 =	simm.s32 @!p0 $0x0  }
0x12: {  	s1 =	sld [smem:$0x3F99];
	s0 =	simm.s32 @p0 $0x1  }
0x13: {  	[smem:$0x3FB4] =	sst s0;
	s0 =	simm.s32 @!p1 $0x0  }
0x14: {  	s2 =	sld [smem:$0x3F98];
	s0 =	simm.s32 @p1 $0x1  }
0x15: {  	[smem:$0x3FB5] =	sst s0;
	s0 =	simm.s32 @!p2 $0x0  }
0x16: {  	s3 =	sld [smem:$0x3FDB];
	s0 =	simm.s32 @p2 $0x1  }
0x17: {  	s4 =	simm.s32 $0x1BF5;
	[smem:$0x3FB7] =	sst s0  }
0x18: {  	s0 =	sld [smem:$0x3F9A];
	_ =	swait.ge [sflag:s4], $0x0  }
0x19: {  	s7 =	sld [smem:$0x3F9B]  }
0x1a: {  	s8 =	sadd.s32 $0xFFFFE003, lr  }
0x1b: {  	s9 =	sadd.s32 $0xFFFFFEF7, lr;
	s5 =	simm.s32 $0xFFFFFFFF;
	p2 =	slt.u32 s8, $0xFFFFF086  }
0x1c: {  	p1 =	slt.u32 s9, $0xF7A;
	s5 =	simm.s32 @!p2 $0x0  }
0x1d: {  	s5 =	simm.s32 @p1 $0x1;
	p0 =	seq.s32 s7, s2  }
0x1e: {  	s7 =	smul.u32 @!p0 $0xF7A, s2;
	p2 =	seq.s32 @!p0 s5, $0x0  }
0x1f: {  	s9 =	smul.u32 $0xF7A, s1;
	s8 =	simm.s32 @!p0 $0x1BF5;
	p2 =	por !p2, p0  }
0x20: {  	[sflag:s8] =	ssyncset.s32 @!p0 $0xFFFFF086;
	s6 =	sadd.s32 @!p0 s3, s7;
	s7 =	simm.s32 @!p0 $0x108  }
0x21: {  	s3 =	sadd.s32 s3, s9;
	s6 =	sadd.s32 @!p0 $0x88, s6;
	s7 =	simm.s32 @p2 $0x1082  }
0x22: {  	[simem:s7], [sflag:s8] =	dma.local @!p0 [hbm:s6], $0xF7A  }
0x23: {  	s9 =	sor.u32 $0xD0000000, s2;
	s6 =	simm.s32 $0x108;
	_ =	swait.ge @!p0 [sflag:s8], $0x0  }
0x24: {  	s3 =	sadd.s32 $0x88, s3;
	s6 =	simm.s32 @!p1 $0x1082;
	[sflag:s4] =	ssyncset.s32 $0xFFFFF086  }
0x25: {  	[simem:s6], [sflag:s4] =	dma.local [hbm:s3], $0xF7A  }
0x26: {  	[smem:$0x3F9B] =	sst s1;
	(tag) =	ssettag s2;
	_ =	strace s9  }
0x27: {  	s1 =	sld [smem:$0x3FAB]  }
0x28: {  	s2 =	sld [smem:$0x3FAC]  }
0x29: {  	s4 =	sld [smem:$0x3FAE]  }
0x2a: {  	p0 =	seq.s32 s5, $0x0;
	s5 =	sld [smem:$0x3FAF]  }
0x2b: {  	s6 =	sld [smem:$0x3FB0]  }
0x2c: {  	s7 =	sld [smem:$0x3FB1]  }
0x2d: {  	s3 =	simm.s32 $0x108;
	s8 =	sld [smem:$0x3FB2]  }
0x2e: {  	s3 =	simm.s32 @!p0 $0x1082;
	s9 =	sld [smem:$0x3FB3]  }
0x2f: {  	lr =	sadd.s32 s0, s3;
	s0 =	sld [smem:$0x3FAA]  }
0x30: {  	s3 =	sld [smem:$0x3FAD]  }
0x31: {  	[smem:$0x3FB6] =	sst s10  }
0x32: {  	s10 =	sld [smem:$0x3FB4];
	_ =	sdelay $0x3  }
0x33: {  	p0 =	seq.s32 s10, $0x1;
	s10 =	sld [smem:$0x3FB6];
	_ =	sdelay $0x3  }
0x34: {  	[smem:$0x3FB6] =	sst s10  }
0x35: {  	s10 =	sld [smem:$0x3FB5];
	_ =	sdelay $0x3  }
0x36: {  	p1 =	seq.s32 s10, $0x1;
	s10 =	sld [smem:$0x3FB6];
	_ =	sdelay $0x3  }
0x37: {  	[smem:$0x3FB6] =	sst s10  }
0x38: {  	s10 =	sld [smem:$0x3FB7]  }
0x39: {  	_ = 	snop;
	(pc) =	sbr.ind lr, $3  }
0x3a: {  	_ = 	snop  }
0x3b: {  	_ = 	snop  }
0x3c: {  	p2 =	seq.s32 s10, $0x1;
	s10 =	sld [smem:$0x3FB6]  }
0x3d: {  	_ =	shalt  }
0x3e: {  	_ =	shalt  }
0x3f: {  	_ =	shalt  }
0x40: {  	_ =	shalt  }
0x41: {  	_ =	shalt  }
0x42: {  	_ =	shalt  }
0x43: {  	_ =	shalt  }
0x44: {  	_ =	shalt  }
0x45: {  	_ =	shalt  }
0x46: {  	_ =	shalt  }
0x47: {  	_ =	shalt  }
0x48: {  	_ =	shalt  }
0x49: {  	_ =	shalt  }
0x4a: {  	_ =	shalt  }
0x4b: {  	_ =	shalt  }
0x4c: {  	_ =	shalt  }
0x4d: {  	_ =	shalt  }
0x4e: {  	_ =	shalt  }
0x4f: {  	_ =	shalt  }
0x50: {  	_ =	shalt  }
0x51: {  	_ =	shalt  }
0x52: {  	_ =	shalt  }
0x53: {  	_ =	shalt  }
0x54: {  	_ =	shalt  }
0x55: {  	_ =	shalt  }
0x56: {  	_ =	shalt  }
0x57: {  	_ =	shalt  }
0x58: {  	_ =	shalt  }
0x59: {  	_ =	shalt  }
0x5a: {  	_ =	shalt  }
0x5b: {  	_ =	shalt  }
0x5c: {  	_ =	shalt  }
0x5d: {  	_ =	shalt  }
0x5e: {  	_ =	shalt  }
0x5f: {  	_ =	shalt  }
0x60: {  	_ =	shalt  }
0x61: {  	_ =	shalt  }
0x62: {  	_ =	shalt  }
0x63: {  	_ =	shalt  }
0x64: {  	_ =	shalt  }
0x65: {  	_ =	shalt  }
0x66: {  	_ =	shalt  }
0x67: {  	_ =	shalt  }
0x68: {  	_ =	shalt  }
0x69: {  	_ =	shalt  }
0x6a: {  	_ =	shalt  }
0x6b: {  	_ =	shalt  }
0x6c: {  	_ =	shalt  }
0x6d: {  	_ =	shalt  }
0x6e: {  	_ =	shalt  }
0x6f: {  	_ =	shalt  }
0x70: {  	_ =	shalt  }
0x71: {  	_ =	shalt  }
0x72: {  	_ =	shalt  }
0x73: {  	_ =	shalt  }
0x74: {  	_ =	shalt  }
0x75: {  	_ =	shalt  }
0x76: {  	_ =	shalt  }
0x77: {  	_ =	shalt  }
0x78: {  	_ =	shalt  }
0x79: {  	_ =	shalt  }
0x7a: {  	_ =	shalt  }
0x7b: {  	_ =	shalt  }
0x7c: {  	_ =	shalt  }
0x7d: {  	_ =	shalt  }
0x7e: {  	_ =	shalt  }
0x7f: {  	_ =	shalt  }
0x80: {  	_ =	shalt  }
0x81: {  	_ =	shalt  }
0x82: {  	_ =	shalt  }
0x83: {  	_ =	shalt  }
0x84: {  	_ =	shalt  }
0x85: {  	_ =	shalt  }
0x86: {  	_ =	shalt  }
0x87: {  	_ =	shalt  }
.Lfunc_end0:
.L_simem_size_0:
called_computation.1_lowered:
.L_overlay_start_0:
0x88: {  	s2 =	sld [smem:$0x3FD9]  }
0x89: {  	s3 =	sld [smem:$0x3FFE];
	_ =	sdelay $0x1  }
0x8a: {  	s1 =	srdreg.scid  }
0x8b: {  	s0 =	sand.u32 $0x1, s1  }
0x8c: {  	s17 =	sshll.u32 s0, $0xA;
	s2 =	sadd.s32 s3, s2  }
0x8d: {  	s2 =	sadd.s32 s2, s17  }
0x8e: {  	[smem:$0x3FC2] =	sst s2  }
0x8f: {  	_ = 	snop  }
0x90: {  	s2 =	sld [smem:$0x3FD0];
	(tm) =	ssettm $0x1  }
0x91: {  	s18 =	sld [smem:$0x3FFB];
	_ =	sdelay $0x3  }
0x92: {  	_ =	strace s18  }
0x93: {  	s3 =	sld [smem:$0x3FFC];
	_ =	sdelay $0x3  }
0x94: {  	_ =	strace s3  }
0x95: {  	s3 =	sld [smem:$0x3FFD];
	_ =	sdelay $0x3  }
0x96: {  	_ =	strace s3  }
0x97: {  	_ =	strace $0x8FFFFFFF  }
0x98: {  	s19 =	sld [smem:$0x3FDB];
	_ =	sdelay $0x1  }
0x99: {  	s4 =	simm.s32 $_scs_section_size  }
0x9a: {  	s5 =	simm.s32 $_size__tile_overlayer_lowered;
	s6 =	simm.s32 $_tile_overlayer_lowered  }
0x9b: {  	s22 =	simm.s32 $0x1BFF;
	s21 =	sshll.u32 s6, $0x1;
	s3 =	sadd.s32 s4, s19  }
0x9c: {  	s7 =	simm.s32 $0x0;
	s20 =	sshll.u32 s5, $0x1;
	s5 =	sadd.s32 s21, s3  }
0x9d: {  	[timem:s7], [sflag:s22] =	dma.local [hbm:s5], s20  }
0x9e: {  	_ =	swait.ge [sflag:s22], s20  }
0x9f: {  	s4 =	ssub.s32 $0x0, s20;
	[sflag:s22] =	ssyncset.done $0x0  }
0xa0: {  	[sflag:s22] =	ssyncadd.s32 s4;
	_ =	sdelay $0x1  }
0xa1: {  	s23 =	simm.s32 $0x1B8B  }
0xa2: {  	_ =	swait.ge [sflag:s23], $0x1  }
0xa3: {  	[sflag:s23] =	ssyncset.done $0x0  }
0xa4: {  	s25 =	simm.s32 $0x1B8E;
	s24 =	sld [smem:$0x3FFE];
	[sflag:s23] =	ssyncadd.s32 $0xFFFFFFFF  }
0xa5: {  	s26 =	simm.s32 $execute0_lowered;
	[smem:$0x3FD2] =	sst s25  }
0xa6: {  	s5 =	sshll.u32 s26, $0x1;
	_ =	strace $0x80000049;
	[dreg:$0x1] =	wrdreg $0xFFFFFFFF  }
0xa7: {  	s28 =	simm.s32 $_size_execute0_lowered;
	s3 =	sadd.s32 s3, s5;
	[dreg:$0x0] =	wrdreg $0x0  }
0xa8: {  	s5 =	sshll.u32 s28, $0x1;
	[dreg:$0x2] =	wrdreg s3  }
0xa9: {  	[dreg:$0x3] =	wrdreg s5  }
0xaa: {  	[dreg:$0x4] =	wrdreg $0xC0  }
0xab: {  	_ =	task [dreg:s7], $0x5FFFF  }
0xac: {  	[dreg:$0x1] =	wrdreg $0xFFFFFFFF  }
0xad: {  	[dreg:$0x0] =	wrdreg $0x60  }
0xae: {  	[dreg:$0x2] =	wrdreg s24  }
0xaf: {  	[dreg:$0x3] =	wrdreg s2  }
0xb0: {  	[dreg:$0x4] =	wrdreg $0x65000  }
0xb1: {  	[dreg:$0x5] =	wrdreg $0x9  }
0xb2: {  	_ =	task.clear_ibuf [dreg:s7], $0x6FFFF;
	_ =	strace $0x90000049  }
0xb3: {  	s29 =	simm.s32 $0x9;
	_ =	strace $0x8000004B  }
0xb4: {  	_ =	swait.ge [sflag:s29], $0x1  }
0xb5: {  	[sflag:s29] =	ssyncadd.s32 $0xFFFFFFFF  }
0xb6: {  	_ =	strace $0x9000004B  }
0xb7: {  	_ =	sfence  }
0xb8: {  	s30 =	sld [smem:$0x0];
	_ =	sdelay $0x2  }
0xb9: {  	s31 =	sshll.u32 s1, $0xD;
	s1 =	sshrl.u32 s1, $0x2  }
0xba: {  	s3 =	sand.u32 $0x4000, s31;
	s1 =	sadd.s32 s1, s30  }
0xbb: {  	s0 =	sor.u32 s3, s0;
	s1 =	sshll.u32 s1, $0x11  }
0xbc: {  	s0 =	sor.u32 s1, s0  }
0xbd: {  	s0 =	sadd.s32 $0x8F2B, s0  }
0xbe: {  	[sflag:s0] =	ssyncadd.remote.s32 $0x1  }
0xbf: {  	_ =	sfence.sel $0xFFFF  }
0xc0: {  	[dreg:$0x0] =	wrdreg $0xFFFFFFFF;
	(pc) =	sbr.abs _section_cstart, $3  }
0xc1: {  	[dreg:$0x1] =	wrdreg $0xFFFFFFFF  }
0xc2: {  	_ =	task.clear_ibuf [dreg:s7], $0x2FFFF;
	_ =	strace $0x9FFFFFFF  }
0xc3: {  	(tm) =	ssettm $0x7FFFFFFF  }
tec
execute0_lowered:
.L_overlay_start_1:
0x0: {  	(tag) =	ssettag $0x1  }
0x1: {  	s0 =	rddreg [dreg:$0x0]  }
0x2: {  	s1 =	rddreg [dreg:$0x1]  }
0x3: {  	s2 =	rddreg [dreg:$0x2];
	s10 =	simm.s32 $0x0;
	s3 =	srdreg.scid  }
0x4: {  	s11 =	stileid.u32;
	s19 =	simm.s32 $0x7;
	s28 =	simm.s32 $0x20  }
0x5: {  	s29 =	simm.s32 $0x4400;
	s30 =	simm.s32 $0x3;
	s31 =	simm.s32 $0x6400  }
0x6: {  	[smem:$0x7FF] =	sst s10;
	s3 =	sand.u32 $0x1, s3;
	s5 =	sadd.s32 $0x10600, s0  }
0x7: {  	s6 =	sadd.s32 $0x410600, s0;
	s8 =	smul.u32 $0x67000, s11;
	s9 =	sadd.s32 $0x600, s0  }
0x8: {  	s21 =	sadd.s32 $0x420600, s0;
	s23 =	smul.u32 $0x338, s11;
	s24 =	sshll.u32 s11, $0x6  }
0x9: {  	s25 =	sshll.u32 s11, $0xC;
	s0 =	sadd.s32 $0x423500, s0;
	p0 =	seq.s32 s11, $0xF  }
0xa: {  	_ =	strace $0x8000004A;
	s4 =	ssub.s32 $0x2, s3;
	[dreg:$0x5] =	wrdreg s9  }
0xb: {  	[dreg:$0x6] =	wrdreg s21;
	s9 =	sshll.u32 s11, $0xF;
	s3 =	smul.u32 $0x3338, s3  }
0xc: {  	s12 =	sor.u32 $0x1C07, s24;
	s13 =	sadd.s32 s1, s25;
	[dreg:$0xb] =	wrdreg s0  }
0xd: {  	s24 =	simm.s32 $0x1;
	s0 =	simm.s32 $0x2;
	[dreg:$0x8] =	wrdreg s23  }
0xe: {  	s7 =	sshrl.u32 s4, $0x1;
	s22 =	sshrl.u32 s8, $0x2;
	[dreg:$0x9] =	wrdreg s13  }
0xf: {  	s8 =	sadd.s32 s6, s25;
	s15 =	sor.u32 $0x1000, s9;
	s23 =	simm.s32 $0x1800  }
.Ltmp0:
0x10: {  	s25 =	simm.s32 $0x2000;
	[dreg:$0x7] =	wrdreg s3;
	(pc) =	sbr.rel .LBB2_1-.Ltmp0, $4  }
0x11: {  	s4 =	ssub.s32 s4, s7;
	s3 =	sadd.s32 s22, s2;
	[dreg:$0xa] =	wrdreg s8  }
0x12: {  	s22 =	simm.s32 $0x1000;
	s7 =	sadd.s32 $0x17800, s3;
	s26 =	smax.u32 s4, $0x1  }
0x13: {  	v0 =	vlaneseq.u32;
	s18 =	sshrl.u32 s3, $0x3;
	[dreg:$0xc] =	wrdreg s26;
	s20 =	sshrl.u32 @!p0 s7, $0x3  }
0x14: {  	v2 =	vimm.s32 $0x0;
	v3 =	vimm.s32 $0x3338;
	v1 =	vor.u32 $0x11F0, v0;
	s4 =	simm.s32 $0x5;
	s26 =	simm.s32 $0x3200;
	[dreg:$0xd] =	wrdreg s20  }
.LBB2_41:
0x15: {  	s10 =	rddreg [dreg:$0x4]  }
0x16: {  	s3 =	rddreg [dreg:$0xc];
	s10 =	sadd.s32 $0x1, s10  }
0x17: {  	p1 =	sne.s32 s10, s3  }
.Ltmp1:
0x18: {  	_ = 	snop;
	(pc) =	sbr.rel @!p1 .LBB2_42-.Ltmp1, $1  }
0x19: {  	_ =	sdelay $0x3  }
.LBB2_1:
.Ltmp2:
0x1a: {  	(pc) =	sbr.rel .LBB2_2-.Ltmp2, $2  }
0x1b: {  	_ =	sdelay $0x2  }
0x1c: {  	[dreg:$0x4] =	wrdreg s10;
	s17 =	simm.s32 $0x0  }
.LBB2_39:
0x1d: {  	[sflag:s16] =	ssyncadd.s32 @!p1 $0xFFFFF000;
	s8 =	simm.s32 @!p3 $0x20  }
0x1e: {  	s18 =	smov.u32 s12;
	s12 =	smov.u32 s3;
	s20 =	rddreg [dreg:$0xd]  }
0x1f: {  	[tilespmem:s7], [sflag:$0x4] =	stream.indirect.gather @!p3 [hbm4b:s5+s8], $0x80, s14, s8, $0xb8;
	[tilespmem:$0x1FEE0] =	vst v63  }
.LBB2_40:
0x20: {  	s7 =	rddreg [dreg:$0x8]  }
0x21: {  	s3 =	rddreg [dreg:$0xe]  }
0x22: {  	[bflag:$0x0] =	sbarrier.arrive $0xFFFF;
	s3 =	sadd.s32 s7, s3  }
0x23: {  	s21 =	rddreg [dreg:$0x6];
	s3 =	sshll.u32 s3, $0x4  }
0x24: {  	s7 =	sadd.s32 s21, s3  }
0x25: {  	[hbm:s7], [sflag:s12] =	dma.local [spmem:s18], $0x2F00  }
0x26: {  	_ =	swait.ge [sflag:s19], $0x2F00  }
0x27: {  	[sflag:s19] =	ssyncset.done $0x0;
	s7 =	rddreg [dreg:$0xb]  }
0x28: {  	s17 =	sadd.s32 $0x1, s17;
	[sflag:s19] =	ssyncadd.s32 $0xFFFFD100;
	s3 =	sadd.s32 @!p0 s3, s7  }
0x29: {  	[hbm:s3], [sflag:s12] =	dma.local @!p0 [spmem:s20], $0x480  }
0x2a: {  	p1 =	sne.s32 s17, $0xA;
	s3 =	simm.s32 @!p0 $0x7  }
.Ltmp3:
0x2b: {  	_ =	swait.ge @!p0 [sflag:s3], $0x480;
	(pc) =	sbr.rel @!p1 .LBB2_41-.Ltmp3, $3  }
0x2c: {  	[sflag:s3] =	ssyncset.done @!p0 $0x0  }
0x2d: {  	[sflag:s3] =	ssyncadd.s32 @!p0 $0xFFFFFB80  }
0x2e: {  	[bflag:$0x0] =	sbarrier.arrive $0xFFFF;
	_ =	sdelay $0x1  }
.LBB2_2:
0x2f: {  	s3 =	rddreg [dreg:$0x5]  }
0x30: {  	[spmem:s18], [sflag:s12] =	dma.local [hbm:s3], $0x2F00  }
0x31: {  	_ =	swait.ge [sflag:s19], $0x2F00  }
0x32: {  	[sflag:s19] =	ssyncset.done $0x0  }
0x33: {  	[sflag:s19] =	ssyncadd.s32 $0xFFFFD100  }
0x34: {  	[spmem:s20], [sflag:s12] =	dma.local @!p0 [hbm:s3], $0x480  }
0x35: {  	s3 =	simm.s32 @!p0 $0x7  }
0x36: {  	_ =	swait.ge @!p0 [sflag:s3], $0x480  }
0x37: {  	[sflag:s3] =	ssyncset.done @!p0 $0x0  }
0x38: {  	[sflag:s3] =	ssyncadd.s32 @!p0 $0xFFFFFB80  }
0x39: {  	[bflag:$0x0] =	sbarrier.arrive $0xFFFF  }
0x3a: {  	s10 =	smul.u32 $0x6670, s17;
	s7 =	rddreg [dreg:$0x9]  }
.Ltmp4:
0x3b: {  	s21 =	simm.s32 $0x0;
	s11 =	rddreg [dreg:$0x7];
	(pc) =	sbr.rel .LBB2_3-.Ltmp4, $4  }
0x3c: {  	[tilespmem:s21], [sflag:$0x1] =	stream.linear.gather [hbm4b:s7+s21], $0x800, $0x38;
	[tilespmem:$0x1FEE0] =	vst v63  }
0x3d: {  	s14 =	simm.s32 $0x800;
	s13 =	rddreg [dreg:$0xa];
	s8 =	sadd.s32 s11, s10  }
0x3e: {  	s16 =	sadd.s32 $0x3338, s8;
	[dreg:$0xe] =	wrdreg s8;
	v4 =	vmov s8;
	s8 =	simm.s32 $0x0  }
0x3f: {  	v7 =	vimm.s32 $0x0;
	[tilespmem:s14], [sflag:$0x1] =	stream.linear.gather [hbm4b:s13+s21], $0x800, $0x38;
	v5 =	vmov s16;
	[tilespmem:$0x1FEE0] =	vst v63  }
.LBB2_28:
0x40: {  	[sflag:s19] =	ssyncadd.s32 $0xFFFFF000  }
.LBB2_29:
0x41: {  	s8 =	sadd.s32 $0x1, s8  }
0x42: {  	p2 =	sne.s32 s8, $0x8  }
.Ltmp5:
0x43: {  	_ = 	snop;
	(pc) =	sbr.rel @!p2 .LBB2_30-.Ltmp5, $3  }
0x44: {  	_ =	sdelay $0x1  }
0x45: {  	p1 =	sgt.s32 s10, $0x9B  }
0x46: {  	v7 =	vpsel p1, $0x0, v6  }
.LBB2_3:
0x47: {  	s10 =	sshll.u32 s8, $0xC  }
0x48: {  	s7 =	sor.u32 s10, s9  }
0x49: {  	s7 =	sshrl.u32 s7, $0x3  }
0x4a: {  	s7 =	sor.u32 $0x100, s7  }
0x4b: {  	s11 =	sadd.s32 s1, s7  }
0x4c: {  	[tilespmem:s22], [sflag:$0x2] =	stream.linear.gather [hbm4b:s11+s21], $0x800, $0x38;
	[tilespmem:$0x1FEE0] =	vst v63  }
0x4d: {  	s7 =	sadd.s32 s6, s7  }
0x4e: {  	[tilespmem:s23], [sflag:$0x2] =	stream.linear.gather [hbm4b:s7+s21], $0x800, $0x38;
	[tilespmem:$0x1FEE0] =	vst v63  }
0x4f: {  	_ =	swait.ge [sflag:s24], $0x800  }
0x50: {  	[sflag:s24] =	ssyncset.done $0x0  }
0x51: {  	[sflag:s24] =	ssyncadd.s32 $0xFFFFF800  }
0x52: {  	_ =	swait.ge [sflag:s24], $0x800  }
0x53: {  	[sflag:s24] =	ssyncset.done $0x0  }
0x54: {  	s11 =	simm.s32 $0x0;
	[sflag:s24] =	ssyncadd.s32 $0xFFFFF800  }
0x55: {  	s13 =	simm.s32 $0x40;
	v8 =	vld [tilespmem:s11+$0x800]  }
.LBB2_4:
0x56: {  	p1 =	sne.s32 s13, $0x1FC0;
	_ =	sdelay $0x3  }
0x57: {  	v6 =	vshll.u32 v7, $0x4;
	vm0 =	vge.s32 v8, v4;
	vm1 =	vlt.s32 v8, v5  }
0x58: {  	v6 =	vor.u32 v0, v6;
	v8 =	vsub.s32 v8, v4;
	vm0 =	vmand vm0, vm1  }
0x59: {  	v9 =	vld [tilespmem:s11+$0x0];
	v6 =	vsel vm0, v6, v1;
	v10 =	vsel vm0, $0x1, v2  }
0x5a: {  	v7 =	vadd.s32 v10, v7;
	_ =	sdelay $0x1  }
.Ltmp6:
0x5b: {  	(pc) =	sbr.rel @p1 .LBB2_4-.Ltmp6, $4  }
0x5c: {  	_ = 	snop  }
0x5d: {  	[tilespmem:v6+s25+$0x0] =	vst.idx.msk $0xffff, v9  }
0x5e: {  	s11 =	sshra.s32 s13, $0x2;
	[tilespmem:v6+s26+$0x0] =	vst.idx.msk $0xffff, v8  }
0x5f: {  	s13 =	sadd.s32 $0x40, s13;
	v8 =	vld [tilespmem:s11+$0x800]  }
0x60: {  	_ =	sdelay $0x3  }
0x61: {  	vm0 =	vge.s32 v8, v4;
	vm1 =	vlt.s32 v8, v5  }
0x62: {  	vm0 =	vmand vm0, vm1  }
0x63: {  	v6 =	vsel vm0, $0x1, v2  }
0x64: {  	v6 =	vadd.s32 v6, v7  }
0x65: {  	v9 =	vxor.u32 $0x80000000, v6  }
0x66: {  	(xrf0) =	vmax.scan.msk.u32 $0xffff, v9;
	_ =	sdelay $0x5  }
0x67: {  	v10, _, _ =	vpop (xrf0)  }
0x68: {  	(v2sf) =	vpush v10, $0xF;
	_ =	sdelay $0xd  }
0x69: {  	v7 =	vshll.u32 v7, $0x4  }
0x6a: {  	v7 =	vor.u32 v0, v7;
	s7 =	spop (v2sf)  }
0x6b: {  	v7 =	vsel vm0, v7, v1;
	v10 =	vld [tilespmem:s11+$0x0];
	s11 =	sxor.u32 $0x80000000, s7  }
0x6c: {  	p1 =	slt.s32 s11, $0x9C  }
.Ltmp7:
0x6d: {  	_ = 	snop;
	(pc) =	sbr.rel @p1 .LBB2_16-.Ltmp7, $3  }
0x6e: {  	_ =	sdelay $0x1  }
0x6f: {  	v8 =	vsub.s32 v8, v4;
	[tilespmem:v7+s25+$0x0] =	vst.idx.msk $0xffff, v10  }
0x70: {  	[tilespmem:v7+s26+$0x0] =	vst.idx.msk $0xffff, v8  }
0x71: {  	(xrf0) =	vmin.scan.msk.u32 $0xffff, v9;
	_ =	sdelay $0x5  }
0x72: {  	v7, _, _ =	vpop (xrf0)  }
0x73: {  	(v2sf) =	vpush v7, $0xF;
	_ =	sdelay $0xe  }
0x74: {  	s7 =	sand.u32 $0x1, s7;
	s14 =	spop (v2sf)  }
0x75: {  	s13 =	sadd.s32 s7, s11;
	s16 =	sxor.u32 $0x80000000, s14  }
0x76: {  	s7 =	ssub.s32 s13, s16  }
0x77: {  	p1 =	slt.s32 s7, $0x1  }
.Ltmp8:
0x78: {  	_ = 	snop;
	(pc) =	sbr.rel @p1 .LBB2_12-.Ltmp8, $1  }
0x79: {  	_ =	sdelay $0x3  }
0x7a: {  	p2 =	sne.s32 s7, $0x1  }
.Ltmp9:
0x7b: {  	_ = 	snop;
	(pc) =	sbr.rel @!p2 .LBB2_8-.Ltmp9, $3  }
0x7c: {  	_ =	sdelay $0x1  }
0x7d: {  	v7 =	vmov s13;
	v8 =	vshll.u32 v6, $0x4  }
0x7e: {  	s7 =	sadd.s32 $0xFFFFFFFF, s7;
	p1 =	por $0x0, $0x0;
	v9 =	vor.u32 v0, v8;
	vm0 =	vlt.s32 v6, v7  }
0x7f: {  	v8 =	vsel vm0, v9, v1;
	p2 =	sne.s32 s7, $0x1  }
.Ltmp10:
0x80: {  	_ = 	snop;
	(pc) =	sbr.rel @!p2 .LBB2_11-.Ltmp10, $4  }
0x81: {  	v9 =	vsel vm0, $0x1, v2  }
0x82: {  	v10 =	vadd.s32 v9, v6  }
0x83: {  	v9 =	vshll.u32 v10, $0x4  }
0x84: {  	s14 =	sadd.s32 $0xFFFFFFFF, s7;
	p1 =	por $0x1, $0x1;
	vm0 =	vlt.s32 v10, v7;
	v9 =	vor.u32 v0, v9;
	[tilespmem:v8+s25+$0x0] =	vst.idx.msk $0xffff, v0  }
.LBB2_10:
0x85: {  	p2 =	sne.s32 s14, $0x1;
	s14 =	sadd.s32 $0xFFFFFFFF, s14;
	v11 =	vsel vm0, $0x1, v2;
	[tilespmem:v8+s26+$0x0] =	vst.idx.msk $0xffff, v3;
	v8 =	vsel vm0, v9, v1  }
.Ltmp11:
0x86: {  	v10 =	vadd.s32 v11, v10;
	(pc) =	sbr.rel @p2 .LBB2_10-.Ltmp11, $3  }
0x87: {  	v9 =	vshll.u32 v10, $0x4  }
0x88: {  	v9 =	vor.u32 v0, v9;
	_ =	sdelay $0x1  }
0x89: {  	vm0 =	vlt.s32 v10, v7;
	[tilespmem:v8+s25+$0x0] =	vst.idx.msk $0xffff, v0  }
.LBB2_11:
0x8a: {  	v7 =	vsel vm0, v9, v1;
	_ =	sdelay $0x3  }
0x8b: {  	[tilespmem:v8+s26+$0x0] =	vst.idx.msk @p1 $0xffff, v3  }
0x8c: {  	[tilespmem:v7+s25+$0x0] =	vst.idx.msk $0xffff, v0  }
0x8d: {  	[tilespmem:v7+s26+$0x0] =	vst.idx.msk $0xffff, v3  }
.LBB2_12:
0x8e: {  	s7 =	sshll.u32 s13, $0x4;
	s3 =	sand.u32 $0x1, s13  }
0x8f: {  	s14 =	sshra.s32 s7, $0x1F;
	p1 =	slt.s32 s7, $0x1;
	p2 =	seq.s32 s3, $0x1  }
0x90: {  	s16 =	sshrl.u32 s14, $0x1B;
	p1 =	por !p1, !p2  }
0x91: {  	s13 =	simm.s32 $0x1;
	s7 =	sadd.s32 s16, s7;
	p1 =	por !p1, !p1  }
0x92: {  	s16 =	sshra.s32 s7, $0x5;
	s13 =	simm.s32 @!p1 $0x0  }
0x93: {  	s7 =	ssub.s32 s16, s13  }
0x94: {  	p1 =	slt.s32 s7, $0x1  }
.Ltmp12:
0x95: {  	_ = 	snop;
	(pc) =	sbr.rel @p1 .LBB2_16-.Ltmp12, $1  }
0x96: {  	_ =	sdelay $0x3  }
0x97: {  	s13 =	simm.s32 $0x2000  }
0x98: {  	[tilespmem:s29], [sflag:$0x3] =	stream.indirect.gather [hbm4b:s5+s28], $0x80, s13, s28, $0xb8;
	[tilespmem:$0x1FEE0] =	vst v63  }
0x99: {  	_ =	swait.ge [sflag:s30], $0x1000  }
0x9a: {  	[sflag:s30] =	ssyncset.done $0x0  }
0x9b: {  	s14 =	simm.s32 $0x3210;
	[sflag:s30] =	ssyncadd.s32 $0xFFFFF000  }
0x9c: {  	v7 =	vld [tilespmem:s14+$0xFFFFFFF0];
	_ =	sdelay $0x4  }
0x9d: {  	[tilespmem:$0x6400] =	vst v7  }
0x9e: {  	v7 =	vld [tilespmem:s14+$0x0];
	_ =	sdelay $0x2  }
0x9f: {  	p1 =	sne.s32 s16, $0x1  }
.Ltmp13:
0xa0: {  	_ = 	snop;
	(pc) =	sbr.rel @!p1 .LBB2_15-.Ltmp13, $4  }
0xa1: {  	[tilespmem:$0x6410] =	vst v7  }
0xa2: {  	[spmem:s2] =	stream.indirect.scatter.add.f32 [tilespmem:s29], [sflag:$0x7], $0x80, s31, s28, $0xb8;
	[tilespmem:$0x1FEE0] =	vst v63  }
0xa3: {  	_ =	swait.ge [sflag:s19], $0x1000  }
0xa4: {  	s16 =	sadd.s32 $0xFFFFFFFF, s16;
	[sflag:s19] =	ssyncset.done $0x0  }
.LBB2_14:
0xa5: {  	[sflag:s19] =	ssyncadd.s32 $0xFFFFF000;
	s14 =	sadd.s32 $0x20, s14;
	s13 =	sadd.s32 $0x20, s13  }
0xa6: {  	[tilespmem:s29], [sflag:$0x3] =	stream.indirect.gather [hbm4b:s5+s28], $0x80, s13, s28, $0xb8;
	[tilespmem:$0x1FEE0] =	vst v63  }
0xa7: {  	p1 =	sne.s32 s16, $0x1;
	s16 =	sadd.s32 $0xFFFFFFFF, s16;
	_ =	swait.ge [sflag:s30], $0x1000  }
0xa8: {  	[sflag:s30] =	ssyncset.done $0x0  }
0xa9: {  	[sflag:s30] =	ssyncadd.s32 $0xFFFFF000  }
0xaa: {  	v7 =	vld [tilespmem:s14+$0xFFFFFFF0];
	_ =	sdelay $0x4  }
0xab: {  	[tilespmem:$0x6400] =	vst v7  }
0xac: {  	v7 =	vld [tilespmem:s14+$0x0];
	_ =	sdelay $0x3  }
.Ltmp14:
0xad: {  	(pc) =	sbr.rel @p1 .LBB2_14-.Ltmp14, $4  }
0xae: {  	[tilespmem:$0x6410] =	vst v7  }
0xaf: {  	[spmem:s2] =	stream.indirect.scatter.add.f32 [tilespmem:s29], [sflag:$0x7], $0x80, s31, s28, $0xb8;
	[tilespmem:$0x1FEE0] =	vst v63  }
0xb0: {  	_ =	swait.ge [sflag:s19], $0x1000  }
0xb1: {  	[sflag:s19] =	ssyncset.done $0x0  }
.LBB2_15:
0xb2: {  	[sflag:s19] =	ssyncadd.s32 $0xFFFFF000  }
.LBB2_16:
0xb3: {  	p1 =	seq.s32 s8, $0x7  }
0xb4: {  	s7 =	sadd.s32 @!p1 s10, s15  }
0xb5: {  	s7 =	sshrl.u32 @!p1 s7, $0x3  }
0xb6: {  	s13 =	simm.s32 @!p1 $0x0;
	s10 =	sadd.s32 @!p1 s1, s7  }
0xb7: {  	[tilespmem:s13], [sflag:$0x1] =	stream.linear.gather @!p1 [hbm4b:s10+s13], $0x800, $0x38;
	[tilespmem:$0x1FEE0] =	vst v63  }
0xb8: {  	s7 =	sadd.s32 @!p1 s6, s7;
	s10 =	simm.s32 @!p1 $0x800  }
0xb9: {  	[tilespmem:s10], [sflag:$0x1] =	stream.linear.gather @!p1 [hbm4b:s7+s13], $0x800, $0x38;
	[tilespmem:$0x1FEE0] =	vst v63  }
0xba: {  	_ =	swait.ge [sflag:s0], $0x800  }
0xbb: {  	[sflag:s0] =	ssyncset.done $0x0  }
0xbc: {  	[sflag:s0] =	ssyncadd.s32 $0xFFFFF800  }
0xbd: {  	_ =	swait.ge [sflag:s0], $0x800  }
0xbe: {  	[sflag:s0] =	ssyncset.done $0x0  }
0xbf: {  	p6 =	sgt.s32 s11, $0x9B;
	s10 =	simm.s32 $0x0;
	[sflag:s0] =	ssyncadd.s32 $0xFFFFF800  }
0xc0: {  	s11 =	simm.s32 $0x40;
	v7 =	vpsel p6, $0x0, v6;
	v8 =	vld [tilespmem:s10+$0x1800]  }
.LBB2_17:
0xc1: {  	p1 =	sne.s32 s11, $0x1FC0;
	_ =	sdelay $0x3  }
0xc2: {  	v6 =	vshll.u32 v7, $0x4;
	vm0 =	vge.s32 v8, v4;
	vm1 =	vlt.s32 v8, v5  }
0xc3: {  	v6 =	vor.u32 v0, v6;
	v8 =	vsub.s32 v8, v4;
	vm0 =	vmand vm0, vm1  }
0xc4: {  	v9 =	vld [tilespmem:s10+$0x1000];
	v6 =	vsel vm0, v6, v1;
	v10 =	vsel vm0, $0x1, v2  }
0xc5: {  	v7 =	vadd.s32 v10, v7;
	_ =	sdelay $0x1  }
.Ltmp15:
0xc6: {  	(pc) =	sbr.rel @p1 .LBB2_17-.Ltmp15, $4  }
0xc7: {  	_ = 	snop  }
0xc8: {  	[tilespmem:v6+s25+$0x0] =	vst.idx.msk $0xffff, v9  }
0xc9: {  	s10 =	sshra.s32 s11, $0x2;
	[tilespmem:v6+s26+$0x0] =	vst.idx.msk $0xffff, v8  }
0xca: {  	s11 =	sadd.s32 $0x40, s11;
	v8 =	vld [tilespmem:s10+$0x1800]  }
0xcb: {  	_ =	sdelay $0x3  }
0xcc: {  	vm0 =	vge.s32 v8, v4;
	vm1 =	vlt.s32 v8, v5  }
0xcd: {  	vm0 =	vmand vm0, vm1  }
0xce: {  	v6 =	vsel vm0, $0x1, v2  }
0xcf: {  	v6 =	vadd.s32 v6, v7  }
0xd0: {  	v9 =	vxor.u32 $0x80000000, v6  }
0xd1: {  	(xrf0) =	vmax.scan.msk.u32 $0xffff, v9;
	_ =	sdelay $0x5  }
0xd2: {  	v10, _, _ =	vpop (xrf0)  }
0xd3: {  	(v2sf) =	vpush v10, $0xF;
	_ =	sdelay $0xd  }
0xd4: {  	v7 =	vshll.u32 v7, $0x4  }
0xd5: {  	v7 =	vor.u32 v0, v7;
	s7 =	spop (v2sf)  }
0xd6: {  	v7 =	vsel vm0, v7, v1;
	v10 =	vld [tilespmem:s10+$0x1000];
	s10 =	sxor.u32 $0x80000000, s7  }
0xd7: {  	p1 =	slt.s32 s10, $0x9C  }
.Ltmp16:
0xd8: {  	_ = 	snop;
	(pc) =	sbr.rel @p1 .LBB2_29-.Ltmp16, $3  }
0xd9: {  	_ =	sdelay $0x1  }
0xda: {  	v8 =	vsub.s32 v8, v4;
	[tilespmem:v7+s25+$0x0] =	vst.idx.msk $0xffff, v10  }
0xdb: {  	[tilespmem:v7+s26+$0x0] =	vst.idx.msk $0xffff, v8  }
0xdc: {  	(xrf0) =	vmin.scan.msk.u32 $0xffff, v9;
	_ =	sdelay $0x5  }
0xdd: {  	v7, _, _ =	vpop (xrf0)  }
0xde: {  	(v2sf) =	vpush v7, $0xF;
	_ =	sdelay $0xe  }
0xdf: {  	s7 =	sand.u32 $0x1, s7;
	s13 =	spop (v2sf)  }
0xe0: {  	s11 =	sadd.s32 s7, s10;
	s16 =	sxor.u32 $0x80000000, s13  }
0xe1: {  	s7 =	ssub.s32 s11, s16  }
0xe2: {  	p1 =	slt.s32 s7, $0x1  }
.Ltmp17:
0xe3: {  	_ = 	snop;
	(pc) =	sbr.rel @p1 .LBB2_25-.Ltmp17, $1  }
0xe4: {  	_ =	sdelay $0x3  }
0xe5: {  	p2 =	sne.s32 s7, $0x1  }
.Ltmp18:
0xe6: {  	_ = 	snop;
	(pc) =	sbr.rel @!p2 .LBB2_21-.Ltmp18, $3  }
0xe7: {  	_ =	sdelay $0x1  }
0xe8: {  	v7 =	vmov s11;
	v8 =	vshll.u32 v6, $0x4  }
0xe9: {  	s7 =	sadd.s32 $0xFFFFFFFF, s7;
	p1 =	por $0x0, $0x0;
	v9 =	vor.u32 v0, v8;
	vm0 =	vlt.s32 v6, v7  }
0xea: {  	v8 =	vsel vm0, v9, v1;
	p2 =	sne.s32 s7, $0x1  }
.Ltmp19:
0xeb: {  	_ = 	snop;
	(pc) =	sbr.rel @!p2 .LBB2_24-.Ltmp19, $4  }
0xec: {  	v9 =	vsel vm0, $0x1, v2  }
0xed: {  	v10 =	vadd.s32 v9, v6  }
0xee: {  	v9 =	vshll.u32 v10, $0x4  }
0xef: {  	s13 =	sadd.s32 $0xFFFFFFFF, s7;
	p1 =	por $0x1, $0x1;
	vm0 =	vlt.s32 v10, v7;
	v9 =	vor.u32 v0, v9;
	[tilespmem:v8+s25+$0x0] =	vst.idx.msk $0xffff, v0  }
.LBB2_23:
0xf0: {  	p2 =	sne.s32 s13, $0x1;
	s13 =	sadd.s32 $0xFFFFFFFF, s13;
	v11 =	vsel vm0, $0x1, v2;
	[tilespmem:v8+s26+$0x0] =	vst.idx.msk $0xffff, v3;
	v8 =	vsel vm0, v9, v1  }
.Ltmp20:
0xf1: {  	v10 =	vadd.s32 v11, v10;
	(pc) =	sbr.rel @p2 .LBB2_23-.Ltmp20, $3  }
0xf2: {  	v9 =	vshll.u32 v10, $0x4  }
0xf3: {  	v9 =	vor.u32 v0, v9;
	_ =	sdelay $0x1  }
0xf4: {  	vm0 =	vlt.s32 v10, v7;
	[tilespmem:v8+s25+$0x0] =	vst.idx.msk $0xffff, v0  }
.LBB2_24:
0xf5: {  	v7 =	vsel vm0, v9, v1;
	_ =	sdelay $0x3  }
0xf6: {  	[tilespmem:v8+s26+$0x0] =	vst.idx.msk @p1 $0xffff, v3  }
0xf7: {  	[tilespmem:v7+s25+$0x0] =	vst.idx.msk $0xffff, v0  }
0xf8: {  	[tilespmem:v7+s26+$0x0] =	vst.idx.msk $0xffff, v3  }
.LBB2_25:
0xf9: {  	s7 =	sshll.u32 s11, $0x4;
	s14 =	sand.u32 $0x1, s11  }
0xfa: {  	s13 =	sshra.s32 s7, $0x1F;
	p1 =	slt.s32 s7, $0x1;
	p2 =	seq.s32 s14, $0x1  }
0xfb: {  	s16 =	sshrl.u32 s13, $0x1B;
	p1 =	por !p1, !p2  }
0xfc: {  	s11 =	simm.s32 $0x1;
	s7 =	sadd.s32 s16, s7;
	p1 =	por !p1, !p1  }
0xfd: {  	s14 =	sshra.s32 s7, $0x5;
	s11 =	simm.s32 @!p1 $0x0  }
0xfe: {  	s7 =	ssub.s32 s14, s11  }
0xff: {  	p1 =	slt.s32 s7, $0x1  }
.Ltmp21:
0x100: {  	_ = 	snop;
	(pc) =	sbr.rel @p1 .LBB2_29-.Ltmp21, $1  }
0x101: {  	_ =	sdelay $0x3  }
0x102: {  	s11 =	simm.s32 $0x2000  }
0x103: {  	[tilespmem:s29], [sflag:$0x3] =	stream.indirect.gather [hbm4b:s5+s28], $0x80, s11, s28, $0xb8;
	[tilespmem:$0x1FEE0] =	vst v63  }
0x104: {  	_ =	swait.ge [sflag:s30], $0x1000  }
0x105: {  	[sflag:s30] =	ssyncset.done $0x0  }
0x106: {  	s13 =	simm.s32 $0x3210;
	[sflag:s30] =	ssyncadd.s32 $0xFFFFF000  }
0x107: {  	v7 =	vld [tilespmem:s13+$0xFFFFFFF0];
	_ =	sdelay $0x4  }
0x108: {  	[tilespmem:$0x6400] =	vst v7  }
0x109: {  	v7 =	vld [tilespmem:s13+$0x0];
	_ =	sdelay $0x2  }
0x10a: {  	p1 =	sne.s32 s14, $0x1  }
.Ltmp22:
0x10b: {  	_ = 	snop;
	(pc) =	sbr.rel @!p1 .LBB2_28-.Ltmp22, $4  }
0x10c: {  	[tilespmem:$0x6410] =	vst v7  }
0x10d: {  	[spmem:s2] =	stream.indirect.scatter.add.f32 [tilespmem:s29], [sflag:$0x7], $0x80, s31, s28, $0xb8;
	[tilespmem:$0x1FEE0] =	vst v63  }
0x10e: {  	_ =	swait.ge [sflag:s19], $0x1000  }
0x10f: {  	s14 =	sadd.s32 $0xFFFFFFFF, s14;
	[sflag:s19] =	ssyncset.done $0x0  }
.LBB2_27:
0x110: {  	[sflag:s19] =	ssyncadd.s32 $0xFFFFF000;
	s13 =	sadd.s32 $0x20, s13;
	s11 =	sadd.s32 $0x20, s11  }
0x111: {  	[tilespmem:s29], [sflag:$0x3] =	stream.indirect.gather [hbm4b:s5+s28], $0x80, s11, s28, $0xb8;
	[tilespmem:$0x1FEE0] =	vst v63  }
0x112: {  	p1 =	sne.s32 s14, $0x1;
	s14 =	sadd.s32 $0xFFFFFFFF, s14;
	_ =	swait.ge [sflag:s30], $0x1000  }
0x113: {  	[sflag:s30] =	ssyncset.done $0x0  }
0x114: {  	[sflag:s30] =	ssyncadd.s32 $0xFFFFF000  }
0x115: {  	v7 =	vld [tilespmem:s13+$0xFFFFFFF0];
	_ =	sdelay $0x4  }
0x116: {  	[tilespmem:$0x6400] =	vst v7  }
0x117: {  	v7 =	vld [tilespmem:s13+$0x0];
	_ =	sdelay $0x3  }
.Ltmp23:
0x118: {  	(pc) =	sbr.rel @p1 .LBB2_27-.Ltmp23, $4  }
0x119: {  	[tilespmem:$0x6410] =	vst v7  }
0x11a: {  	[spmem:s2] =	stream.indirect.scatter.add.f32 [tilespmem:s29], [sflag:$0x7], $0x80, s31, s28, $0xb8;
	[tilespmem:$0x1FEE0] =	vst v63  }
0x11b: {  	_ =	swait.ge [sflag:s19], $0x1000  }
0x11c: {  	[sflag:s19] =	ssyncset.done $0x0  }
.Ltmp24:
0x11d: {  	_ = 	snop;
	(pc) =	sbr.rel .LBB2_28-.Ltmp24, $1  }
0x11e: {  	_ =	sdelay $0x3  }
.LBB2_8:
.Ltmp25:
0x11f: {  	(pc) =	sbr.rel .LBB2_11-.Ltmp25, $2  }
0x120: {  	_ =	sdelay $0x2  }
0x121: {  	_ = 	snop  }
.LBB2_21:
.Ltmp26:
0x122: {  	(pc) =	sbr.rel .LBB2_24-.Ltmp26, $2  }
0x123: {  	_ =	sdelay $0x2  }
0x124: {  	_ = 	snop  }
.LBB2_30:
0x125: {  	v4 =	vxor.u32 $0x80000000, v7  }
0x126: {  	(xrf0) =	vmax.scan.msk.u32 $0xffff, v4;
	_ =	sdelay $0x1  }
0x127: {  	(xrf0) =	vmin.scan.msk.u32 $0xffff, v4;
	_ =	sdelay $0x3  }
0x128: {  	v4, _, _ =	vpop (xrf0)  }
0x129: {  	(v2sf) =	vpush v4, $0xF  }
0x12a: {  	v4, _, _ =	vpop (xrf0)  }
0x12b: {  	(v2sf) =	vpush v4, $0xF;
	_ =	sdelay $0xc  }
0x12c: {  	s7 =	spop (v2sf)  }
0x12d: {  	s8 =	sand.u32 $0x1, s7  }
0x12e: {  	s10 =	spop (v2sf);
	s7 =	sadd.s32 s7, s8  }
0x12f: {  	s21 =	sxor.u32 $0x80000000, s10;
	s8 =	sadd.s32 $0x80000000, s7  }
0x130: {  	s7 =	ssub.s32 s8, s21  }
0x131: {  	p1 =	slt.s32 s7, $0x1  }
.Ltmp27:
0x132: {  	_ = 	snop;
	(pc) =	sbr.rel @p1 .LBB2_36-.Ltmp27, $1  }
0x133: {  	_ =	sdelay $0x3  }
0x134: {  	p2 =	sne.s32 s7, $0x1  }
.Ltmp28:
0x135: {  	_ = 	snop;
	(pc) =	sbr.rel @!p2 .LBB2_32-.Ltmp28, $3  }
0x136: {  	_ =	sdelay $0x1  }
0x137: {  	v4 =	vmov s8;
	v5 =	vshll.u32 v7, $0x4  }
0x138: {  	s7 =	sadd.s32 $0xFFFFFFFF, s7;
	p1 =	por $0x0, $0x0;
	v6 =	vor.u32 v0, v5;
	vm0 =	vlt.s32 v7, v4  }
0x139: {  	v5 =	vsel vm0, v6, v1;
	p2 =	sne.s32 s7, $0x1  }
.Ltmp29:
0x13a: {  	_ = 	snop;
	(pc) =	sbr.rel @!p2 .LBB2_35-.Ltmp29, $4  }
0x13b: {  	v6 =	vsel vm0, $0x1, v2  }
0x13c: {  	v7 =	vadd.s32 v6, v7  }
0x13d: {  	v6 =	vshll.u32 v7, $0x4  }
0x13e: {  	s10 =	sadd.s32 $0xFFFFFFFF, s7;
	p1 =	por $0x1, $0x1;
	vm0 =	vlt.s32 v7, v4;
	v6 =	vor.u32 v0, v6;
	[tilespmem:v5+s25+$0x0] =	vst.idx.msk $0xffff, v0  }
.LBB2_34:
0x13f: {  	p2 =	sne.s32 s10, $0x1;
	s10 =	sadd.s32 $0xFFFFFFFF, s10;
	v8 =	vsel vm0, $0x1, v2;
	[tilespmem:v5+s26+$0x0] =	vst.idx.msk $0xffff, v3;
	v5 =	vsel vm0, v6, v1  }
.Ltmp30:
0x140: {  	v7 =	vadd.s32 v8, v7;
	(pc) =	sbr.rel @p2 .LBB2_34-.Ltmp30, $3  }
0x141: {  	v6 =	vshll.u32 v7, $0x4  }
0x142: {  	v6 =	vor.u32 v0, v6;
	_ =	sdelay $0x1  }
0x143: {  	vm0 =	vlt.s32 v7, v4;
	[tilespmem:v5+s25+$0x0] =	vst.idx.msk $0xffff, v0  }
.LBB2_35:
0x144: {  	v4 =	vsel vm0, v6, v1;
	_ =	sdelay $0x3  }
0x145: {  	[tilespmem:v5+s26+$0x0] =	vst.idx.msk @p1 $0xffff, v3  }
0x146: {  	[tilespmem:v4+s25+$0x0] =	vst.idx.msk $0xffff, v0  }
0x147: {  	[tilespmem:v4+s26+$0x0] =	vst.idx.msk $0xffff, v3  }
.LBB2_36:
0x148: {  	s7 =	sshll.u32 s8, $0x4;
	s11 =	sand.u32 $0x1, s8  }
0x149: {  	s10 =	sshra.s32 s7, $0x1F;
	p1 =	slt.s32 s7, $0x1;
	p2 =	seq.s32 s11, $0x1  }
0x14a: {  	s13 =	sshrl.u32 s10, $0x1B;
	p1 =	por !p1, !p2  }
0x14b: {  	s8 =	simm.s32 $0x1;
	s7 =	sadd.s32 s13, s7;
	p1 =	por !p1, !p1  }
0x14c: {  	s7 =	sshra.s32 s7, $0x5;
	s8 =	simm.s32 @!p1 $0x0  }
0x14d: {  	s8 =	ssub.s32 s7, s8  }
0x14e: {  	p1 =	slt.s32 s8, $0x1  }
0x14f: {  	s14 =	sadd.s32 $0x1, s8;
	s7 =	simm.s32 @!p1 $0x20;
	s10 =	simm.s32 @!p1 $0x2000  }
0x150: {  	s11 =	simm.s32 @!p1 $0x4400;
	p2 =	seq.s32 @!p1 s8, $0x1;
	s16 =	sand.u32 $0x1, s14  }
0x151: {  	[tilespmem:s11], [sflag:$0x3] =	stream.indirect.gather @!p1 [hbm4b:s5+s7], $0x80, s10, s7, $0xb8;
	[tilespmem:$0x1FEE0] =	vst v63  }
0x152: {  	p5 =	slt.s32 s8, $0x0;
	p1 =	por p2, p1;
	p6 =	seq.s32 s16, $0x1  }
0x153: {  	s7 =	simm.s32 @!p1 $0x20;
	s10 =	simm.s32 @!p1 $0x2020;
	s11 =	simm.s32 @!p1 $0x5400  }
0x154: {  	[tilespmem:s11], [sflag:$0x4] =	stream.indirect.gather @!p1 [hbm4b:s5+s7], $0x80, s10, s7, $0xb8;
	[tilespmem:$0x1FEE0] =	vst v63  }
0x155: {  	s21 =	sshrl.u32 s14, $0x1F;
	p1 =	por !p5, !p6  }
0x156: {  	s7 =	sadd.s32 s21, s14;
	s10 =	simm.s32 $0x1;
	p1 =	por !p1, !p1  }
0x157: {  	s7 =	sshra.s32 s7, $0x1;
	s10 =	simm.s32 @!p1 $0x0  }
0x158: {  	s10 =	ssub.s32 s7, s10  }
0x159: {  	p1 =	slt.s32 s10, $0x1  }
.Ltmp31:
0x15a: {  	_ = 	snop;
	(pc) =	sbr.rel @p1 .LBB2_40-.Ltmp31, $1  }
0x15b: {  	_ =	sdelay $0x3  }
0x15c: {  	_ =	swait.ge [sflag:s30], $0x1000  }
0x15d: {  	[sflag:s30] =	ssyncset.done $0x0  }
0x15e: {  	s7 =	simm.s32 $0x3220;
	[sflag:s30] =	ssyncadd.s32 $0xFFFFF000  }
0x15f: {  	v4 =	vld [tilespmem:s7+$0xFFFFFFE0];
	_ =	sdelay $0x4  }
0x160: {  	[tilespmem:$0x6400] =	vst v4  }
0x161: {  	v4 =	vld [tilespmem:s7+$0xFFFFFFF0];
	_ =	sdelay $0x3  }
0x162: {  	p1 =	sle.s32 s8, $0x1  }
0x163: {  	s11 =	simm.s32 @!p1 $0x4;
	[tilespmem:$0x6410] =	vst v4  }
0x164: {  	[spmem:s2] =	stream.indirect.scatter.add.f32 [tilespmem:s29], [sflag:$0x5], $0x80, s31, s28, $0xb8;
	[tilespmem:$0x1FEE0] =	vst v63  }
0x165: {  	_ =	swait.ge @!p1 [sflag:s11], $0x1000  }
0x166: {  	[sflag:s11] =	ssyncset.done @!p1 $0x0  }
0x167: {  	[sflag:s11] =	ssyncadd.s32 @!p1 $0xFFFFF000  }
0x168: {  	v4 =	vld @!p1 [tilespmem:s7+$0x0];
	_ =	sdelay $0x4  }
0x169: {  	[tilespmem:$0x6480] =	vst @!p1 v4  }
0x16a: {  	v4 =	vld @!p1 [tilespmem:s7+$0x10];
	_ =	sdelay $0x2  }
0x16b: {  	s3 =	smov.u32 s12;
	s12 =	smov.u32 s18;
	s10 =	sadd.s32 $0xFFFFFFFF, s10  }
0x16c: {  	p3 =	sle.s32 s8, $0x2;
	s21 =	simm.s32 $0x3260;
	p2 =	sne.s32 s10, $0x0  }
0x16d: {  	s13 =	simm.s32 @!p1 $0x6480;
	s14 =	simm.s32 @!p1 $0x5400;
	s11 =	simm.s32 @!p1 $0x20;
	[tilespmem:$0x6490] =	vst @!p1 v4  }
0x16e: {  	[spmem:s2] =	stream.indirect.scatter.add.f32 @!p1 [tilespmem:s14], [sflag:$0x6], $0x80, s13, s11, $0xb8;
	[tilespmem:$0x1FEE0] =	vst v63  }
0x16f: {  	s16 =	simm.s32 @!p1 $0x6;
	s7 =	simm.s32 $0x2040;
	_ =	swait.ge [sflag:s4], $0x1000  }
.Ltmp32:
0x170: {  	s11 =	simm.s32 $0x2080;
	[sflag:s4] =	ssyncset.done $0x0;
	(pc) =	sbr.rel @!p2 .LBB2_39-.Ltmp32, $4  }
0x171: {  	s13 =	simm.s32 @!p3 $0x20;
	s14 =	simm.s32 @!p3 $0x4400;
	[sflag:s4] =	ssyncadd.s32 $0xFFFFF000  }
0x172: {  	[tilespmem:s14], [sflag:$0x3] =	stream.indirect.gather @!p3 [hbm4b:s5+s13], $0x80, s7, s13, $0xb8;
	[tilespmem:$0x1FEE0] =	vst v63  }
0x173: {  	p3 =	sle.s32 s8, $0x3;
	s13 =	simm.s32 $0x5;
	_ =	swait.ge @!p1 [sflag:s16], $0x1000  }
0x174: {  	s14 =	simm.s32 @!p3 $0x2060;
	s7 =	simm.s32 @!p3 $0x5400;
	[sflag:s16] =	ssyncset.done @!p1 $0x0  }
.LBB2_38:
0x175: {  	s10 =	sadd.s32 $0xFFFFFFFF, s10;
	[sflag:s16] =	ssyncadd.s32 @!p1 $0xFFFFF000;
	s16 =	simm.s32 @!p3 $0x20  }
0x176: {  	[tilespmem:s7], [sflag:$0x4] =	stream.indirect.gather @!p3 [hbm4b:s5+s16], $0x80, s14, s16, $0xb8;
	[tilespmem:$0x1FEE0] =	vst v63  }
0x177: {  	p2 =	sne.s32 s10, $0x0;
	s14 =	smov.u32 s11;
	_ =	swait.ge [sflag:s30], $0x1000  }
0x178: {  	[sflag:s30] =	ssyncset.done $0x0  }
0x179: {  	[sflag:s30] =	ssyncadd.s32 $0xFFFFF000  }
0x17a: {  	v4 =	vld [tilespmem:s21+$0xFFFFFFE0];
	_ =	sdelay $0x4  }
0x17b: {  	[tilespmem:$0x6400] =	vst v4  }
0x17c: {  	v4 =	vld [tilespmem:s21+$0xFFFFFFF0];
	_ =	sdelay $0x3  }
0x17d: {  	s7 =	sadd.s32 $0xFFFFFFFE, s13  }
0x17e: {  	p1 =	sge.s32 s7, s8;
	[tilespmem:$0x6410] =	vst v4  }
0x17f: {  	[spmem:s2] =	stream.indirect.scatter.add.f32 [tilespmem:s29], [sflag:$0x5], $0x80, s31, s28, $0xb8;
	[tilespmem:$0x1FEE0] =	vst v63  }
0x180: {  	s7 =	simm.s32 @!p1 $0x4  }
0x181: {  	_ =	swait.ge @!p1 [sflag:s7], $0x1000  }
0x182: {  	[sflag:s7] =	ssyncset.done @!p1 $0x0  }
0x183: {  	[sflag:s7] =	ssyncadd.s32 @!p1 $0xFFFFF000  }
0x184: {  	v4 =	vld @!p1 [tilespmem:s21+$0x0];
	_ =	sdelay $0x4  }
0x185: {  	[tilespmem:$0x6480] =	vst @!p1 v4  }
0x186: {  	v4 =	vld @!p1 [tilespmem:s21+$0x10];
	_ =	sdelay $0x2  }
0x187: {  	s20 =	sadd.s32 $0xFFFFFFFF, s13  }
0x188: {  	s16 =	simm.s32 @!p1 $0x6480;
	s18 =	simm.s32 @!p1 $0x5400;
	s7 =	simm.s32 @!p1 $0x20  }
0x189: {  	p3 =	sge.s32 s20, s8;
	[tilespmem:$0x6490] =	vst @!p1 v4  }
0x18a: {  	[spmem:s2] =	stream.indirect.scatter.add.f32 @!p1 [tilespmem:s18], [sflag:$0x6], $0x80, s16, s7, $0xb8;
	[tilespmem:$0x1FEE0] =	vst v63  }
0x18b: {  	s11 =	sadd.s32 $0x40, s11;
	s7 =	simm.s32 @!p3 $0x20;
	_ =	swait.ge [sflag:s4], $0x1000  }
.Ltmp33:
0x18c: {  	s18 =	simm.s32 @!p3 $0x4400;
	[sflag:s4] =	ssyncset.done $0x0;
	(pc) =	sbr.rel @p2 .LBB2_38-.Ltmp33, $4  }
0x18d: {  	s21 =	sadd.s32 $0x40, s21;
	s16 =	simm.s32 @!p1 $0x6;
	[sflag:s4] =	ssyncadd.s32 $0xFFFFF000  }
0x18e: {  	[tilespmem:s18], [sflag:$0x3] =	stream.indirect.gather @!p3 [hbm4b:s5+s7], $0x80, s14, s7, $0xb8;
	[tilespmem:$0x1FEE0] =	vst v63  }
0x18f: {  	p3 =	sge.s32 s13, s8;
	s13 =	sadd.s32 $0x2, s13;
	_ =	swait.ge @!p1 [sflag:s16], $0x1000  }
0x190: {  	s14 =	sadd.s32 @!p3 $0x20, s14;
	s7 =	simm.s32 @!p3 $0x5400;
	[sflag:s16] =	ssyncset.done @!p1 $0x0  }
.Ltmp34:
0x191: {  	_ = 	snop;
	(pc) =	sbr.rel .LBB2_39-.Ltmp34, $1  }
0x192: {  	_ =	sdelay $0x3  }
.LBB2_32:
.Ltmp35:
0x193: {  	(pc) =	sbr.rel .LBB2_35-.Ltmp35, $2  }
0x194: {  	_ =	sdelay $0x2  }
0x195: {  	_ = 	snop  }
.LBB2_42:
0x196: {  	_ =	sfence.sel $0x180000  }
0x197: {  	[bflag:$0x0] =	sbarrier.arrive $0xFFFF  }
0x198: {  	_ =	strace $0x9000004A  }
0x199: {  	s0 =	stileid.u32;
	[bflag:$0x2] =	sbarrier.arrive $0xFFFF  }
0x19a: {  	p0 =	sne.s32 s0, $0x0;
	s0 =	rddreg [dreg:$0x3]  }
0x19b: {  	s0 =	sadd.s32 @!p0 $0x100000, s0  }
0x19c: {  	[sflag:s0] =	ssyncadd.tile.s32 @!p0 $0x1;
	_ =	shalt  }
.Lfunc_end2:
_tile_overlayer_lowered:
.L_overlay_start_2:
0x19d: {  	(tag) =	ssettag $0x2  }
0x19e: {  	s0 =	rddreg [dreg:$0x0];
	s2 =	stileid.u32  }
0x19f: {  	s1 =	rddreg [dreg:$0x1];
	p0 =	sne.s32 s2, $0x0  }
0x1a0: {  	s3 =	rddreg [dreg:$0x2];
	[bflag:$0x3] =	sbarrier.arrive $0xFFFF;
	s2 =	simm.s32 @!p0 $0x1C07  }
0x1a1: {  	[timem:s3], [sflag:s2] =	dma.local @!p0 [hbm:s0], s1  }
0x1a2: {  	s0 =	simm.s32 @!p0 $0x7  }
0x1a3: {  	_ =	swait.ge @!p0 [sflag:s0], s1  }
0x1a4: {  	s1 =	ssub.s32 @!p0 $0x0, s1;
	[sflag:s0] =	ssyncset.done @!p0 $0x0  }
0x1a5: {  	[sflag:s0] =	ssyncadd.s32 @!p0 s1  }
0x1a6: {  	[bflag:$0x3] =	sbarrier.arrive $0xFFFF  }
0x1a7: {  	_ =	shalt  }

</sc_bundles>
